<compile_context>
chip_gen: v7x
topology: tpu7x:2x2x1
jax: 0.10.2.dev20260603
libtpu: 0.0.44.dev20260713+nightly
codegen_flags: <defaults>
</compile_context>

<pallas_src>
import functools

import jax
import jax.numpy as jnp
from jax import lax
from jax.experimental import pallas as pl
from jax.experimental.pallas import tpu as pltpu
from jax.experimental.pallas import tpu_sc as plsc

N_NODES = 10000
N_EDGES = 320000
IN_DIM = 128
HID_DIM = 64
OUT_DIM = 32

NPAD = 10240
EPAD = 327680
NW = 32
CHUNK = 128
CPT = EPAD // NW // CHUNK
ROWS_PER_TILE = NPAD // 16

_mesh = plsc.VectorSubcoreMesh(core_axis_name="c", subcore_axis_name="s")
_sc_params = pltpu.CompilerParams(
    needs_layout_passes=False, use_tc_tiling_on_sc=False)



@functools.partial(
    pl.kernel,
    mesh=_mesh,
    out_type=jax.ShapeDtypeStruct((NW, NPAD), jnp.float32),
    compiler_params=_sc_params,
    scratch_types=[
        pltpu.VMEM((CPT, CHUNK), jnp.int32),
        pltpu.VMEM((NPAD,), jnp.float32),
    ],
)
def _sc_hist(dst_hbm, out_hbm, dst_v, hist_v):
    c = lax.axis_index("c")
    s = lax.axis_index("s")
    wid = c * 16 + s
    pltpu.sync_copy(dst_hbm.at[wid], dst_v)

    zeros = jnp.zeros((16,), jnp.float32)

    def zbody(i, carry):
        hist_v[pl.ds(i * 16, 16)] = zeros
        return carry

    lax.fori_loop(0, NPAD // 16, zbody, 0)

    ones = jnp.ones((16,), jnp.float32)

    def body(j, carry):
        for k in range(CHUNK // 16):
            idx = dst_v[j, pl.ds(k * 16, 16)]
            plsc.addupdate_scatter(hist_v, [idx], ones)
        return carry

    lax.fori_loop(0, CPT, body, 0)
    pltpu.sync_copy(hist_v, out_hbm.at[wid])


def _make_prop(dim, kgrp):
    ngrp = CPT // kgrp
    assert ngrp % 2 == 0

    @functools.partial(
        pl.kernel,
        mesh=_mesh,
        out_type=jax.ShapeDtypeStruct((2, NPAD, dim), jnp.float32),
        compiler_params=_sc_params,
        scratch_types=[
            pltpu.VMEM((CPT, CHUNK), jnp.int32),
            pltpu.VMEM((CPT, CHUNK), jnp.int32),
            pltpu.VMEM((2 * kgrp, CHUNK, dim), jnp.float32),
            pltpu.VMEM_SHARED((NPAD, dim), jnp.float32),
            pltpu.SemaphoreType.DMA,
            (pltpu.SemaphoreType.DMA, pltpu.SemaphoreType.DMA),
            (pltpu.SemaphoreType.DMA, pltpu.SemaphoreType.DMA),
        ],
    )
    def _prop(src_hbm, dst_hbm, hs_hbm, zeros_hbm, out_hbm,
              src_v, dst_v, rows_v, acc_sh, sem, gsem, ssem):
        c = lax.axis_index("c")
        s = lax.axis_index("s")
        wid = c * 16 + s
        row0 = s * ROWS_PER_TILE

        pltpu.async_copy(zeros_hbm.at[pl.ds(row0, ROWS_PER_TILE)],
                         acc_sh.at[pl.ds(row0, ROWS_PER_TILE)], sem)
        pltpu.async_copy(src_hbm.at[wid], src_v, sem)
        cp = pltpu.make_async_copy(dst_hbm.at[wid], dst_v, sem)
        cp.start()
        pltpu.make_async_copy(zeros_hbm.at[pl.ds(row0, ROWS_PER_TILE)],
                              acc_sh.at[pl.ds(row0, ROWS_PER_TILE)], sem).wait()
        pltpu.make_async_copy(src_hbm.at[wid], src_v, sem).wait()
        cp.wait()
        plsc.subcore_barrier()

        def _gather(j, buf):
            pltpu.async_copy(hs_hbm.at[src_v.at[j]], rows_v.at[buf],
                             gsem[buf // kgrp])

        def _gather_wait(j, buf):
            pltpu.make_async_copy(hs_hbm.at[src_v.at[j]], rows_v.at[buf],
                                  gsem[buf // kgrp]).wait()

        def _scatter(j, buf):
            pltpu.async_copy(rows_v.at[buf], acc_sh.at[dst_v.at[j]],
                             ssem[buf // kgrp], add=True)

        def _scatter_wait(j, buf):
            pltpu.make_async_copy(rows_v.at[buf], acc_sh.at[dst_v.at[j]],
                                  ssem[buf // kgrp]).wait()

        for b in range(kgrp):
            _gather(b, b)

        def body(m, carry):
            base = m * 2 * kgrp

            @pl.when(m >= 1)
            def _():
                for b in range(kgrp):
                    _scatter_wait(base - kgrp + b, kgrp + b)

            for b in range(kgrp):
                _gather(base + kgrp + b, kgrp + b)
            for b in range(kgrp):
                _gather_wait(base + b, b)
            for b in range(kgrp):
                _scatter(base + b, b)

            for b in range(kgrp):
                _scatter_wait(base + b, b)

            @pl.when(m + 1 < ngrp // 2)
            def _():
                for b in range(kgrp):
                    _gather(base + 2 * kgrp + b, b)

            for b in range(kgrp):
                _gather_wait(base + kgrp + b, kgrp + b)
            for b in range(kgrp):
                _scatter(base + kgrp + b, kgrp + b)
            return carry

        lax.fori_loop(0, ngrp // 2, body, 0)
        for b in range(kgrp):
            _scatter_wait((ngrp - 1) * kgrp + b, kgrp + b)
        plsc.subcore_barrier()
        pltpu.sync_copy(acc_sh.at[pl.ds(row0, ROWS_PER_TILE)],
                        out_hbm.at[c, pl.ds(row0, ROWS_PER_TILE)])

    return _prop


_prop64 = _make_prop(HID_DIM, 4)
_prop32 = _make_prop(OUT_DIM, 4)



def _tc_prep_body(hists_ref, x_ref, w1_ref, hs_ref, dinv_ref):
    deg = jnp.sum(hists_ref[...], axis=0) + 1.0
    rows = lax.broadcasted_iota(jnp.int32, (NPAD, 1), 0)
    dinv = jnp.where(rows < N_NODES, lax.rsqrt(deg)[:, None], 0.0)
    h = jnp.dot(x_ref[...], w1_ref[...], preferred_element_type=jnp.float32)
    hs_ref[...] = h * dinv
    dinv_ref[...] = dinv


_tc_prep = pl.pallas_call(
    _tc_prep_body,
    out_shape=(
        jax.ShapeDtypeStruct((NPAD, HID_DIM), jnp.float32),
        jax.ShapeDtypeStruct((NPAD, 1), jnp.float32),
    ),
)


def _tc_combine1_body(p_ref, hs_ref, dinv_ref, b1_ref, w2_ref, hs2_ref):
    t = (p_ref[0] + p_ref[1] + hs_ref[...]) * dinv_ref[...] + b1_ref[...]
    h = jnp.maximum(t, 0.0)
    hs2_ref[...] = jnp.dot(
        h, w2_ref[...], preferred_element_type=jnp.float32) * dinv_ref[...]


_tc_combine1 = pl.pallas_call(
    _tc_combine1_body,
    out_shape=jax.ShapeDtypeStruct((NPAD, OUT_DIM), jnp.float32),
)


def _tc_final_body(p_ref, hs2_ref, dinv_ref, b2_ref, wa_ref, ba_ref, out_ref):
    t = (p_ref[0] + p_ref[1] + hs2_ref[...]) * dinv_ref[...] + b2_ref[...]
    h = jnp.maximum(t, 0.0)
    logit = jnp.sum(h * wa_ref[...], axis=-1, keepdims=True) + ba_ref[...]
    out_ref[...] = h * jax.nn.sigmoid(logit)


_tc_final = pl.pallas_call(
    _tc_final_body,
    out_shape=jax.ShapeDtypeStruct((NPAD, OUT_DIM), jnp.float32),
)



def kernel(x, edge_index, W1, b1, W2, b2, Wa, ba):
    ei = edge_index.astype(jnp.int32)
    pad = N_NODES + jnp.arange(EPAD - N_EDGES, dtype=jnp.int32) % (
        NPAD - N_NODES)
    src = jnp.concatenate([ei[0], pad]).reshape(NW, CPT, CHUNK)
    dst = jnp.concatenate([ei[1], pad]).reshape(NW, CPT, CHUNK)

    hists = _sc_hist(dst)

    x_pad = jnp.pad(x, ((0, NPAD - N_NODES), (0, 0)))
    hs1, dinv = _tc_prep(hists, x_pad, W1)

    p1 = _prop64(src, dst, hs1, jnp.zeros((NPAD, HID_DIM), jnp.float32))
    hs2 = _tc_combine1(p1, hs1, dinv, b1.reshape(1, HID_DIM), W2)

    p2 = _prop32(src, dst, hs2, jnp.zeros((NPAD, OUT_DIM), jnp.float32))
    out = _tc_final(p2, hs2, dinv, b2.reshape(1, OUT_DIM),
                    Wa.reshape(1, OUT_DIM), ba.reshape(1, 1))
    return out[:N_NODES]

# --- scband reference (transcript-rebuilt; emitter-appended) ---
"""Pipeline reference for scband-data-aware-fgcn-17540646437727 (READ-ONLY COPY).

The authoritative reference and input builder live on the scoring server;
editing this copy changes nothing except your own understanding.
"""

import jax, jax.numpy as jnp
import numpy as np

N_NODES = 10000
N_EDGES = 320000
IN_DIM = 128
HID_DIM = 64
OUT_DIM = 32


def setup_inputs(seed: int = 0) -> dict:
    key = jax.random.key(seed)
    ks = jax.random.split(key, 8)
    x = jax.random.normal(ks[0], (N_NODES, IN_DIM), dtype=jnp.float32)
    edge_index = jax.random.randint(ks[1], (2, N_EDGES), 0, N_NODES, dtype=jnp.int64 if jax.config.jax_enable_x64 else jnp.int32)
    W1 = jax.random.normal(ks[2], (IN_DIM, HID_DIM), dtype=jnp.float32) * (1.0 / np.sqrt(IN_DIM))
    b1 = jnp.zeros((HID_DIM,), dtype=jnp.float32)
    W2 = jax.random.normal(ks[3], (HID_DIM, OUT_DIM), dtype=jnp.float32) * (1.0 / np.sqrt(HID_DIM))
    b2 = jnp.zeros((OUT_DIM,), dtype=jnp.float32)
    Wa = jax.random.normal(ks[4], (OUT_DIM, 1), dtype=jnp.float32) * (1.0 / np.sqrt(OUT_DIM))
    ba = jnp.zeros((1,), dtype=jnp.float32)
    return {"x": x, "edge_index": edge_index, "W1": W1, "b1": b1, "W2": W2, "b2": b2, "Wa": Wa, "ba": ba}


def _gcn_conv(x, edge_index, W, b):
    # PyG-style GCNConv: add self loops, symmetric normalization, then scatter-add.
    n = x.shape[0]
    h = x @ W
    loop = jnp.arange(n, dtype=edge_index.dtype)
    src = jnp.concatenate([edge_index[0], loop])
    dst = jnp.concatenate([edge_index[1], loop])
    deg = jax.ops.segment_sum(jnp.ones_like(dst, dtype=h.dtype), dst, num_segments=n)
    deg_inv_sqrt = jnp.where(deg > 0, 1.0 / jnp.sqrt(deg), 0.0)
    norm = deg_inv_sqrt[src] * deg_inv_sqrt[dst]
    msg = h[src] * norm[:, None]
    out = jax.ops.segment_sum(msg, dst, num_segments=n)
    return out + b


def reference(x, edge_index, W1, b1, W2, b2, Wa, ba):
    h = jax.nn.relu(_gcn_conv(x, edge_index, W1, b1))
    h = jax.nn.relu(_gcn_conv(h, edge_index, W2, b2))
    attn = jax.nn.sigmoid(h @ Wa + ba)
    return h * attn

if __name__ == "__main__":
    import jax
    _d = setup_inputs()
    print(jax.jit(kernel)(*tuple(_d.values())))

</pallas_src>

<mosaic_0001>
#map = affine_map<(d0, d1) -> (0, 0, 0)>
#map1 = affine_map<(d0, d1) -> (0, 0)>
module attributes {stable_mosaic.version = 14 : i64} {
  func.func @_prop(%arg0: i32, %arg1: i32, %arg2: memref<32x80x128xi32, #tpu.memory_space<hbm>>, %arg3: memref<32x80x128xi32, #tpu.memory_space<hbm>>, %arg4: memref<10240x32xf32, #tpu.memory_space<hbm>>, %arg5: memref<10240x32xf32, #tpu.memory_space<hbm>>, %arg6: memref<2x10240x32xf32, #tpu.memory_space<hbm>>, %arg7: memref<80x128xi32, #tpu.memory_space<vmem>>, %arg8: memref<80x128xi32, #tpu.memory_space<vmem>>, %arg9: memref<8x128x32xf32, #tpu.memory_space<vmem>>, %arg10: memref<10240x32xf32, #tpu.memory_space<vmem_shared>>, %arg11: memref<!tpu.dma_semaphore, #tpu.memory_space<semaphore_mem>>, %arg12: memref<!tpu.dma_semaphore, #tpu.memory_space<semaphore_mem>>, %arg13: memref<!tpu.dma_semaphore, #tpu.memory_space<semaphore_mem>>, %arg14: memref<!tpu.dma_semaphore, #tpu.memory_space<semaphore_mem>>, %arg15: memref<!tpu.dma_semaphore, #tpu.memory_space<semaphore_mem>>) attributes {dimension_semantics = [#tpu.dimension_semantics<core_parallel>, #tpu.dimension_semantics<subcore_parallel>], iteration_bounds = array<i64: 2, 16>, scalar_prefetch = 0 : i64, scratch_operands = 9 : i64, tpu.core_type = #tpu.core_type<sc_vector_subcore>, window_params = [{transform_indices = #map}, {transform_indices = #map}, {transform_indices = #map1}, {transform_indices = #map1}, {transform_indices = #map}]} {
    %mul3A = arith.constant 16 : i32
    %mul3A_0 = arith.muli %arg0, %mul3A : i32
    %add3A = arith.addi %mul3A_0, %arg1 : i32
    %mul3A_1 = arith.constant 640 : i32
    %mul3A_2 = arith.muli %arg1, %mul3A_1 : i32
    %dma_start3A = arith.constant 0 : i32
    %dma_start3A_3 = tpu.memref_slice %arg10[%mul3A_2, %dma_start3A] : memref<10240x32xf32, #tpu.memory_space<vmem_shared>> -> memref<640x32xf32, #tpu.memory_space<vmem_shared>>
    %dma_start3A_4 = arith.constant 0 : i32
    %dma_start3A_5 = tpu.memref_slice %arg5[%mul3A_2, %dma_start3A_4] : memref<10240x32xf32, #tpu.memory_space<hbm>> -> memref<640x32xf32, #tpu.memory_space<hbm>>
    tpu.enqueue_dma source(%dma_start3A_5 : memref<640x32xf32, #tpu.memory_space<hbm>>) target(%dma_start3A_3 : memref<640x32xf32, #tpu.memory_space<vmem_shared>>) target_semaphore(%arg11 : memref<!tpu.dma_semaphore, #tpu.memory_space<semaphore_mem>>)
    %dma_start3A_6 = arith.constant 0 : i32
    %dma_start3A_7 = arith.constant 0 : i32
    %dma_start3A_8 = tpu.memref_slice %arg2[%add3A, %dma_start3A_6, %dma_start3A_7] : memref<32x80x128xi32, #tpu.memory_space<hbm>> -> memref<1x80x128xi32, #tpu.memory_space<hbm>>
    %dma_start3A_9 = tpu.memref_squeeze %dma_start3A_8 : memref<1x80x128xi32, #tpu.memory_space<hbm>> -> memref<80x128xi32, #tpu.memory_space<hbm>>
    %dma_start3A_10 = arith.constant 0 : i32
    %dma_start3A_11 = arith.constant 0 : i32
    %dma_start3A_12 = tpu.memref_slice %arg2[%add3A, %dma_start3A_10, %dma_start3A_11] : memref<32x80x128xi32, #tpu.memory_space<hbm>> -> memref<1x80x128xi32, #tpu.memory_space<hbm>>
    %dma_start3A_13 = tpu.memref_squeeze %dma_start3A_12 : memref<1x80x128xi32, #tpu.memory_space<hbm>> -> memref<80x128xi32, #tpu.memory_space<hbm>>
    tpu.enqueue_dma source(%dma_start3A_13 : memref<80x128xi32, #tpu.memory_space<hbm>>) target(%arg7 : memref<80x128xi32, #tpu.memory_space<vmem>>) target_semaphore(%arg11 : memref<!tpu.dma_semaphore, #tpu.memory_space<semaphore_mem>>)
    %dma_start3A_14 = arith.constant 0 : i32
    %dma_start3A_15 = arith.constant 0 : i32
    %dma_start3A_16 = tpu.memref_slice %arg3[%add3A, %dma_start3A_14, %dma_start3A_15] : memref<32x80x128xi32, #tpu.memory_space<hbm>> -> memref<1x80x128xi32, #tpu.memory_space<hbm>>
    %dma_start3A_17 = tpu.memref_squeeze %dma_start3A_16 : memref<1x80x128xi32, #tpu.memory_space<hbm>> -> memref<80x128xi32, #tpu.memory_space<hbm>>
    %dma_start3A_18 = arith.constant 0 : i32
    %dma_start3A_19 = arith.constant 0 : i32
    %dma_start3A_20 = tpu.memref_slice %arg3[%add3A, %dma_start3A_18, %dma_start3A_19] : memref<32x80x128xi32, #tpu.memory_space<hbm>> -> memref<1x80x128xi32, #tpu.memory_space<hbm>>
    %dma_start3A_21 = tpu.memref_squeeze %dma_start3A_20 : memref<1x80x128xi32, #tpu.memory_space<hbm>> -> memref<80x128xi32, #tpu.memory_space<hbm>>
    tpu.enqueue_dma source(%dma_start3A_21 : memref<80x128xi32, #tpu.memory_space<hbm>>) target(%arg8 : memref<80x128xi32, #tpu.memory_space<vmem>>) target_semaphore(%arg11 : memref<!tpu.dma_semaphore, #tpu.memory_space<semaphore_mem>>)
    %dma_wait3A = arith.constant 0 : i32
    %dma_wait3A_22 = tpu.memref_slice %arg10[%mul3A_2, %dma_wait3A] : memref<10240x32xf32, #tpu.memory_space<vmem_shared>> -> memref<640x32xf32, #tpu.memory_space<vmem_shared>>
    %dma_wait3A_23 = arith.constant 0 : i32
    %dma_wait3A_24 = tpu.memref_slice %arg5[%mul3A_2, %dma_wait3A_23] : memref<10240x32xf32, #tpu.memory_space<hbm>> -> memref<640x32xf32, #tpu.memory_space<hbm>>
    tpu.wait_dma2 semaphore(%arg11 : memref<!tpu.dma_semaphore, #tpu.memory_space<semaphore_mem>>) src(%dma_wait3A_24 : memref<640x32xf32, #tpu.memory_space<hbm>>) dst(%dma_wait3A_22 : memref<640x32xf32, #tpu.memory_space<vmem_shared>>)
    %dma_wait3A_25 = arith.constant 0 : i32
    %dma_wait3A_26 = arith.constant 0 : i32
    %dma_wait3A_27 = tpu.memref_slice %arg2[%add3A, %dma_wait3A_25, %dma_wait3A_26] : memref<32x80x128xi32, #tpu.memory_space<hbm>> -> memref<1x80x128xi32, #tpu.memory_space<hbm>>
    %dma_wait3A_28 = tpu.memref_squeeze %dma_wait3A_27 : memref<1x80x128xi32, #tpu.memory_space<hbm>> -> memref<80x128xi32, #tpu.memory_space<hbm>>
    %dma_wait3A_29 = arith.constant 0 : i32
    %dma_wait3A_30 = arith.constant 0 : i32
    %dma_wait3A_31 = tpu.memref_slice %arg2[%add3A, %dma_wait3A_29, %dma_wait3A_30] : memref<32x80x128xi32, #tpu.memory_space<hbm>> -> memref<1x80x128xi32, #tpu.memory_space<hbm>>
    %dma_wait3A_32 = tpu.memref_squeeze %dma_wait3A_31 : memref<1x80x128xi32, #tpu.memory_space<hbm>> -> memref<80x128xi32, #tpu.memory_space<hbm>>
    tpu.wait_dma2 semaphore(%arg11 : memref<!tpu.dma_semaphore, #tpu.memory_space<semaphore_mem>>) src(%dma_wait3A_32 : memref<80x128xi32, #tpu.memory_space<hbm>>) dst(%arg7 : memref<80x128xi32, #tpu.memory_space<vmem>>)
    %dma_wait3A_33 = arith.constant 0 : i32
    %dma_wait3A_34 = arith.constant 0 : i32
    %dma_wait3A_35 = tpu.memref_slice %arg3[%add3A, %dma_wait3A_33, %dma_wait3A_34] : memref<32x80x128xi32, #tpu.memory_space<hbm>> -> memref<1x80x128xi32, #tpu.memory_space<hbm>>
    %dma_wait3A_36 = tpu.memref_squeeze %dma_wait3A_35 : memref<1x80x128xi32, #tpu.memory_space<hbm>> -> memref<80x128xi32, #tpu.memory_space<hbm>>
    %dma_wait3A_37 = arith.constant 0 : i32
    %dma_wait3A_38 = arith.constant 0 : i32
    %dma_wait3A_39 = tpu.memref_slice %arg3[%add3A, %dma_wait3A_37, %dma_wait3A_38] : memref<32x80x128xi32, #tpu.memory_space<hbm>> -> memref<1x80x128xi32, #tpu.memory_space<hbm>>
    %dma_wait3A_40 = tpu.memref_squeeze %dma_wait3A_39 : memref<1x80x128xi32, #tpu.memory_space<hbm>> -> memref<80x128xi32, #tpu.memory_space<hbm>>
    tpu.wait_dma2 semaphore(%arg11 : memref<!tpu.dma_semaphore, #tpu.memory_space<semaphore_mem>>) src(%dma_wait3A_40 : memref<80x128xi32, #tpu.memory_space<hbm>>) dst(%arg8 : memref<80x128xi32, #tpu.memory_space<vmem>>)
    %barrier3A = arith.constant 0 : index
    tpu.barrier barrier_id(%barrier3A)
    %dma_start3A_41 = arith.constant 0 : i32
    %dma_start3A_42 = arith.constant 0 : i32
    %dma_start3A_43 = arith.constant 0 : i32
    %dma_start3A_44 = arith.constant 0 : i32
    %dma_start3A_45 = tpu.memref_slice %arg9[%dma_start3A_42, %dma_start3A_43, %dma_start3A_44] : memref<8x128x32xf32, #tpu.memory_space<vmem>> -> memref<1x128x32xf32, #tpu.memory_space<vmem>>
    %dma_start3A_46 = tpu.memref_squeeze %dma_start3A_45 : memref<1x128x32xf32, #tpu.memory_space<vmem>> -> memref<128x32xf32, #tpu.memory_space<vmem>>
    %dma_start3A_47 = arith.constant 0 : i32
    %dma_start3A_48 = tpu.memref_slice %arg7[%dma_start3A_41, %dma_start3A_47] : memref<80x128xi32, #tpu.memory_space<vmem>> -> memref<1x128xi32, #tpu.memory_space<vmem>>
    %dma_start3A_49 = tpu.memref_squeeze %dma_start3A_48 : memref<1x128xi32, #tpu.memory_space<vmem>> -> memref<128xi32, #tpu.memory_space<vmem>>
    %dma_start3A_50 = arith.constant 0 : i32
    %dma_start3A_51 = arith.constant 0 : i32
    %dma_start3A_52 = tpu.memref_slice %arg4[%dma_start3A_50, %dma_start3A_51] : memref<10240x32xf32, #tpu.memory_space<hbm>> -> memref<10240x32xf32, #tpu.memory_space<hbm>>
    tpu.enqueue_indirect_dma source(%dma_start3A_52 : memref<10240x32xf32, #tpu.memory_space<hbm>>) target(%dma_start3A_46 : memref<128x32xf32, #tpu.memory_space<vmem>>) offsets(%dma_start3A_49 : memref<128xi32, #tpu.memory_space<vmem>>) semaphore(%arg12 : memref<!tpu.dma_semaphore, #tpu.memory_space<semaphore_mem>>)
    %dma_start3A_53 = arith.constant 1 : i32
    %dma_start3A_54 = arith.constant 1 : i32
    %dma_start3A_55 = arith.constant 0 : i32
    %dma_start3A_56 = arith.constant 0 : i32
    %dma_start3A_57 = tpu.memref_slice %arg9[%dma_start3A_54, %dma_start3A_55, %dma_start3A_56] : memref<8x128x32xf32, #tpu.memory_space<vmem>> -> memref<1x128x32xf32, #tpu.memory_space<vmem>>
    %dma_start3A_58 = tpu.memref_squeeze %dma_start3A_57 : memref<1x128x32xf32, #tpu.memory_space<vmem>> -> memref<128x32xf32, #tpu.memory_space<vmem>>
    %dma_start3A_59 = arith.constant 0 : i32
    %dma_start3A_60 = tpu.memref_slice %arg7[%dma_start3A_53, %dma_start3A_59] : memref<80x128xi32, #tpu.memory_space<vmem>> -> memref<1x128xi32, #tpu.memory_space<vmem>>
    %dma_start3A_61 = tpu.memref_squeeze %dma_start3A_60 : memref<1x128xi32, #tpu.memory_space<vmem>> -> memref<128xi32, #tpu.memory_space<vmem>>
    %dma_start3A_62 = arith.constant 0 : i32
    %dma_start3A_63 = arith.constant 0 : i32
    %dma_start3A_64 = tpu.memref_slice %arg4[%dma_start3A_62, %dma_start3A_63] : memref<10240x32xf32, #tpu.memory_space<hbm>> -> memref<10240x32xf32, #tpu.memory_space<hbm>>
    tpu.enqueue_indirect_dma source(%dma_start3A_64 : memref<10240x32xf32, #tpu.memory_space<hbm>>) target(%dma_start3A_58 : memref<128x32xf32, #tpu.memory_space<vmem>>) offsets(%dma_start3A_61 : memref<128xi32, #tpu.memory_space<vmem>>) semaphore(%arg12 : memref<!tpu.dma_semaphore, #tpu.memory_space<semaphore_mem>>)
    %dma_start3A_65 = arith.constant 2 : i32
    %dma_start3A_66 = arith.constant 2 : i32
    %dma_start3A_67 = arith.constant 0 : i32
    %dma_start3A_68 = arith.constant 0 : i32
    %dma_start3A_69 = tpu.memref_slice %arg9[%dma_start3A_66, %dma_start3A_67, %dma_start3A_68] : memref<8x128x32xf32, #tpu.memory_space<vmem>> -> memref<1x128x32xf32, #tpu.memory_space<vmem>>
    %dma_start3A_70 = tpu.memref_squeeze %dma_start3A_69 : memref<1x128x32xf32, #tpu.memory_space<vmem>> -> memref<128x32xf32, #tpu.memory_space<vmem>>
    %dma_start3A_71 = arith.constant 0 : i32
    %dma_start3A_72 = tpu.memref_slice %arg7[%dma_start3A_65, %dma_start3A_71] : memref<80x128xi32, #tpu.memory_space<vmem>> -> memref<1x128xi32, #tpu.memory_space<vmem>>
    %dma_start3A_73 = tpu.memref_squeeze %dma_start3A_72 : memref<1x128xi32, #tpu.memory_space<vmem>> -> memref<128xi32, #tpu.memory_space<vmem>>
    %dma_start3A_74 = arith.constant 0 : i32
    %dma_start3A_75 = arith.constant 0 : i32
    %dma_start3A_76 = tpu.memref_slice %arg4[%dma_start3A_74, %dma_start3A_75] : memref<10240x32xf32, #tpu.memory_space<hbm>> -> memref<10240x32xf32, #tpu.memory_space<hbm>>
    tpu.enqueue_indirect_dma source(%dma_start3A_76 : memref<10240x32xf32, #tpu.memory_space<hbm>>) target(%dma_start3A_70 : memref<128x32xf32, #tpu.memory_space<vmem>>) offsets(%dma_start3A_73 : memref<128xi32, #tpu.memory_space<vmem>>) semaphore(%arg12 : memref<!tpu.dma_semaphore, #tpu.memory_space<semaphore_mem>>)
    %dma_start3A_77 = arith.constant 3 : i32
    %dma_start3A_78 = arith.constant 3 : i32
    %dma_start3A_79 = arith.constant 0 : i32
    %dma_start3A_80 = arith.constant 0 : i32
    %dma_start3A_81 = tpu.memref_slice %arg9[%dma_start3A_78, %dma_start3A_79, %dma_start3A_80] : memref<8x128x32xf32, #tpu.memory_space<vmem>> -> memref<1x128x32xf32, #tpu.memory_space<vmem>>
    %dma_start3A_82 = tpu.memref_squeeze %dma_start3A_81 : memref<1x128x32xf32, #tpu.memory_space<vmem>> -> memref<128x32xf32, #tpu.memory_space<vmem>>
    %dma_start3A_83 = arith.constant 0 : i32
    %dma_start3A_84 = tpu.memref_slice %arg7[%dma_start3A_77, %dma_start3A_83] : memref<80x128xi32, #tpu.memory_space<vmem>> -> memref<1x128xi32, #tpu.memory_space<vmem>>
    %dma_start3A_85 = tpu.memref_squeeze %dma_start3A_84 : memref<1x128xi32, #tpu.memory_space<vmem>> -> memref<128xi32, #tpu.memory_space<vmem>>
    %dma_start3A_86 = arith.constant 0 : i32
    %dma_start3A_87 = arith.constant 0 : i32
    %dma_start3A_88 = tpu.memref_slice %arg4[%dma_start3A_86, %dma_start3A_87] : memref<10240x32xf32, #tpu.memory_space<hbm>> -> memref<10240x32xf32, #tpu.memory_space<hbm>>
    tpu.enqueue_indirect_dma source(%dma_start3A_88 : memref<10240x32xf32, #tpu.memory_space<hbm>>) target(%dma_start3A_82 : memref<128x32xf32, #tpu.memory_space<vmem>>) offsets(%dma_start3A_85 : memref<128xi32, #tpu.memory_space<vmem>>) semaphore(%arg12 : memref<!tpu.dma_semaphore, #tpu.memory_space<semaphore_mem>>)
    %scan3A = arith.constant 0 : i32
    %scan3A_89 = arith.constant 0 : i32
    %scan3A_90 = arith.constant 10 : i32
    %scan3A_91 = arith.addi %scan3A_89, %scan3A_90 : i32
    %scan3A_92 = arith.constant 1 : i32
    scf.for %scan3A_143 = %scan3A_89 to %scan3A_91 step %scan3A_92  : i32 {
      %mul3A_144 = arith.constant 2 : i32
      %mul3A_145 = arith.muli %scan3A_143, %mul3A_144 : i32
      %mul3A_146 = arith.constant 4 : i32
      %mul3A_147 = arith.muli %mul3A_145, %mul3A_146 : i32
      %ge3A = arith.constant 1 : i32
      %ge3A_148 = arith.cmpi sge, %scan3A_143, %ge3A : i32
      %convert_element_type3A = arith.extui %ge3A_148 : i1 to i32
      %cond3A = arith.constant 0 : i32
      %cond3A_149 = arith.cmpi ne, %convert_element_type3A, %cond3A : i32
      scf.if %cond3A_149 {
        %sub3A = arith.constant 4 : i32
        %sub3A_492 = arith.subi %mul3A_147, %sub3A : i32
        %add3A_493 = arith.constant 0 : i32
        %add3A_494 = arith.addi %sub3A_492, %add3A_493 : i32
        %dma_wait3A_495 = arith.constant 4 : i32
        %dma_wait3A_496 = arith.constant 0 : i32
        %dma_wait3A_497 = arith.constant 0 : i32
        %dma_wait3A_498 = tpu.memref_slice %arg9[%dma_wait3A_495, %dma_wait3A_496, %dma_wait3A_497] : memref<8x128x32xf32, #tpu.memory_space<vmem>> -> memref<1x128x32xf32, #tpu.memory_space<vmem>>
        %dma_wait3A_499 = tpu.memref_squeeze %dma_wait3A_498 : memref<1x128x32xf32, #tpu.memory_space<vmem>> -> memref<128x32xf32, #tpu.memory_space<vmem>>
        %dma_wait3A_500 = arith.constant 0 : i32
        %dma_wait3A_501 = tpu.memref_slice %arg8[%add3A_494, %dma_wait3A_500] : memref<80x128xi32, #tpu.memory_space<vmem>> -> memref<1x128xi32, #tpu.memory_space<vmem>>
        %dma_wait3A_502 = tpu.memref_squeeze %dma_wait3A_501 : memref<1x128xi32, #tpu.memory_space<vmem>> -> memref<128xi32, #tpu.memory_space<vmem>>
        %dma_wait3A_503 = arith.constant 0 : i32
        %dma_wait3A_504 = arith.constant 0 : i32
        %dma_wait3A_505 = tpu.memref_slice %arg10[%dma_wait3A_503, %dma_wait3A_504] : memref<10240x32xf32, #tpu.memory_space<vmem_shared>> -> memref<10240x32xf32, #tpu.memory_space<vmem_shared>>
        tpu.wait_indirect_dma semaphore(%arg15 : memref<!tpu.dma_semaphore, #tpu.memory_space<semaphore_mem>>) src(%dma_wait3A_499 : memref<128x32xf32, #tpu.memory_space<vmem>>) dst(%dma_wait3A_505 : memref<10240x32xf32, #tpu.memory_space<vmem_shared>>)
        %sub3A_506 = arith.constant 4 : i32
        %sub3A_507 = arith.subi %mul3A_147, %sub3A_506 : i32
        %add3A_508 = arith.constant 1 : i32
        %add3A_509 = arith.addi %sub3A_507, %add3A_508 : i32
        %dma_wait3A_510 = arith.constant 5 : i32
        %dma_wait3A_511 = arith.constant 0 : i32
        %dma_wait3A_512 = arith.constant 0 : i32
        %dma_wait3A_513 = tpu.memref_slice %arg9[%dma_wait3A_510, %dma_wait3A_511, %dma_wait3A_512] : memref<8x128x32xf32, #tpu.memory_space<vmem>> -> memref<1x128x32xf32, #tpu.memory_space<vmem>>
        %dma_wait3A_514 = tpu.memref_squeeze %dma_wait3A_513 : memref<1x128x32xf32, #tpu.memory_space<vmem>> -> memref<128x32xf32, #tpu.memory_space<vmem>>
        %dma_wait3A_515 = arith.constant 0 : i32
        %dma_wait3A_516 = tpu.memref_slice %arg8[%add3A_509, %dma_wait3A_515] : memref<80x128xi32, #tpu.memory_space<vmem>> -> memref<1x128xi32, #tpu.memory_space<vmem>>
        %dma_wait3A_517 = tpu.memref_squeeze %dma_wait3A_516 : memref<1x128xi32, #tpu.memory_space<vmem>> -> memref<128xi32, #tpu.memory_space<vmem>>
        %dma_wait3A_518 = arith.constant 0 : i32
        %dma_wait3A_519 = arith.constant 0 : i32
        %dma_wait3A_520 = tpu.memref_slice %arg10[%dma_wait3A_518, %dma_wait3A_519] : memref<10240x32xf32, #tpu.memory_space<vmem_shared>> -> memref<10240x32xf32, #tpu.memory_space<vmem_shared>>
        tpu.wait_indirect_dma semaphore(%arg15 : memref<!tpu.dma_semaphore, #tpu.memory_space<semaphore_mem>>) src(%dma_wait3A_514 : memref<128x32xf32, #tpu.memory_space<vmem>>) dst(%dma_wait3A_520 : memref<10240x32xf32, #tpu.memory_space<vmem_shared>>)
        %sub3A_521 = arith.constant 4 : i32
        %sub3A_522 = arith.subi %mul3A_147, %sub3A_521 : i32
        %add3A_523 = arith.constant 2 : i32
        %add3A_524 = arith.addi %sub3A_522, %add3A_523 : i32
        %dma_wait3A_525 = arith.constant 6 : i32
        %dma_wait3A_526 = arith.constant 0 : i32
        %dma_wait3A_527 = arith.constant 0 : i32
        %dma_wait3A_528 = tpu.memref_slice %arg9[%dma_wait3A_525, %dma_wait3A_526, %dma_wait3A_527] : memref<8x128x32xf32, #tpu.memory_space<vmem>> -> memref<1x128x32xf32, #tpu.memory_space<vmem>>
        %dma_wait3A_529 = tpu.memref_squeeze %dma_wait3A_528 : memref<1x128x32xf32, #tpu.memory_space<vmem>> -> memref<128x32xf32, #tpu.memory_space<vmem>>
        %dma_wait3A_530 = arith.constant 0 : i32
        %dma_wait3A_531 = tpu.memref_slice %arg8[%add3A_524, %dma_wait3A_530] : memref<80x128xi32, #tpu.memory_space<vmem>> -> memref<1x128xi32, #tpu.memory_space<vmem>>
        %dma_wait3A_532 = tpu.memref_squeeze %dma_wait3A_531 : memref<1x128xi32, #tpu.memory_space<vmem>> -> memref<128xi32, #tpu.memory_space<vmem>>
        %dma_wait3A_533 = arith.constant 0 : i32
        %dma_wait3A_534 = arith.constant 0 : i32
        %dma_wait3A_535 = tpu.memref_slice %arg10[%dma_wait3A_533, %dma_wait3A_534] : memref<10240x32xf32, #tpu.memory_space<vmem_shared>> -> memref<10240x32xf32, #tpu.memory_space<vmem_shared>>
        tpu.wait_indirect_dma semaphore(%arg15 : memref<!tpu.dma_semaphore, #tpu.memory_space<semaphore_mem>>) src(%dma_wait3A_529 : memref<128x32xf32, #tpu.memory_space<vmem>>) dst(%dma_wait3A_535 : memref<10240x32xf32, #tpu.memory_space<vmem_shared>>)
        %sub3A_536 = arith.constant 4 : i32
        %sub3A_537 = arith.subi %mul3A_147, %sub3A_536 : i32
        %add3A_538 = arith.constant 3 : i32
        %add3A_539 = arith.addi %sub3A_537, %add3A_538 : i32
        %dma_wait3A_540 = arith.constant 7 : i32
        %dma_wait3A_541 = arith.constant 0 : i32
        %dma_wait3A_542 = arith.constant 0 : i32
        %dma_wait3A_543 = tpu.memref_slice %arg9[%dma_wait3A_540, %dma_wait3A_541, %dma_wait3A_542] : memref<8x128x32xf32, #tpu.memory_space<vmem>> -> memref<1x128x32xf32, #tpu.memory_space<vmem>>
        %dma_wait3A_544 = tpu.memref_squeeze %dma_wait3A_543 : memref<1x128x32xf32, #tpu.memory_space<vmem>> -> memref<128x32xf32, #tpu.memory_space<vmem>>
        %dma_wait3A_545 = arith.constant 0 : i32
        %dma_wait3A_546 = tpu.memref_slice %arg8[%add3A_539, %dma_wait3A_545] : memref<80x128xi32, #tpu.memory_space<vmem>> -> memref<1x128xi32, #tpu.memory_space<vmem>>
        %dma_wait3A_547 = tpu.memref_squeeze %dma_wait3A_546 : memref<1x128xi32, #tpu.memory_space<vmem>> -> memref<128xi32, #tpu.memory_space<vmem>>
        %dma_wait3A_548 = arith.constant 0 : i32
        %dma_wait3A_549 = arith.constant 0 : i32
        %dma_wait3A_550 = tpu.memref_slice %arg10[%dma_wait3A_548, %dma_wait3A_549] : memref<10240x32xf32, #tpu.memory_space<vmem_shared>> -> memref<10240x32xf32, #tpu.memory_space<vmem_shared>>
        tpu.wait_indirect_dma semaphore(%arg15 : memref<!tpu.dma_semaphore, #tpu.memory_space<semaphore_mem>>) src(%dma_wait3A_544 : memref<128x32xf32, #tpu.memory_space<vmem>>) dst(%dma_wait3A_550 : memref<10240x32xf32, #tpu.memory_space<vmem_shared>>)
      } else {
      }
      %add3A_150 = arith.constant 4 : i32
      %add3A_151 = arith.addi %mul3A_147, %add3A_150 : i32
      %add3A_152 = arith.constant 0 : i32
      %add3A_153 = arith.addi %add3A_151, %add3A_152 : i32
      %dma_start3A_154 = arith.constant 4 : i32
      %dma_start3A_155 = arith.constant 0 : i32
      %dma_start3A_156 = arith.constant 0 : i32
      %dma_start3A_157 = tpu.memref_slice %arg9[%dma_start3A_154, %dma_start3A_155, %dma_start3A_156] : memref<8x128x32xf32, #tpu.memory_space<vmem>> -> memref<1x128x32xf32, #tpu.memory_space<vmem>>
      %dma_start3A_158 = tpu.memref_squeeze %dma_start3A_157 : memref<1x128x32xf32, #tpu.memory_space<vmem>> -> memref<128x32xf32, #tpu.memory_space<vmem>>
      %dma_start3A_159 = arith.constant 0 : i32
      %dma_start3A_160 = tpu.memref_slice %arg7[%add3A_153, %dma_start3A_159] : memref<80x128xi32, #tpu.memory_space<vmem>> -> memref<1x128xi32, #tpu.memory_space<vmem>>
      %dma_start3A_161 = tpu.memref_squeeze %dma_start3A_160 : memref<1x128xi32, #tpu.memory_space<vmem>> -> memref<128xi32, #tpu.memory_space<vmem>>
      %dma_start3A_162 = arith.constant 0 : i32
      %dma_start3A_163 = arith.constant 0 : i32
      %dma_start3A_164 = tpu.memref_slice %arg4[%dma_start3A_162, %dma_start3A_163] : memref<10240x32xf32, #tpu.memory_space<hbm>> -> memref<10240x32xf32, #tpu.memory_space<hbm>>
      tpu.enqueue_indirect_dma source(%dma_start3A_164 : memref<10240x32xf32, #tpu.memory_space<hbm>>) target(%dma_start3A_158 : memref<128x32xf32, #tpu.memory_space<vmem>>) offsets(%dma_start3A_161 : memref<128xi32, #tpu.memory_space<vmem>>) semaphore(%arg13 : memref<!tpu.dma_semaphore, #tpu.memory_space<semaphore_mem>>)
      %add3A_165 = arith.constant 4 : i32
      %add3A_166 = arith.addi %mul3A_147, %add3A_165 : i32
      %add3A_167 = arith.constant 1 : i32
      %add3A_168 = arith.addi %add3A_166, %add3A_167 : i32
      %dma_start3A_169 = arith.constant 5 : i32
      %dma_start3A_170 = arith.constant 0 : i32
      %dma_start3A_171 = arith.constant 0 : i32
      %dma_start3A_172 = tpu.memref_slice %arg9[%dma_start3A_169, %dma_start3A_170, %dma_start3A_171] : memref<8x128x32xf32, #tpu.memory_space<vmem>> -> memref<1x128x32xf32, #tpu.memory_space<vmem>>
      %dma_start3A_173 = tpu.memref_squeeze %dma_start3A_172 : memref<1x128x32xf32, #tpu.memory_space<vmem>> -> memref<128x32xf32, #tpu.memory_space<vmem>>
      %dma_start3A_174 = arith.constant 0 : i32
      %dma_start3A_175 = tpu.memref_slice %arg7[%add3A_168, %dma_start3A_174] : memref<80x128xi32, #tpu.memory_space<vmem>> -> memref<1x128xi32, #tpu.memory_space<vmem>>
      %dma_start3A_176 = tpu.memref_squeeze %dma_start3A_175 : memref<1x128xi32, #tpu.memory_space<vmem>> -> memref<128xi32, #tpu.memory_space<vmem>>
      %dma_start3A_177 = arith.constant 0 : i32
      %dma_start3A_178 = arith.constant 0 : i32
      %dma_start3A_179 = tpu.memref_slice %arg4[%dma_start3A_177, %dma_start3A_178] : memref<10240x32xf32, #tpu.memory_space<hbm>> -> memref<10240x32xf32, #tpu.memory_space<hbm>>
      tpu.enqueue_indirect_dma source(%dma_start3A_179 : memref<10240x32xf32, #tpu.memory_space<hbm>>) target(%dma_start3A_173 : memref<128x32xf32, #tpu.memory_space<vmem>>) offsets(%dma_start3A_176 : memref<128xi32, #tpu.memory_space<vmem>>) semaphore(%arg13 : memref<!tpu.dma_semaphore, #tpu.memory_space<semaphore_mem>>)
      %add3A_180 = arith.constant 4 : i32
      %add3A_181 = arith.addi %mul3A_147, %add3A_180 : i32
      %add3A_182 = arith.constant 2 : i32
      %add3A_183 = arith.addi %add3A_181, %add3A_182 : i32
      %dma_start3A_184 = arith.constant 6 : i32
      %dma_start3A_185 = arith.constant 0 : i32
      %dma_start3A_186 = arith.constant 0 : i32
      %dma_start3A_187 = tpu.memref_slice %arg9[%dma_start3A_184, %dma_start3A_185, %dma_start3A_186] : memref<8x128x32xf32, #tpu.memory_space<vmem>> -> memref<1x128x32xf32, #tpu.memory_space<vmem>>
      %dma_start3A_188 = tpu.memref_squeeze %dma_start3A_187 : memref<1x128x32xf32, #tpu.memory_space<vmem>> -> memref<128x32xf32, #tpu.memory_space<vmem>>
      %dma_start3A_189 = arith.constant 0 : i32
      %dma_start3A_190 = tpu.memref_slice %arg7[%add3A_183, %dma_start3A_189] : memref<80x128xi32, #tpu.memory_space<vmem>> -> memref<1x128xi32, #tpu.memory_space<vmem>>
      %dma_start3A_191 = tpu.memref_squeeze %dma_start3A_190 : memref<1x128xi32, #tpu.memory_space<vmem>> -> memref<128xi32, #tpu.memory_space<vmem>>
      %dma_start3A_192 = arith.constant 0 : i32
      %dma_start3A_193 = arith.constant 0 : i32
      %dma_start3A_194 = tpu.memref_slice %arg4[%dma_start3A_192, %dma_start3A_193] : memref<10240x32xf32, #tpu.memory_space<hbm>> -> memref<10240x32xf32, #tpu.memory_space<hbm>>
      tpu.enqueue_indirect_dma source(%dma_start3A_194 : memref<10240x32xf32, #tpu.memory_space<hbm>>) target(%dma_start3A_188 : memref<128x32xf32, #tpu.memory_space<vmem>>) offsets(%dma_start3A_191 : memref<128xi32, #tpu.memory_space<vmem>>) semaphore(%arg13 : memref<!tpu.dma_semaphore, #tpu.memory_space<semaphore_mem>>)
      %add3A_195 = arith.constant 4 : i32
      %add3A_196 = arith.addi %mul3A_147, %add3A_195 : i32
      %add3A_197 = arith.constant 3 : i32
      %add3A_198 = arith.addi %add3A_196, %add3A_197 : i32
      %dma_start3A_199 = arith.constant 7 : i32
      %dma_start3A_200 = arith.constant 0 : i32
      %dma_start3A_201 = arith.constant 0 : i32
      %dma_start3A_202 = tpu.memref_slice %arg9[%dma_start3A_199, %dma_start3A_200, %dma_start3A_201] : memref<8x128x32xf32, #tpu.memory_space<vmem>> -> memref<1x128x32xf32, #tpu.memory_space<vmem>>
      %dma_start3A_203 = tpu.memref_squeeze %dma_start3A_202 : memref<1x128x32xf32, #tpu.memory_space<vmem>> -> memref<128x32xf32, #tpu.memory_space<vmem>>
      %dma_start3A_204 = arith.constant 0 : i32
      %dma_start3A_205 = tpu.memref_slice %arg7[%add3A_198, %dma_start3A_204] : memref<80x128xi32, #tpu.memory_space<vmem>> -> memref<1x128xi32, #tpu.memory_space<vmem>>
      %dma_start3A_206 = tpu.memref_squeeze %dma_start3A_205 : memref<1x128xi32, #tpu.memory_space<vmem>> -> memref<128xi32, #tpu.memory_space<vmem>>
      %dma_start3A_207 = arith.constant 0 : i32
      %dma_start3A_208 = arith.constant 0 : i32
      %dma_start3A_209 = tpu.memref_slice %arg4[%dma_start3A_207, %dma_start3A_208] : memref<10240x32xf32, #tpu.memory_space<hbm>> -> memref<10240x32xf32, #tpu.memory_space<hbm>>
      tpu.enqueue_indirect_dma source(%dma_start3A_209 : memref<10240x32xf32, #tpu.memory_space<hbm>>) target(%dma_start3A_203 : memref<128x32xf32, #tpu.memory_space<vmem>>) offsets(%dma_start3A_206 : memref<128xi32, #tpu.memory_space<vmem>>) semaphore(%arg13 : memref<!tpu.dma_semaphore, #tpu.memory_space<semaphore_mem>>)
      %add3A_210 = arith.constant 0 : i32
      %add3A_211 = arith.addi %mul3A_147, %add3A_210 : i32
      %dma_wait3A_212 = arith.constant 0 : i32
      %dma_wait3A_213 = arith.constant 0 : i32
      %dma_wait3A_214 = arith.constant 0 : i32
      %dma_wait3A_215 = tpu.memref_slice %arg9[%dma_wait3A_212, %dma_wait3A_213, %dma_wait3A_214] : memref<8x128x32xf32, #tpu.memory_space<vmem>> -> memref<1x128x32xf32, #tpu.memory_space<vmem>>
      %dma_wait3A_216 = tpu.memref_squeeze %dma_wait3A_215 : memref<1x128x32xf32, #tpu.memory_space<vmem>> -> memref<128x32xf32, #tpu.memory_space<vmem>>
      %dma_wait3A_217 = arith.constant 0 : i32
      %dma_wait3A_218 = tpu.memref_slice %arg7[%add3A_211, %dma_wait3A_217] : memref<80x128xi32, #tpu.memory_space<vmem>> -> memref<1x128xi32, #tpu.memory_space<vmem>>
      %dma_wait3A_219 = tpu.memref_squeeze %dma_wait3A_218 : memref<1x128xi32, #tpu.memory_space<vmem>> -> memref<128xi32, #tpu.memory_space<vmem>>
      %dma_wait3A_220 = arith.constant 0 : i32
      %dma_wait3A_221 = arith.constant 0 : i32
      %dma_wait3A_222 = tpu.memref_slice %arg4[%dma_wait3A_220, %dma_wait3A_221] : memref<10240x32xf32, #tpu.memory_space<hbm>> -> memref<10240x32xf32, #tpu.memory_space<hbm>>
      tpu.wait_indirect_dma semaphore(%arg12 : memref<!tpu.dma_semaphore, #tpu.memory_space<semaphore_mem>>) src(%dma_wait3A_222 : memref<10240x32xf32, #tpu.memory_space<hbm>>) dst(%dma_wait3A_216 : memref<128x32xf32, #tpu.memory_space<vmem>>)
      %add3A_223 = arith.constant 1 : i32
      %add3A_224 = arith.addi %mul3A_147, %add3A_223 : i32
      %dma_wait3A_225 = arith.constant 1 : i32
      %dma_wait3A_226 = arith.constant 0 : i32
      %dma_wait3A_227 = arith.constant 0 : i32
      %dma_wait3A_228 = tpu.memref_slice %arg9[%dma_wait3A_225, %dma_wait3A_226, %dma_wait3A_227] : memref<8x128x32xf32, #tpu.memory_space<vmem>> -> memref<1x128x32xf32, #tpu.memory_space<vmem>>
      %dma_wait3A_229 = tpu.memref_squeeze %dma_wait3A_228 : memref<1x128x32xf32, #tpu.memory_space<vmem>> -> memref<128x32xf32, #tpu.memory_space<vmem>>
      %dma_wait3A_230 = arith.constant 0 : i32
      %dma_wait3A_231 = tpu.memref_slice %arg7[%add3A_224, %dma_wait3A_230] : memref<80x128xi32, #tpu.memory_space<vmem>> -> memref<1x128xi32, #tpu.memory_space<vmem>>
      %dma_wait3A_232 = tpu.memref_squeeze %dma_wait3A_231 : memref<1x128xi32, #tpu.memory_space<vmem>> -> memref<128xi32, #tpu.memory_space<vmem>>
      %dma_wait3A_233 = arith.constant 0 : i32
      %dma_wait3A_234 = arith.constant 0 : i32
      %dma_wait3A_235 = tpu.memref_slice %arg4[%dma_wait3A_233, %dma_wait3A_234] : memref<10240x32xf32, #tpu.memory_space<hbm>> -> memref<10240x32xf32, #tpu.memory_space<hbm>>
      tpu.wait_indirect_dma semaphore(%arg12 : memref<!tpu.dma_semaphore, #tpu.memory_space<semaphore_mem>>) src(%dma_wait3A_235 : memref<10240x32xf32, #tpu.memory_space<hbm>>) dst(%dma_wait3A_229 : memref<128x32xf32, #tpu.memory_space<vmem>>)
      %add3A_236 = arith.constant 2 : i32
      %add3A_237 = arith.addi %mul3A_147, %add3A_236 : i32
      %dma_wait3A_238 = arith.constant 2 : i32
      %dma_wait3A_239 = arith.constant 0 : i32
      %dma_wait3A_240 = arith.constant 0 : i32
      %dma_wait3A_241 = tpu.memref_slice %arg9[%dma_wait3A_238, %dma_wait3A_239, %dma_wait3A_240] : memref<8x128x32xf32, #tpu.memory_space<vmem>> -> memref<1x128x32xf32, #tpu.memory_space<vmem>>
      %dma_wait3A_242 = tpu.memref_squeeze %dma_wait3A_241 : memref<1x128x32xf32, #tpu.memory_space<vmem>> -> memref<128x32xf32, #tpu.memory_space<vmem>>
      %dma_wait3A_243 = arith.constant 0 : i32
      %dma_wait3A_244 = tpu.memref_slice %arg7[%add3A_237, %dma_wait3A_243] : memref<80x128xi32, #tpu.memory_space<vmem>> -> memref<1x128xi32, #tpu.memory_space<vmem>>
      %dma_wait3A_245 = tpu.memref_squeeze %dma_wait3A_244 : memref<1x128xi32, #tpu.memory_space<vmem>> -> memref<128xi32, #tpu.memory_space<vmem>>
      %dma_wait3A_246 = arith.constant 0 : i32
      %dma_wait3A_247 = arith.constant 0 : i32
      %dma_wait3A_248 = tpu.memref_slice %arg4[%dma_wait3A_246, %dma_wait3A_247] : memref<10240x32xf32, #tpu.memory_space<hbm>> -> memref<10240x32xf32, #tpu.memory_space<hbm>>
      tpu.wait_indirect_dma semaphore(%arg12 : memref<!tpu.dma_semaphore, #tpu.memory_space<semaphore_mem>>) src(%dma_wait3A_248 : memref<10240x32xf32, #tpu.memory_space<hbm>>) dst(%dma_wait3A_242 : memref<128x32xf32, #tpu.memory_space<vmem>>)
      %add3A_249 = arith.constant 3 : i32
      %add3A_250 = arith.addi %mul3A_147, %add3A_249 : i32
      %dma_wait3A_251 = arith.constant 3 : i32
      %dma_wait3A_252 = arith.constant 0 : i32
      %dma_wait3A_253 = arith.constant 0 : i32
      %dma_wait3A_254 = tpu.memref_slice %arg9[%dma_wait3A_251, %dma_wait3A_252, %dma_wait3A_253] : memref<8x128x32xf32, #tpu.memory_space<vmem>> -> memref<1x128x32xf32, #tpu.memory_space<vmem>>
      %dma_wait3A_255 = tpu.memref_squeeze %dma_wait3A_254 : memref<1x128x32xf32, #tpu.memory_space<vmem>> -> memref<128x32xf32, #tpu.memory_space<vmem>>
      %dma_wait3A_256 = arith.constant 0 : i32
      %dma_wait3A_257 = tpu.memref_slice %arg7[%add3A_250, %dma_wait3A_256] : memref<80x128xi32, #tpu.memory_space<vmem>> -> memref<1x128xi32, #tpu.memory_space<vmem>>
      %dma_wait3A_258 = tpu.memref_squeeze %dma_wait3A_257 : memref<1x128xi32, #tpu.memory_space<vmem>> -> memref<128xi32, #tpu.memory_space<vmem>>
      %dma_wait3A_259 = arith.constant 0 : i32
      %dma_wait3A_260 = arith.constant 0 : i32
      %dma_wait3A_261 = tpu.memref_slice %arg4[%dma_wait3A_259, %dma_wait3A_260] : memref<10240x32xf32, #tpu.memory_space<hbm>> -> memref<10240x32xf32, #tpu.memory_space<hbm>>
      tpu.wait_indirect_dma semaphore(%arg12 : memref<!tpu.dma_semaphore, #tpu.memory_space<semaphore_mem>>) src(%dma_wait3A_261 : memref<10240x32xf32, #tpu.memory_space<hbm>>) dst(%dma_wait3A_255 : memref<128x32xf32, #tpu.memory_space<vmem>>)
      %add3A_262 = arith.constant 0 : i32
      %add3A_263 = arith.addi %mul3A_147, %add3A_262 : i32
      %dma_start3A_264 = arith.constant 0 : i32
      %dma_start3A_265 = arith.constant 0 : i32
      %dma_start3A_266 = arith.constant 0 : i32
      %dma_start3A_267 = tpu.memref_slice %arg9[%dma_start3A_264, %dma_start3A_265, %dma_start3A_266] : memref<8x128x32xf32, #tpu.memory_space<vmem>> -> memref<1x128x32xf32, #tpu.memory_space<vmem>>
      %dma_start3A_268 = tpu.memref_squeeze %dma_start3A_267 : memref<1x128x32xf32, #tpu.memory_space<vmem>> -> memref<128x32xf32, #tpu.memory_space<vmem>>
      %dma_start3A_269 = arith.constant 0 : i32
      %dma_start3A_270 = tpu.memref_slice %arg8[%add3A_263, %dma_start3A_269] : memref<80x128xi32, #tpu.memory_space<vmem>> -> memref<1x128xi32, #tpu.memory_space<vmem>>
      %dma_start3A_271 = tpu.memref_squeeze %dma_start3A_270 : memref<1x128xi32, #tpu.memory_space<vmem>> -> memref<128xi32, #tpu.memory_space<vmem>>
      %dma_start3A_272 = arith.constant 0 : i32
      %dma_start3A_273 = arith.constant 0 : i32
      %dma_start3A_274 = tpu.memref_slice %arg10[%dma_start3A_272, %dma_start3A_273] : memref<10240x32xf32, #tpu.memory_space<vmem_shared>> -> memref<10240x32xf32, #tpu.memory_space<vmem_shared>>
      tpu.enqueue_indirect_dma source(%dma_start3A_268 : memref<128x32xf32, #tpu.memory_space<vmem>>) target(%dma_start3A_274 : memref<10240x32xf32, #tpu.memory_space<vmem_shared>>) offsets(%dma_start3A_271 : memref<128xi32, #tpu.memory_space<vmem>>) semaphore(%arg14 : memref<!tpu.dma_semaphore, #tpu.memory_space<semaphore_mem>>) {add = true}
      %add3A_275 = arith.constant 1 : i32
      %add3A_276 = arith.addi %mul3A_147, %add3A_275 : i32
      %dma_start3A_277 = arith.constant 1 : i32
      %dma_start3A_278 = arith.constant 0 : i32
      %dma_start3A_279 = arith.constant 0 : i32
      %dma_start3A_280 = tpu.memref_slice %arg9[%dma_start3A_277, %dma_start3A_278, %dma_start3A_279] : memref<8x128x32xf32, #tpu.memory_space<vmem>> -> memref<1x128x32xf32, #tpu.memory_space<vmem>>
      %dma_start3A_281 = tpu.memref_squeeze %dma_start3A_280 : memref<1x128x32xf32, #tpu.memory_space<vmem>> -> memref<128x32xf32, #tpu.memory_space<vmem>>
      %dma_start3A_282 = arith.constant 0 : i32
      %dma_start3A_283 = tpu.memref_slice %arg8[%add3A_276, %dma_start3A_282] : memref<80x128xi32, #tpu.memory_space<vmem>> -> memref<1x128xi32, #tpu.memory_space<vmem>>
      %dma_start3A_284 = tpu.memref_squeeze %dma_start3A_283 : memref<1x128xi32, #tpu.memory_space<vmem>> -> memref<128xi32, #tpu.memory_space<vmem>>
      %dma_start3A_285 = arith.constant 0 : i32
      %dma_start3A_286 = arith.constant 0 : i32
      %dma_start3A_287 = tpu.memref_slice %arg10[%dma_start3A_285, %dma_start3A_286] : memref<10240x32xf32, #tpu.memory_space<vmem_shared>> -> memref<10240x32xf32, #tpu.memory_space<vmem_shared>>
      tpu.enqueue_indirect_dma source(%dma_start3A_281 : memref<128x32xf32, #tpu.memory_space<vmem>>) target(%dma_start3A_287 : memref<10240x32xf32, #tpu.memory_space<vmem_shared>>) offsets(%dma_start3A_284 : memref<128xi32, #tpu.memory_space<vmem>>) semaphore(%arg14 : memref<!tpu.dma_semaphore, #tpu.memory_space<semaphore_mem>>) {add = true}
      %add3A_288 = arith.constant 2 : i32
      %add3A_289 = arith.addi %mul3A_147, %add3A_288 : i32
      %dma_start3A_290 = arith.constant 2 : i32
      %dma_start3A_291 = arith.constant 0 : i32
      %dma_start3A_292 = arith.constant 0 : i32
      %dma_start3A_293 = tpu.memref_slice %arg9[%dma_start3A_290, %dma_start3A_291, %dma_start3A_292] : memref<8x128x32xf32, #tpu.memory_space<vmem>> -> memref<1x128x32xf32, #tpu.memory_space<vmem>>
      %dma_start3A_294 = tpu.memref_squeeze %dma_start3A_293 : memref<1x128x32xf32, #tpu.memory_space<vmem>> -> memref<128x32xf32, #tpu.memory_space<vmem>>
      %dma_start3A_295 = arith.constant 0 : i32
      %dma_start3A_296 = tpu.memref_slice %arg8[%add3A_289, %dma_start3A_295] : memref<80x128xi32, #tpu.memory_space<vmem>> -> memref<1x128xi32, #tpu.memory_space<vmem>>
      %dma_start3A_297 = tpu.memref_squeeze %dma_start3A_296 : memref<1x128xi32, #tpu.memory_space<vmem>> -> memref<128xi32, #tpu.memory_space<vmem>>
      %dma_start3A_298 = arith.constant 0 : i32
      %dma_start3A_299 = arith.constant 0 : i32
      %dma_start3A_300 = tpu.memref_slice %arg10[%dma_start3A_298, %dma_start3A_299] : memref<10240x32xf32, #tpu.memory_space<vmem_shared>> -> memref<10240x32xf32, #tpu.memory_space<vmem_shared>>
      tpu.enqueue_indirect_dma source(%dma_start3A_294 : memref<128x32xf32, #tpu.memory_space<vmem>>) target(%dma_start3A_300 : memref<10240x32xf32, #tpu.memory_space<vmem_shared>>) offsets(%dma_start3A_297 : memref<128xi32, #tpu.memory_space<vmem>>) semaphore(%arg14 : memref<!tpu.dma_semaphore, #tpu.memory_space<semaphore_mem>>) {add = true}
      %add3A_301 = arith.constant 3 : i32
      %add3A_302 = arith.addi %mul3A_147, %add3A_301 : i32
      %dma_start3A_303 = arith.constant 3 : i32
      %dma_start3A_304 = arith.constant 0 : i32
      %dma_start3A_305 = arith.constant 0 : i32
      %dma_start3A_306 = tpu.memref_slice %arg9[%dma_start3A_303, %dma_start3A_304, %dma_start3A_305] : memref<8x128x32xf32, #tpu.memory_space<vmem>> -> memref<1x128x32xf32, #tpu.memory_space<vmem>>
      %dma_start3A_307 = tpu.memref_squeeze %dma_start3A_306 : memref<1x128x32xf32, #tpu.memory_space<vmem>> -> memref<128x32xf32, #tpu.memory_space<vmem>>
      %dma_start3A_308 = arith.constant 0 : i32
      %dma_start3A_309 = tpu.memref_slice %arg8[%add3A_302, %dma_start3A_308] : memref<80x128xi32, #tpu.memory_space<vmem>> -> memref<1x128xi32, #tpu.memory_space<vmem>>
      %dma_start3A_310 = tpu.memref_squeeze %dma_start3A_309 : memref<1x128xi32, #tpu.memory_space<vmem>> -> memref<128xi32, #tpu.memory_space<vmem>>
      %dma_start3A_311 = arith.constant 0 : i32
      %dma_start3A_312 = arith.constant 0 : i32
      %dma_start3A_313 = tpu.memref_slice %arg10[%dma_start3A_311, %dma_start3A_312] : memref<10240x32xf32, #tpu.memory_space<vmem_shared>> -> memref<10240x32xf32, #tpu.memory_space<vmem_shared>>
      tpu.enqueue_indirect_dma source(%dma_start3A_307 : memref<128x32xf32, #tpu.memory_space<vmem>>) target(%dma_start3A_313 : memref<10240x32xf32, #tpu.memory_space<vmem_shared>>) offsets(%dma_start3A_310 : memref<128xi32, #tpu.memory_space<vmem>>) semaphore(%arg14 : memref<!tpu.dma_semaphore, #tpu.memory_space<semaphore_mem>>) {add = true}
      %add3A_314 = arith.constant 0 : i32
      %add3A_315 = arith.addi %mul3A_147, %add3A_314 : i32
      %dma_wait3A_316 = arith.constant 0 : i32
      %dma_wait3A_317 = arith.constant 0 : i32
      %dma_wait3A_318 = arith.constant 0 : i32
      %dma_wait3A_319 = tpu.memref_slice %arg9[%dma_wait3A_316, %dma_wait3A_317, %dma_wait3A_318] : memref<8x128x32xf32, #tpu.memory_space<vmem>> -> memref<1x128x32xf32, #tpu.memory_space<vmem>>
      %dma_wait3A_320 = tpu.memref_squeeze %dma_wait3A_319 : memref<1x128x32xf32, #tpu.memory_space<vmem>> -> memref<128x32xf32, #tpu.memory_space<vmem>>
      %dma_wait3A_321 = arith.constant 0 : i32
      %dma_wait3A_322 = tpu.memref_slice %arg8[%add3A_315, %dma_wait3A_321] : memref<80x128xi32, #tpu.memory_space<vmem>> -> memref<1x128xi32, #tpu.memory_space<vmem>>
      %dma_wait3A_323 = tpu.memref_squeeze %dma_wait3A_322 : memref<1x128xi32, #tpu.memory_space<vmem>> -> memref<128xi32, #tpu.memory_space<vmem>>
      %dma_wait3A_324 = arith.constant 0 : i32
      %dma_wait3A_325 = arith.constant 0 : i32
      %dma_wait3A_326 = tpu.memref_slice %arg10[%dma_wait3A_324, %dma_wait3A_325] : memref<10240x32xf32, #tpu.memory_space<vmem_shared>> -> memref<10240x32xf32, #tpu.memory_space<vmem_shared>>
      tpu.wait_indirect_dma semaphore(%arg14 : memref<!tpu.dma_semaphore, #tpu.memory_space<semaphore_mem>>) src(%dma_wait3A_320 : memref<128x32xf32, #tpu.memory_space<vmem>>) dst(%dma_wait3A_326 : memref<10240x32xf32, #tpu.memory_space<vmem_shared>>)
      %add3A_327 = arith.constant 1 : i32
      %add3A_328 = arith.addi %mul3A_147, %add3A_327 : i32
      %dma_wait3A_329 = arith.constant 1 : i32
      %dma_wait3A_330 = arith.constant 0 : i32
      %dma_wait3A_331 = arith.constant 0 : i32
      %dma_wait3A_332 = tpu.memref_slice %arg9[%dma_wait3A_329, %dma_wait3A_330, %dma_wait3A_331] : memref<8x128x32xf32, #tpu.memory_space<vmem>> -> memref<1x128x32xf32, #tpu.memory_space<vmem>>
      %dma_wait3A_333 = tpu.memref_squeeze %dma_wait3A_332 : memref<1x128x32xf32, #tpu.memory_space<vmem>> -> memref<128x32xf32, #tpu.memory_space<vmem>>
      %dma_wait3A_334 = arith.constant 0 : i32
      %dma_wait3A_335 = tpu.memref_slice %arg8[%add3A_328, %dma_wait3A_334] : memref<80x128xi32, #tpu.memory_space<vmem>> -> memref<1x128xi32, #tpu.memory_space<vmem>>
      %dma_wait3A_336 = tpu.memref_squeeze %dma_wait3A_335 : memref<1x128xi32, #tpu.memory_space<vmem>> -> memref<128xi32, #tpu.memory_space<vmem>>
      %dma_wait3A_337 = arith.constant 0 : i32
      %dma_wait3A_338 = arith.constant 0 : i32
      %dma_wait3A_339 = tpu.memref_slice %arg10[%dma_wait3A_337, %dma_wait3A_338] : memref<10240x32xf32, #tpu.memory_space<vmem_shared>> -> memref<10240x32xf32, #tpu.memory_space<vmem_shared>>
      tpu.wait_indirect_dma semaphore(%arg14 : memref<!tpu.dma_semaphore, #tpu.memory_space<semaphore_mem>>) src(%dma_wait3A_333 : memref<128x32xf32, #tpu.memory_space<vmem>>) dst(%dma_wait3A_339 : memref<10240x32xf32, #tpu.memory_space<vmem_shared>>)
      %add3A_340 = arith.constant 2 : i32
      %add3A_341 = arith.addi %mul3A_147, %add3A_340 : i32
      %dma_wait3A_342 = arith.constant 2 : i32
      %dma_wait3A_343 = arith.constant 0 : i32
      %dma_wait3A_344 = arith.constant 0 : i32
      %dma_wait3A_345 = tpu.memref_slice %arg9[%dma_wait3A_342, %dma_wait3A_343, %dma_wait3A_344] : memref<8x128x32xf32, #tpu.memory_space<vmem>> -> memref<1x128x32xf32, #tpu.memory_space<vmem>>
      %dma_wait3A_346 = tpu.memref_squeeze %dma_wait3A_345 : memref<1x128x32xf32, #tpu.memory_space<vmem>> -> memref<128x32xf32, #tpu.memory_space<vmem>>
      %dma_wait3A_347 = arith.constant 0 : i32
      %dma_wait3A_348 = tpu.memref_slice %arg8[%add3A_341, %dma_wait3A_347] : memref<80x128xi32, #tpu.memory_space<vmem>> -> memref<1x128xi32, #tpu.memory_space<vmem>>
      %dma_wait3A_349 = tpu.memref_squeeze %dma_wait3A_348 : memref<1x128xi32, #tpu.memory_space<vmem>> -> memref<128xi32, #tpu.memory_space<vmem>>
      %dma_wait3A_350 = arith.constant 0 : i32
      %dma_wait3A_351 = arith.constant 0 : i32
      %dma_wait3A_352 = tpu.memref_slice %arg10[%dma_wait3A_350, %dma_wait3A_351] : memref<10240x32xf32, #tpu.memory_space<vmem_shared>> -> memref<10240x32xf32, #tpu.memory_space<vmem_shared>>
      tpu.wait_indirect_dma semaphore(%arg14 : memref<!tpu.dma_semaphore, #tpu.memory_space<semaphore_mem>>) src(%dma_wait3A_346 : memref<128x32xf32, #tpu.memory_space<vmem>>) dst(%dma_wait3A_352 : memref<10240x32xf32, #tpu.memory_space<vmem_shared>>)
      %add3A_353 = arith.constant 3 : i32
      %add3A_354 = arith.addi %mul3A_147, %add3A_353 : i32
      %dma_wait3A_355 = arith.constant 3 : i32
      %dma_wait3A_356 = arith.constant 0 : i32
      %dma_wait3A_357 = arith.constant 0 : i32
      %dma_wait3A_358 = tpu.memref_slice %arg9[%dma_wait3A_355, %dma_wait3A_356, %dma_wait3A_357] : memref<8x128x32xf32, #tpu.memory_space<vmem>> -> memref<1x128x32xf32, #tpu.memory_space<vmem>>
      %dma_wait3A_359 = tpu.memref_squeeze %dma_wait3A_358 : memref<1x128x32xf32, #tpu.memory_space<vmem>> -> memref<128x32xf32, #tpu.memory_space<vmem>>
      %dma_wait3A_360 = arith.constant 0 : i32
      %dma_wait3A_361 = tpu.memref_slice %arg8[%add3A_354, %dma_wait3A_360] : memref<80x128xi32, #tpu.memory_space<vmem>> -> memref<1x128xi32, #tpu.memory_space<vmem>>
      %dma_wait3A_362 = tpu.memref_squeeze %dma_wait3A_361 : memref<1x128xi32, #tpu.memory_space<vmem>> -> memref<128xi32, #tpu.memory_space<vmem>>
      %dma_wait3A_363 = arith.constant 0 : i32
      %dma_wait3A_364 = arith.constant 0 : i32
      %dma_wait3A_365 = tpu.memref_slice %arg10[%dma_wait3A_363, %dma_wait3A_364] : memref<10240x32xf32, #tpu.memory_space<vmem_shared>> -> memref<10240x32xf32, #tpu.memory_space<vmem_shared>>
      tpu.wait_indirect_dma semaphore(%arg14 : memref<!tpu.dma_semaphore, #tpu.memory_space<semaphore_mem>>) src(%dma_wait3A_359 : memref<128x32xf32, #tpu.memory_space<vmem>>) dst(%dma_wait3A_365 : memref<10240x32xf32, #tpu.memory_space<vmem_shared>>)
      %add3A_366 = arith.constant 1 : i32
      %add3A_367 = arith.addi %scan3A_143, %add3A_366 : i32
      %lt3A = arith.constant 10 : i32
      %lt3A_368 = arith.cmpi slt, %add3A_367, %lt3A : i32
      %convert_element_type3A_369 = arith.extui %lt3A_368 : i1 to i32
      %cond3A_370 = arith.constant 0 : i32
      %cond3A_371 = arith.cmpi ne, %convert_element_type3A_369, %cond3A_370 : i32
      scf.if %cond3A_371 {
        %add3A_492 = arith.constant 8 : i32
        %add3A_493 = arith.addi %mul3A_147, %add3A_492 : i32
        %add3A_494 = arith.constant 0 : i32
        %add3A_495 = arith.addi %add3A_493, %add3A_494 : i32
        %dma_start3A_496 = arith.constant 0 : i32
        %dma_start3A_497 = arith.constant 0 : i32
        %dma_start3A_498 = arith.constant 0 : i32
        %dma_start3A_499 = tpu.memref_slice %arg9[%dma_start3A_496, %dma_start3A_497, %dma_start3A_498] : memref<8x128x32xf32, #tpu.memory_space<vmem>> -> memref<1x128x32xf32, #tpu.memory_space<vmem>>
        %dma_start3A_500 = tpu.memref_squeeze %dma_start3A_499 : memref<1x128x32xf32, #tpu.memory_space<vmem>> -> memref<128x32xf32, #tpu.memory_space<vmem>>
        %dma_start3A_501 = arith.constant 0 : i32
        %dma_start3A_502 = tpu.memref_slice %arg7[%add3A_495, %dma_start3A_501] : memref<80x128xi32, #tpu.memory_space<vmem>> -> memref<1x128xi32, #tpu.memory_space<vmem>>
        %dma_start3A_503 = tpu.memref_squeeze %dma_start3A_502 : memref<1x128xi32, #tpu.memory_space<vmem>> -> memref<128xi32, #tpu.memory_space<vmem>>
        %dma_start3A_504 = arith.constant 0 : i32
        %dma_start3A_505 = arith.constant 0 : i32
        %dma_start3A_506 = tpu.memref_slice %arg4[%dma_start3A_504, %dma_start3A_505] : memref<10240x32xf32, #tpu.memory_space<hbm>> -> memref<10240x32xf32, #tpu.memory_space<hbm>>
        tpu.enqueue_indirect_dma source(%dma_start3A_506 : memref<10240x32xf32, #tpu.memory_space<hbm>>) target(%dma_start3A_500 : memref<128x32xf32, #tpu.memory_space<vmem>>) offsets(%dma_start3A_503 : memref<128xi32, #tpu.memory_space<vmem>>) semaphore(%arg12 : memref<!tpu.dma_semaphore, #tpu.memory_space<semaphore_mem>>)
        %add3A_507 = arith.constant 8 : i32
        %add3A_508 = arith.addi %mul3A_147, %add3A_507 : i32
        %add3A_509 = arith.constant 1 : i32
        %add3A_510 = arith.addi %add3A_508, %add3A_509 : i32
        %dma_start3A_511 = arith.constant 1 : i32
        %dma_start3A_512 = arith.constant 0 : i32
        %dma_start3A_513 = arith.constant 0 : i32
        %dma_start3A_514 = tpu.memref_slice %arg9[%dma_start3A_511, %dma_start3A_512, %dma_start3A_513] : memref<8x128x32xf32, #tpu.memory_space<vmem>> -> memref<1x128x32xf32, #tpu.memory_space<vmem>>
        %dma_start3A_515 = tpu.memref_squeeze %dma_start3A_514 : memref<1x128x32xf32, #tpu.memory_space<vmem>> -> memref<128x32xf32, #tpu.memory_space<vmem>>
        %dma_start3A_516 = arith.constant 0 : i32
        %dma_start3A_517 = tpu.memref_slice %arg7[%add3A_510, %dma_start3A_516] : memref<80x128xi32, #tpu.memory_space<vmem>> -> memref<1x128xi32, #tpu.memory_space<vmem>>
        %dma_start3A_518 = tpu.memref_squeeze %dma_start3A_517 : memref<1x128xi32, #tpu.memory_space<vmem>> -> memref<128xi32, #tpu.memory_space<vmem>>
        %dma_start3A_519 = arith.constant 0 : i32
        %dma_start3A_520 = arith.constant 0 : i32
        %dma_start3A_521 = tpu.memref_slice %arg4[%dma_start3A_519, %dma_start3A_520] : memref<10240x32xf32, #tpu.memory_space<hbm>> -> memref<10240x32xf32, #tpu.memory_space<hbm>>
        tpu.enqueue_indirect_dma source(%dma_start3A_521 : memref<10240x32xf32, #tpu.memory_space<hbm>>) target(%dma_start3A_515 : memref<128x32xf32, #tpu.memory_space<vmem>>) offsets(%dma_start3A_518 : memref<128xi32, #tpu.memory_space<vmem>>) semaphore(%arg12 : memref<!tpu.dma_semaphore, #tpu.memory_space<semaphore_mem>>)
        %add3A_522 = arith.constant 8 : i32
        %add3A_523 = arith.addi %mul3A_147, %add3A_522 : i32
        %add3A_524 = arith.constant 2 : i32
        %add3A_525 = arith.addi %add3A_523, %add3A_524 : i32
        %dma_start3A_526 = arith.constant 2 : i32
        %dma_start3A_527 = arith.constant 0 : i32
        %dma_start3A_528 = arith.constant 0 : i32
        %dma_start3A_529 = tpu.memref_slice %arg9[%dma_start3A_526, %dma_start3A_527, %dma_start3A_528] : memref<8x128x32xf32, #tpu.memory_space<vmem>> -> memref<1x128x32xf32, #tpu.memory_space<vmem>>
        %dma_start3A_530 = tpu.memref_squeeze %dma_start3A_529 : memref<1x128x32xf32, #tpu.memory_space<vmem>> -> memref<128x32xf32, #tpu.memory_space<vmem>>
        %dma_start3A_531 = arith.constant 0 : i32
        %dma_start3A_532 = tpu.memref_slice %arg7[%add3A_525, %dma_start3A_531] : memref<80x128xi32, #tpu.memory_space<vmem>> -> memref<1x128xi32, #tpu.memory_space<vmem>>
        %dma_start3A_533 = tpu.memref_squeeze %dma_start3A_532 : memref<1x128xi32, #tpu.memory_space<vmem>> -> memref<128xi32, #tpu.memory_space<vmem>>
        %dma_start3A_534 = arith.constant 0 : i32
        %dma_start3A_535 = arith.constant 0 : i32
        %dma_start3A_536 = tpu.memref_slice %arg4[%dma_start3A_534, %dma_start3A_535] : memref<10240x32xf32, #tpu.memory_space<hbm>> -> memref<10240x32xf32, #tpu.memory_space<hbm>>
        tpu.enqueue_indirect_dma source(%dma_start3A_536 : memref<10240x32xf32, #tpu.memory_space<hbm>>) target(%dma_start3A_530 : memref<128x32xf32, #tpu.memory_space<vmem>>) offsets(%dma_start3A_533 : memref<128xi32, #tpu.memory_space<vmem>>) semaphore(%arg12 : memref<!tpu.dma_semaphore, #tpu.memory_space<semaphore_mem>>)
        %add3A_537 = arith.constant 8 : i32
        %add3A_538 = arith.addi %mul3A_147, %add3A_537 : i32
        %add3A_539 = arith.constant 3 : i32
        %add3A_540 = arith.addi %add3A_538, %add3A_539 : i32
        %dma_start3A_541 = arith.constant 3 : i32
        %dma_start3A_542 = arith.constant 0 : i32
        %dma_start3A_543 = arith.constant 0 : i32
        %dma_start3A_544 = tpu.memref_slice %arg9[%dma_start3A_541, %dma_start3A_542, %dma_start3A_543] : memref<8x128x32xf32, #tpu.memory_space<vmem>> -> memref<1x128x32xf32, #tpu.memory_space<vmem>>
        %dma_start3A_545 = tpu.memref_squeeze %dma_start3A_544 : memref<1x128x32xf32, #tpu.memory_space<vmem>> -> memref<128x32xf32, #tpu.memory_space<vmem>>
        %dma_start3A_546 = arith.constant 0 : i32
        %dma_start3A_547 = tpu.memref_slice %arg7[%add3A_540, %dma_start3A_546] : memref<80x128xi32, #tpu.memory_space<vmem>> -> memref<1x128xi32, #tpu.memory_space<vmem>>
        %dma_start3A_548 = tpu.memref_squeeze %dma_start3A_547 : memref<1x128xi32, #tpu.memory_space<vmem>> -> memref<128xi32, #tpu.memory_space<vmem>>
        %dma_start3A_549 = arith.constant 0 : i32
        %dma_start3A_550 = arith.constant 0 : i32
        %dma_start3A_551 = tpu.memref_slice %arg4[%dma_start3A_549, %dma_start3A_550] : memref<10240x32xf32, #tpu.memory_space<hbm>> -> memref<10240x32xf32, #tpu.memory_space<hbm>>
        tpu.enqueue_indirect_dma source(%dma_start3A_551 : memref<10240x32xf32, #tpu.memory_space<hbm>>) target(%dma_start3A_545 : memref<128x32xf32, #tpu.memory_space<vmem>>) offsets(%dma_start3A_548 : memref<128xi32, #tpu.memory_space<vmem>>) semaphore(%arg12 : memref<!tpu.dma_semaphore, #tpu.memory_space<semaphore_mem>>)
      } else {
      }
      %add3A_372 = arith.constant 4 : i32
      %add3A_373 = arith.addi %mul3A_147, %add3A_372 : i32
      %add3A_374 = arith.constant 0 : i32
      %add3A_375 = arith.addi %add3A_373, %add3A_374 : i32
      %dma_wait3A_376 = arith.constant 4 : i32
      %dma_wait3A_377 = arith.constant 0 : i32
      %dma_wait3A_378 = arith.constant 0 : i32
      %dma_wait3A_379 = tpu.memref_slice %arg9[%dma_wait3A_376, %dma_wait3A_377, %dma_wait3A_378] : memref<8x128x32xf32, #tpu.memory_space<vmem>> -> memref<1x128x32xf32, #tpu.memory_space<vmem>>
      %dma_wait3A_380 = tpu.memref_squeeze %dma_wait3A_379 : memref<1x128x32xf32, #tpu.memory_space<vmem>> -> memref<128x32xf32, #tpu.memory_space<vmem>>
      %dma_wait3A_381 = arith.constant 0 : i32
      %dma_wait3A_382 = tpu.memref_slice %arg7[%add3A_375, %dma_wait3A_381] : memref<80x128xi32, #tpu.memory_space<vmem>> -> memref<1x128xi32, #tpu.memory_space<vmem>>
      %dma_wait3A_383 = tpu.memref_squeeze %dma_wait3A_382 : memref<1x128xi32, #tpu.memory_space<vmem>> -> memref<128xi32, #tpu.memory_space<vmem>>
      %dma_wait3A_384 = arith.constant 0 : i32
      %dma_wait3A_385 = arith.constant 0 : i32
      %dma_wait3A_386 = tpu.memref_slice %arg4[%dma_wait3A_384, %dma_wait3A_385] : memref<10240x32xf32, #tpu.memory_space<hbm>> -> memref<10240x32xf32, #tpu.memory_space<hbm>>
      tpu.wait_indirect_dma semaphore(%arg13 : memref<!tpu.dma_semaphore, #tpu.memory_space<semaphore_mem>>) src(%dma_wait3A_386 : memref<10240x32xf32, #tpu.memory_space<hbm>>) dst(%dma_wait3A_380 : memref<128x32xf32, #tpu.memory_space<vmem>>)
      %add3A_387 = arith.constant 4 : i32
      %add3A_388 = arith.addi %mul3A_147, %add3A_387 : i32
      %add3A_389 = arith.constant 1 : i32
      %add3A_390 = arith.addi %add3A_388, %add3A_389 : i32
      %dma_wait3A_391 = arith.constant 5 : i32
      %dma_wait3A_392 = arith.constant 0 : i32
      %dma_wait3A_393 = arith.constant 0 : i32
      %dma_wait3A_394 = tpu.memref_slice %arg9[%dma_wait3A_391, %dma_wait3A_392, %dma_wait3A_393] : memref<8x128x32xf32, #tpu.memory_space<vmem>> -> memref<1x128x32xf32, #tpu.memory_space<vmem>>
      %dma_wait3A_395 = tpu.memref_squeeze %dma_wait3A_394 : memref<1x128x32xf32, #tpu.memory_space<vmem>> -> memref<128x32xf32, #tpu.memory_space<vmem>>
      %dma_wait3A_396 = arith.constant 0 : i32
      %dma_wait3A_397 = tpu.memref_slice %arg7[%add3A_390, %dma_wait3A_396] : memref<80x128xi32, #tpu.memory_space<vmem>> -> memref<1x128xi32, #tpu.memory_space<vmem>>
      %dma_wait3A_398 = tpu.memref_squeeze %dma_wait3A_397 : memref<1x128xi32, #tpu.memory_space<vmem>> -> memref<128xi32, #tpu.memory_space<vmem>>
      %dma_wait3A_399 = arith.constant 0 : i32
      %dma_wait3A_400 = arith.constant 0 : i32
      %dma_wait3A_401 = tpu.memref_slice %arg4[%dma_wait3A_399, %dma_wait3A_400] : memref<10240x32xf32, #tpu.memory_space<hbm>> -> memref<10240x32xf32, #tpu.memory_space<hbm>>
      tpu.wait_indirect_dma semaphore(%arg13 : memref<!tpu.dma_semaphore, #tpu.memory_space<semaphore_mem>>) src(%dma_wait3A_401 : memref<10240x32xf32, #tpu.memory_space<hbm>>) dst(%dma_wait3A_395 : memref<128x32xf32, #tpu.memory_space<vmem>>)
      %add3A_402 = arith.constant 4 : i32
      %add3A_403 = arith.addi %mul3A_147, %add3A_402 : i32
      %add3A_404 = arith.constant 2 : i32
      %add3A_405 = arith.addi %add3A_403, %add3A_404 : i32
      %dma_wait3A_406 = arith.constant 6 : i32
      %dma_wait3A_407 = arith.constant 0 : i32
      %dma_wait3A_408 = arith.constant 0 : i32
      %dma_wait3A_409 = tpu.memref_slice %arg9[%dma_wait3A_406, %dma_wait3A_407, %dma_wait3A_408] : memref<8x128x32xf32, #tpu.memory_space<vmem>> -> memref<1x128x32xf32, #tpu.memory_space<vmem>>
      %dma_wait3A_410 = tpu.memref_squeeze %dma_wait3A_409 : memref<1x128x32xf32, #tpu.memory_space<vmem>> -> memref<128x32xf32, #tpu.memory_space<vmem>>
      %dma_wait3A_411 = arith.constant 0 : i32
      %dma_wait3A_412 = tpu.memref_slice %arg7[%add3A_405, %dma_wait3A_411] : memref<80x128xi32, #tpu.memory_space<vmem>> -> memref<1x128xi32, #tpu.memory_space<vmem>>
      %dma_wait3A_413 = tpu.memref_squeeze %dma_wait3A_412 : memref<1x128xi32, #tpu.memory_space<vmem>> -> memref<128xi32, #tpu.memory_space<vmem>>
      %dma_wait3A_414 = arith.constant 0 : i32
      %dma_wait3A_415 = arith.constant 0 : i32
      %dma_wait3A_416 = tpu.memref_slice %arg4[%dma_wait3A_414, %dma_wait3A_415] : memref<10240x32xf32, #tpu.memory_space<hbm>> -> memref<10240x32xf32, #tpu.memory_space<hbm>>
      tpu.wait_indirect_dma semaphore(%arg13 : memref<!tpu.dma_semaphore, #tpu.memory_space<semaphore_mem>>) src(%dma_wait3A_416 : memref<10240x32xf32, #tpu.memory_space<hbm>>) dst(%dma_wait3A_410 : memref<128x32xf32, #tpu.memory_space<vmem>>)
      %add3A_417 = arith.constant 4 : i32
      %add3A_418 = arith.addi %mul3A_147, %add3A_417 : i32
      %add3A_419 = arith.constant 3 : i32
      %add3A_420 = arith.addi %add3A_418, %add3A_419 : i32
      %dma_wait3A_421 = arith.constant 7 : i32
      %dma_wait3A_422 = arith.constant 0 : i32
      %dma_wait3A_423 = arith.constant 0 : i32
      %dma_wait3A_424 = tpu.memref_slice %arg9[%dma_wait3A_421, %dma_wait3A_422, %dma_wait3A_423] : memref<8x128x32xf32, #tpu.memory_space<vmem>> -> memref<1x128x32xf32, #tpu.memory_space<vmem>>
      %dma_wait3A_425 = tpu.memref_squeeze %dma_wait3A_424 : memref<1x128x32xf32, #tpu.memory_space<vmem>> -> memref<128x32xf32, #tpu.memory_space<vmem>>
      %dma_wait3A_426 = arith.constant 0 : i32
      %dma_wait3A_427 = tpu.memref_slice %arg7[%add3A_420, %dma_wait3A_426] : memref<80x128xi32, #tpu.memory_space<vmem>> -> memref<1x128xi32, #tpu.memory_space<vmem>>
      %dma_wait3A_428 = tpu.memref_squeeze %dma_wait3A_427 : memref<1x128xi32, #tpu.memory_space<vmem>> -> memref<128xi32, #tpu.memory_space<vmem>>
      %dma_wait3A_429 = arith.constant 0 : i32
      %dma_wait3A_430 = arith.constant 0 : i32
      %dma_wait3A_431 = tpu.memref_slice %arg4[%dma_wait3A_429, %dma_wait3A_430] : memref<10240x32xf32, #tpu.memory_space<hbm>> -> memref<10240x32xf32, #tpu.memory_space<hbm>>
      tpu.wait_indirect_dma semaphore(%arg13 : memref<!tpu.dma_semaphore, #tpu.memory_space<semaphore_mem>>) src(%dma_wait3A_431 : memref<10240x32xf32, #tpu.memory_space<hbm>>) dst(%dma_wait3A_425 : memref<128x32xf32, #tpu.memory_space<vmem>>)
      %add3A_432 = arith.constant 4 : i32
      %add3A_433 = arith.addi %mul3A_147, %add3A_432 : i32
      %add3A_434 = arith.constant 0 : i32
      %add3A_435 = arith.addi %add3A_433, %add3A_434 : i32
      %dma_start3A_436 = arith.constant 4 : i32
      %dma_start3A_437 = arith.constant 0 : i32
      %dma_start3A_438 = arith.constant 0 : i32
      %dma_start3A_439 = tpu.memref_slice %arg9[%dma_start3A_436, %dma_start3A_437, %dma_start3A_438] : memref<8x128x32xf32, #tpu.memory_space<vmem>> -> memref<1x128x32xf32, #tpu.memory_space<vmem>>
      %dma_start3A_440 = tpu.memref_squeeze %dma_start3A_439 : memref<1x128x32xf32, #tpu.memory_space<vmem>> -> memref<128x32xf32, #tpu.memory_space<vmem>>
      %dma_start3A_441 = arith.constant 0 : i32
      %dma_start3A_442 = tpu.memref_slice %arg8[%add3A_435, %dma_start3A_441] : memref<80x128xi32, #tpu.memory_space<vmem>> -> memref<1x128xi32, #tpu.memory_space<vmem>>
      %dma_start3A_443 = tpu.memref_squeeze %dma_start3A_442 : memref<1x128xi32, #tpu.memory_space<vmem>> -> memref<128xi32, #tpu.memory_space<vmem>>
      %dma_start3A_444 = arith.constant 0 : i32
      %dma_start3A_445 = arith.constant 0 : i32
      %dma_start3A_446 = tpu.memref_slice %arg10[%dma_start3A_444, %dma_start3A_445] : memref<10240x32xf32, #tpu.memory_space<vmem_shared>> -> memref<10240x32xf32, #tpu.memory_space<vmem_shared>>
      tpu.enqueue_indirect_dma source(%dma_start3A_440 : memref<128x32xf32, #tpu.memory_space<vmem>>) target(%dma_start3A_446 : memref<10240x32xf32, #tpu.memory_space<vmem_shared>>) offsets(%dma_start3A_443 : memref<128xi32, #tpu.memory_space<vmem>>) semaphore(%arg15 : memref<!tpu.dma_semaphore, #tpu.memory_space<semaphore_mem>>) {add = true}
      %add3A_447 = arith.constant 4 : i32
      %add3A_448 = arith.addi %mul3A_147, %add3A_447 : i32
      %add3A_449 = arith.constant 1 : i32
      %add3A_450 = arith.addi %add3A_448, %add3A_449 : i32
      %dma_start3A_451 = arith.constant 5 : i32
      %dma_start3A_452 = arith.constant 0 : i32
      %dma_start3A_453 = arith.constant 0 : i32
      %dma_start3A_454 = tpu.memref_slice %arg9[%dma_start3A_451, %dma_start3A_452, %dma_start3A_453] : memref<8x128x32xf32, #tpu.memory_space<vmem>> -> memref<1x128x32xf32, #tpu.memory_space<vmem>>
      %dma_start3A_455 = tpu.memref_squeeze %dma_start3A_454 : memref<1x128x32xf32, #tpu.memory_space<vmem>> -> memref<128x32xf32, #tpu.memory_space<vmem>>
      %dma_start3A_456 = arith.constant 0 : i32
      %dma_start3A_457 = tpu.memref_slice %arg8[%add3A_450, %dma_start3A_456] : memref<80x128xi32, #tpu.memory_space<vmem>> -> memref<1x128xi32, #tpu.memory_space<vmem>>
      %dma_start3A_458 = tpu.memref_squeeze %dma_start3A_457 : memref<1x128xi32, #tpu.memory_space<vmem>> -> memref<128xi32, #tpu.memory_space<vmem>>
      %dma_start3A_459 = arith.constant 0 : i32
      %dma_start3A_460 = arith.constant 0 : i32
      %dma_start3A_461 = tpu.memref_slice %arg10[%dma_start3A_459, %dma_start3A_460] : memref<10240x32xf32, #tpu.memory_space<vmem_shared>> -> memref<10240x32xf32, #tpu.memory_space<vmem_shared>>
      tpu.enqueue_indirect_dma source(%dma_start3A_455 : memref<128x32xf32, #tpu.memory_space<vmem>>) target(%dma_start3A_461 : memref<10240x32xf32, #tpu.memory_space<vmem_shared>>) offsets(%dma_start3A_458 : memref<128xi32, #tpu.memory_space<vmem>>) semaphore(%arg15 : memref<!tpu.dma_semaphore, #tpu.memory_space<semaphore_mem>>) {add = true}
      %add3A_462 = arith.constant 4 : i32
      %add3A_463 = arith.addi %mul3A_147, %add3A_462 : i32
      %add3A_464 = arith.constant 2 : i32
      %add3A_465 = arith.addi %add3A_463, %add3A_464 : i32
      %dma_start3A_466 = arith.constant 6 : i32
      %dma_start3A_467 = arith.constant 0 : i32
      %dma_start3A_468 = arith.constant 0 : i32
      %dma_start3A_469 = tpu.memref_slice %arg9[%dma_start3A_466, %dma_start3A_467, %dma_start3A_468] : memref<8x128x32xf32, #tpu.memory_space<vmem>> -> memref<1x128x32xf32, #tpu.memory_space<vmem>>
      %dma_start3A_470 = tpu.memref_squeeze %dma_start3A_469 : memref<1x128x32xf32, #tpu.memory_space<vmem>> -> memref<128x32xf32, #tpu.memory_space<vmem>>
      %dma_start3A_471 = arith.constant 0 : i32
      %dma_start3A_472 = tpu.memref_slice %arg8[%add3A_465, %dma_start3A_471] : memref<80x128xi32, #tpu.memory_space<vmem>> -> memref<1x128xi32, #tpu.memory_space<vmem>>
      %dma_start3A_473 = tpu.memref_squeeze %dma_start3A_472 : memref<1x128xi32, #tpu.memory_space<vmem>> -> memref<128xi32, #tpu.memory_space<vmem>>
      %dma_start3A_474 = arith.constant 0 : i32
      %dma_start3A_475 = arith.constant 0 : i32
      %dma_start3A_476 = tpu.memref_slice %arg10[%dma_start3A_474, %dma_start3A_475] : memref<10240x32xf32, #tpu.memory_space<vmem_shared>> -> memref<10240x32xf32, #tpu.memory_space<vmem_shared>>
      tpu.enqueue_indirect_dma source(%dma_start3A_470 : memref<128x32xf32, #tpu.memory_space<vmem>>) target(%dma_start3A_476 : memref<10240x32xf32, #tpu.memory_space<vmem_shared>>) offsets(%dma_start3A_473 : memref<128xi32, #tpu.memory_space<vmem>>) semaphore(%arg15 : memref<!tpu.dma_semaphore, #tpu.memory_space<semaphore_mem>>) {add = true}
      %add3A_477 = arith.constant 4 : i32
      %add3A_478 = arith.addi %mul3A_147, %add3A_477 : i32
      %add3A_479 = arith.constant 3 : i32
      %add3A_480 = arith.addi %add3A_478, %add3A_479 : i32
      %dma_start3A_481 = arith.constant 7 : i32
      %dma_start3A_482 = arith.constant 0 : i32
      %dma_start3A_483 = arith.constant 0 : i32
      %dma_start3A_484 = tpu.memref_slice %arg9[%dma_start3A_481, %dma_start3A_482, %dma_start3A_483] : memref<8x128x32xf32, #tpu.memory_space<vmem>> -> memref<1x128x32xf32, #tpu.memory_space<vmem>>
      %dma_start3A_485 = tpu.memref_squeeze %dma_start3A_484 : memref<1x128x32xf32, #tpu.memory_space<vmem>> -> memref<128x32xf32, #tpu.memory_space<vmem>>
      %dma_start3A_486 = arith.constant 0 : i32
      %dma_start3A_487 = tpu.memref_slice %arg8[%add3A_480, %dma_start3A_486] : memref<80x128xi32, #tpu.memory_space<vmem>> -> memref<1x128xi32, #tpu.memory_space<vmem>>
      %dma_start3A_488 = tpu.memref_squeeze %dma_start3A_487 : memref<1x128xi32, #tpu.memory_space<vmem>> -> memref<128xi32, #tpu.memory_space<vmem>>
      %dma_start3A_489 = arith.constant 0 : i32
      %dma_start3A_490 = arith.constant 0 : i32
      %dma_start3A_491 = tpu.memref_slice %arg10[%dma_start3A_489, %dma_start3A_490] : memref<10240x32xf32, #tpu.memory_space<vmem_shared>> -> memref<10240x32xf32, #tpu.memory_space<vmem_shared>>
      tpu.enqueue_indirect_dma source(%dma_start3A_485 : memref<128x32xf32, #tpu.memory_space<vmem>>) target(%dma_start3A_491 : memref<10240x32xf32, #tpu.memory_space<vmem_shared>>) offsets(%dma_start3A_488 : memref<128xi32, #tpu.memory_space<vmem>>) semaphore(%arg15 : memref<!tpu.dma_semaphore, #tpu.memory_space<semaphore_mem>>) {add = true}
    }
    %scan3A_93 = arith.constant 10 : i32
    %dma_wait3A_94 = arith.constant 4 : i32
    %dma_wait3A_95 = arith.constant 76 : i32
    %dma_wait3A_96 = arith.constant 0 : i32
    %dma_wait3A_97 = arith.constant 0 : i32
    %dma_wait3A_98 = tpu.memref_slice %arg9[%dma_wait3A_94, %dma_wait3A_96, %dma_wait3A_97] : memref<8x128x32xf32, #tpu.memory_space<vmem>> -> memref<1x128x32xf32, #tpu.memory_space<vmem>>
    %dma_wait3A_99 = tpu.memref_squeeze %dma_wait3A_98 : memref<1x128x32xf32, #tpu.memory_space<vmem>> -> memref<128x32xf32, #tpu.memory_space<vmem>>
    %dma_wait3A_100 = arith.constant 0 : i32
    %dma_wait3A_101 = tpu.memref_slice %arg8[%dma_wait3A_95, %dma_wait3A_100] : memref<80x128xi32, #tpu.memory_space<vmem>> -> memref<1x128xi32, #tpu.memory_space<vmem>>
    %dma_wait3A_102 = tpu.memref_squeeze %dma_wait3A_101 : memref<1x128xi32, #tpu.memory_space<vmem>> -> memref<128xi32, #tpu.memory_space<vmem>>
    %dma_wait3A_103 = arith.constant 0 : i32
    %dma_wait3A_104 = arith.constant 0 : i32
    %dma_wait3A_105 = tpu.memref_slice %arg10[%dma_wait3A_103, %dma_wait3A_104] : memref<10240x32xf32, #tpu.memory_space<vmem_shared>> -> memref<10240x32xf32, #tpu.memory_space<vmem_shared>>
    tpu.wait_indirect_dma semaphore(%arg15 : memref<!tpu.dma_semaphore, #tpu.memory_space<semaphore_mem>>) src(%dma_wait3A_99 : memref<128x32xf32, #tpu.memory_space<vmem>>) dst(%dma_wait3A_105 : memref<10240x32xf32, #tpu.memory_space<vmem_shared>>)
    %dma_wait3A_106 = arith.constant 5 : i32
    %dma_wait3A_107 = arith.constant 77 : i32
    %dma_wait3A_108 = arith.constant 0 : i32
    %dma_wait3A_109 = arith.constant 0 : i32
    %dma_wait3A_110 = tpu.memref_slice %arg9[%dma_wait3A_106, %dma_wait3A_108, %dma_wait3A_109] : memref<8x128x32xf32, #tpu.memory_space<vmem>> -> memref<1x128x32xf32, #tpu.memory_space<vmem>>
    %dma_wait3A_111 = tpu.memref_squeeze %dma_wait3A_110 : memref<1x128x32xf32, #tpu.memory_space<vmem>> -> memref<128x32xf32, #tpu.memory_space<vmem>>
    %dma_wait3A_112 = arith.constant 0 : i32
    %dma_wait3A_113 = tpu.memref_slice %arg8[%dma_wait3A_107, %dma_wait3A_112] : memref<80x128xi32, #tpu.memory_space<vmem>> -> memref<1x128xi32, #tpu.memory_space<vmem>>
    %dma_wait3A_114 = tpu.memref_squeeze %dma_wait3A_113 : memref<1x128xi32, #tpu.memory_space<vmem>> -> memref<128xi32, #tpu.memory_space<vmem>>
    %dma_wait3A_115 = arith.constant 0 : i32
    %dma_wait3A_116 = arith.constant 0 : i32
    %dma_wait3A_117 = tpu.memref_slice %arg10[%dma_wait3A_115, %dma_wait3A_116] : memref<10240x32xf32, #tpu.memory_space<vmem_shared>> -> memref<10240x32xf32, #tpu.memory_space<vmem_shared>>
    tpu.wait_indirect_dma semaphore(%arg15 : memref<!tpu.dma_semaphore, #tpu.memory_space<semaphore_mem>>) src(%dma_wait3A_111 : memref<128x32xf32, #tpu.memory_space<vmem>>) dst(%dma_wait3A_117 : memref<10240x32xf32, #tpu.memory_space<vmem_shared>>)
    %dma_wait3A_118 = arith.constant 6 : i32
    %dma_wait3A_119 = arith.constant 78 : i32
    %dma_wait3A_120 = arith.constant 0 : i32
    %dma_wait3A_121 = arith.constant 0 : i32
    %dma_wait3A_122 = tpu.memref_slice %arg9[%dma_wait3A_118, %dma_wait3A_120, %dma_wait3A_121] : memref<8x128x32xf32, #tpu.memory_space<vmem>> -> memref<1x128x32xf32, #tpu.memory_space<vmem>>
    %dma_wait3A_123 = tpu.memref_squeeze %dma_wait3A_122 : memref<1x128x32xf32, #tpu.memory_space<vmem>> -> memref<128x32xf32, #tpu.memory_space<vmem>>
    %dma_wait3A_124 = arith.constant 0 : i32
    %dma_wait3A_125 = tpu.memref_slice %arg8[%dma_wait3A_119, %dma_wait3A_124] : memref<80x128xi32, #tpu.memory_space<vmem>> -> memref<1x128xi32, #tpu.memory_space<vmem>>
    %dma_wait3A_126 = tpu.memref_squeeze %dma_wait3A_125 : memref<1x128xi32, #tpu.memory_space<vmem>> -> memref<128xi32, #tpu.memory_space<vmem>>
    %dma_wait3A_127 = arith.constant 0 : i32
    %dma_wait3A_128 = arith.constant 0 : i32
    %dma_wait3A_129 = tpu.memref_slice %arg10[%dma_wait3A_127, %dma_wait3A_128] : memref<10240x32xf32, #tpu.memory_space<vmem_shared>> -> memref<10240x32xf32, #tpu.memory_space<vmem_shared>>
    tpu.wait_indirect_dma semaphore(%arg15 : memref<!tpu.dma_semaphore, #tpu.memory_space<semaphore_mem>>) src(%dma_wait3A_123 : memref<128x32xf32, #tpu.memory_space<vmem>>) dst(%dma_wait3A_129 : memref<10240x32xf32, #tpu.memory_space<vmem_shared>>)
    %dma_wait3A_130 = arith.constant 7 : i32
    %dma_wait3A_131 = arith.constant 79 : i32
    %dma_wait3A_132 = arith.constant 0 : i32
    %dma_wait3A_133 = arith.constant 0 : i32
    %dma_wait3A_134 = tpu.memref_slice %arg9[%dma_wait3A_130, %dma_wait3A_132, %dma_wait3A_133] : memref<8x128x32xf32, #tpu.memory_space<vmem>> -> memref<1x128x32xf32, #tpu.memory_space<vmem>>
    %dma_wait3A_135 = tpu.memref_squeeze %dma_wait3A_134 : memref<1x128x32xf32, #tpu.memory_space<vmem>> -> memref<128x32xf32, #tpu.memory_space<vmem>>
    %dma_wait3A_136 = arith.constant 0 : i32
    %dma_wait3A_137 = tpu.memref_slice %arg8[%dma_wait3A_131, %dma_wait3A_136] : memref<80x128xi32, #tpu.memory_space<vmem>> -> memref<1x128xi32, #tpu.memory_space<vmem>>
    %dma_wait3A_138 = tpu.memref_squeeze %dma_wait3A_137 : memref<1x128xi32, #tpu.memory_space<vmem>> -> memref<128xi32, #tpu.memory_space<vmem>>
    %dma_wait3A_139 = arith.constant 0 : i32
    %dma_wait3A_140 = arith.constant 0 : i32
    %dma_wait3A_141 = tpu.memref_slice %arg10[%dma_wait3A_139, %dma_wait3A_140] : memref<10240x32xf32, #tpu.memory_space<vmem_shared>> -> memref<10240x32xf32, #tpu.memory_space<vmem_shared>>
    tpu.wait_indirect_dma semaphore(%arg15 : memref<!tpu.dma_semaphore, #tpu.memory_space<semaphore_mem>>) src(%dma_wait3A_135 : memref<128x32xf32, #tpu.memory_space<vmem>>) dst(%dma_wait3A_141 : memref<10240x32xf32, #tpu.memory_space<vmem_shared>>)
    %barrier3A_142 = arith.constant 0 : index
    tpu.barrier barrier_id(%barrier3A_142)
    "tpu.region"() ({
      %run_scoped3A = tpu.sem_alloc : memref<!tpu.dma_semaphore, #tpu.memory_space<semaphore_mem>>
      %dma_start3A_143 = arith.constant 0 : i32
      %dma_start3A_144 = tpu.memref_slice %arg6[%arg0, %mul3A_2, %dma_start3A_143] : memref<2x10240x32xf32, #tpu.memory_space<hbm>> -> memref<1x640x32xf32, #tpu.memory_space<hbm>>
      %dma_start3A_145 = tpu.memref_squeeze %dma_start3A_144 : memref<1x640x32xf32, #tpu.memory_space<hbm>> -> memref<640x32xf32, #tpu.memory_space<hbm>>
      %dma_start3A_146 = arith.constant 0 : i32
      %dma_start3A_147 = tpu.memref_slice %arg10[%mul3A_2, %dma_start3A_146] : memref<10240x32xf32, #tpu.memory_space<vmem_shared>> -> memref<640x32xf32, #tpu.memory_space<vmem_shared>>
      tpu.enqueue_dma source(%dma_start3A_147 : memref<640x32xf32, #tpu.memory_space<vmem_shared>>) target(%dma_start3A_145 : memref<640x32xf32, #tpu.memory_space<hbm>>) target_semaphore(%run_scoped3A : memref<!tpu.dma_semaphore, #tpu.memory_space<semaphore_mem>>)
      %dma_wait3A_148 = arith.constant 0 : i32
      %dma_wait3A_149 = tpu.memref_slice %arg6[%arg0, %mul3A_2, %dma_wait3A_148] : memref<2x10240x32xf32, #tpu.memory_space<hbm>> -> memref<1x640x32xf32, #tpu.memory_space<hbm>>
      %dma_wait3A_150 = tpu.memref_squeeze %dma_wait3A_149 : memref<1x640x32xf32, #tpu.memory_space<hbm>> -> memref<640x32xf32, #tpu.memory_space<hbm>>
      %dma_wait3A_151 = arith.constant 0 : i32
      %dma_wait3A_152 = tpu.memref_slice %arg10[%mul3A_2, %dma_wait3A_151] : memref<10240x32xf32, #tpu.memory_space<vmem_shared>> -> memref<640x32xf32, #tpu.memory_space<vmem_shared>>
      tpu.wait_dma2 semaphore(%run_scoped3A : memref<!tpu.dma_semaphore, #tpu.memory_space<semaphore_mem>>) src(%dma_wait3A_152 : memref<640x32xf32, #tpu.memory_space<vmem_shared>>) dst(%dma_wait3A_150 : memref<640x32xf32, #tpu.memory_space<hbm>>)
      tpu.yield
    }) : () -> ()
    return
  }
}

#map = affine_map<(d0, d1) -> (0, 0, 0)>
#map1 = affine_map<(d0, d1) -> (0, 0)>
module attributes {stable_mosaic.version = 14 : i64} {
  func.func @_sc_hist(%arg0: i32, %arg1: i32, %arg2: memref<32x80x128xi32, #tpu.memory_space<hbm>>, %arg3: memref<32x10240xf32, #tpu.memory_space<hbm>>, %arg4: memref<80x128xi32, #tpu.memory_space<vmem>>, %arg5: memref<10240xf32, #tpu.memory_space<vmem>>) attributes {dimension_semantics = [#tpu.dimension_semantics<core_parallel>, #tpu.dimension_semantics<subcore_parallel>], iteration_bounds = array<i64: 2, 16>, scalar_prefetch = 0 : i64, scratch_operands = 2 : i64, tpu.core_type = #tpu.core_type<sc_vector_subcore>, window_params = [{transform_indices = #map}, {transform_indices = #map1}]} {
    %mul3A = arith.constant 16 : i32
    %mul3A_0 = arith.muli %arg0, %mul3A : i32
    %add3A = arith.addi %mul3A_0, %arg1 : i32
    "tpu.region"() ({
      %run_scoped3A = tpu.sem_alloc : memref<!tpu.dma_semaphore, #tpu.memory_space<semaphore_mem>>
      %dma_start3A = arith.constant 0 : i32
      %dma_start3A_15 = arith.constant 0 : i32
      %dma_start3A_16 = tpu.memref_slice %arg2[%add3A, %dma_start3A, %dma_start3A_15] : memref<32x80x128xi32, #tpu.memory_space<hbm>> -> memref<1x80x128xi32, #tpu.memory_space<hbm>>
      %dma_start3A_17 = tpu.memref_squeeze %dma_start3A_16 : memref<1x80x128xi32, #tpu.memory_space<hbm>> -> memref<80x128xi32, #tpu.memory_space<hbm>>
      %dma_start3A_18 = arith.constant 0 : i32
      %dma_start3A_19 = arith.constant 0 : i32
      %dma_start3A_20 = tpu.memref_slice %arg2[%add3A, %dma_start3A_18, %dma_start3A_19] : memref<32x80x128xi32, #tpu.memory_space<hbm>> -> memref<1x80x128xi32, #tpu.memory_space<hbm>>
      %dma_start3A_21 = tpu.memref_squeeze %dma_start3A_20 : memref<1x80x128xi32, #tpu.memory_space<hbm>> -> memref<80x128xi32, #tpu.memory_space<hbm>>
      tpu.enqueue_dma source(%dma_start3A_21 : memref<80x128xi32, #tpu.memory_space<hbm>>) target(%arg4 : memref<80x128xi32, #tpu.memory_space<vmem>>) target_semaphore(%run_scoped3A : memref<!tpu.dma_semaphore, #tpu.memory_space<semaphore_mem>>)
      %dma_wait3A = arith.constant 0 : i32
      %dma_wait3A_22 = arith.constant 0 : i32
      %dma_wait3A_23 = tpu.memref_slice %arg2[%add3A, %dma_wait3A, %dma_wait3A_22] : memref<32x80x128xi32, #tpu.memory_space<hbm>> -> memref<1x80x128xi32, #tpu.memory_space<hbm>>
      %dma_wait3A_24 = tpu.memref_squeeze %dma_wait3A_23 : memref<1x80x128xi32, #tpu.memory_space<hbm>> -> memref<80x128xi32, #tpu.memory_space<hbm>>
      %dma_wait3A_25 = arith.constant 0 : i32
      %dma_wait3A_26 = arith.constant 0 : i32
      %dma_wait3A_27 = tpu.memref_slice %arg2[%add3A, %dma_wait3A_25, %dma_wait3A_26] : memref<32x80x128xi32, #tpu.memory_space<hbm>> -> memref<1x80x128xi32, #tpu.memory_space<hbm>>
      %dma_wait3A_28 = tpu.memref_squeeze %dma_wait3A_27 : memref<1x80x128xi32, #tpu.memory_space<hbm>> -> memref<80x128xi32, #tpu.memory_space<hbm>>
      tpu.wait_dma2 semaphore(%run_scoped3A : memref<!tpu.dma_semaphore, #tpu.memory_space<semaphore_mem>>) src(%dma_wait3A_28 : memref<80x128xi32, #tpu.memory_space<hbm>>) dst(%arg4 : memref<80x128xi32, #tpu.memory_space<vmem>>)
      tpu.yield
    }) : () -> ()
    %broadcast_in_dim3A = arith.constant 0.000000e+00 : f32
    %broadcast_in_dim3A_1 = vector.broadcast %broadcast_in_dim3A : f32 to vector<16xf32>
    %scan3A = arith.constant 0 : i32
    %scan3A_2 = arith.constant 0 : i32
    %scan3A_3 = arith.constant 640 : i32
    %scan3A_4 = arith.addi %scan3A_2, %scan3A_3 : i32
    %scan3A_5 = arith.constant 1 : i32
    scf.for %scan3A_15 = %scan3A_2 to %scan3A_4 step %scan3A_5  : i32 {
      %mul3A_16 = arith.constant 16 : i32
      %mul3A_17 = arith.muli %scan3A_15, %mul3A_16 : i32
      %swap3A = arith.index_cast %mul3A_17 : i32 to index
      %swap3A_18 = tpu.vector_load %arg5[%swap3A] {strides = array<i32>} : memref<10240xf32, #tpu.memory_space<vmem>>, vector<16xf32>,
      tpu.vector_store %arg5[%swap3A], %broadcast_in_dim3A_1 {strides = array<i32>} : memref<10240xf32, #tpu.memory_space<vmem>>, vector<16xf32>,
    }
    %scan3A_6 = arith.constant 640 : i32
    %broadcast_in_dim3A_7 = arith.constant 1.000000e+00 : f32
    %broadcast_in_dim3A_8 = vector.broadcast %broadcast_in_dim3A_7 : f32 to vector<16xf32>
    %scan3A_9 = arith.constant 0 : i32
    %scan3A_10 = arith.constant 0 : i32
    %scan3A_11 = arith.constant 80 : i32
    %scan3A_12 = arith.addi %scan3A_10, %scan3A_11 : i32
    %scan3A_13 = arith.constant 1 : i32
    scf.for %scan3A_15 = %scan3A_10 to %scan3A_12 step %scan3A_13  : i32 {
      %get3A = arith.index_cast %scan3A_15 : i32 to index
      %get3A_16 = arith.constant 0 : index
      %get3A_17 = tpu.vector_load %arg4[%get3A, %get3A_16] {strides = array<i32>} : memref<80x128xi32, #tpu.memory_space<vmem>>, vector<16xi32>,
      tpu.vector_store_idx %arg5[%get3A_17], %broadcast_in_dim3A_8 {add = true} : memref<10240xf32, #tpu.memory_space<vmem>>[vector<16xi32>], vector<16xf32>,
      %get3A_18 = arith.index_cast %scan3A_15 : i32 to index
      %get3A_19 = arith.constant 16 : index
      %get3A_20 = tpu.vector_load %arg4[%get3A_18, %get3A_19] {strides = array<i32>} : memref<80x128xi32, #tpu.memory_space<vmem>>, vector<16xi32>,
      tpu.vector_store_idx %arg5[%get3A_20], %broadcast_in_dim3A_8 {add = true} : memref<10240xf32, #tpu.memory_space<vmem>>[vector<16xi32>], vector<16xf32>,
      %get3A_21 = arith.index_cast %scan3A_15 : i32 to index
      %get3A_22 = arith.constant 32 : index
      %get3A_23 = tpu.vector_load %arg4[%get3A_21, %get3A_22] {strides = array<i32>} : memref<80x128xi32, #tpu.memory_space<vmem>>, vector<16xi32>,
      tpu.vector_store_idx %arg5[%get3A_23], %broadcast_in_dim3A_8 {add = true} : memref<10240xf32, #tpu.memory_space<vmem>>[vector<16xi32>], vector<16xf32>,
      %get3A_24 = arith.index_cast %scan3A_15 : i32 to index
      %get3A_25 = arith.constant 48 : index
      %get3A_26 = tpu.vector_load %arg4[%get3A_24, %get3A_25] {strides = array<i32>} : memref<80x128xi32, #tpu.memory_space<vmem>>, vector<16xi32>,
      tpu.vector_store_idx %arg5[%get3A_26], %broadcast_in_dim3A_8 {add = true} : memref<10240xf32, #tpu.memory_space<vmem>>[vector<16xi32>], vector<16xf32>,
      %get3A_27 = arith.index_cast %scan3A_15 : i32 to index
      %get3A_28 = arith.constant 64 : index
      %get3A_29 = tpu.vector_load %arg4[%get3A_27, %get3A_28] {strides = array<i32>} : memref<80x128xi32, #tpu.memory_space<vmem>>, vector<16xi32>,
      tpu.vector_store_idx %arg5[%get3A_29], %broadcast_in_dim3A_8 {add = true} : memref<10240xf32, #tpu.memory_space<vmem>>[vector<16xi32>], vector<16xf32>,
      %get3A_30 = arith.index_cast %scan3A_15 : i32 to index
      %get3A_31 = arith.constant 80 : index
      %get3A_32 = tpu.vector_load %arg4[%get3A_30, %get3A_31] {strides = array<i32>} : memref<80x128xi32, #tpu.memory_space<vmem>>, vector<16xi32>,
      tpu.vector_store_idx %arg5[%get3A_32], %broadcast_in_dim3A_8 {add = true} : memref<10240xf32, #tpu.memory_space<vmem>>[vector<16xi32>], vector<16xf32>,
      %get3A_33 = arith.index_cast %scan3A_15 : i32 to index
      %get3A_34 = arith.constant 96 : index
      %get3A_35 = tpu.vector_load %arg4[%get3A_33, %get3A_34] {strides = array<i32>} : memref<80x128xi32, #tpu.memory_space<vmem>>, vector<16xi32>,
      tpu.vector_store_idx %arg5[%get3A_35], %broadcast_in_dim3A_8 {add = true} : memref<10240xf32, #tpu.memory_space<vmem>>[vector<16xi32>], vector<16xf32>,
      %get3A_36 = arith.index_cast %scan3A_15 : i32 to index
      %get3A_37 = arith.constant 112 : index
      %get3A_38 = tpu.vector_load %arg4[%get3A_36, %get3A_37] {strides = array<i32>} : memref<80x128xi32, #tpu.memory_space<vmem>>, vector<16xi32>,
      tpu.vector_store_idx %arg5[%get3A_38], %broadcast_in_dim3A_8 {add = true} : memref<10240xf32, #tpu.memory_space<vmem>>[vector<16xi32>], vector<16xf32>,
    }
    %scan3A_14 = arith.constant 80 : i32
    "tpu.region"() ({
      %run_scoped3A = tpu.sem_alloc : memref<!tpu.dma_semaphore, #tpu.memory_space<semaphore_mem>>
      %dma_start3A = arith.constant 0 : i32
      %dma_start3A_15 = tpu.memref_slice %arg3[%add3A, %dma_start3A] : memref<32x10240xf32, #tpu.memory_space<hbm>> -> memref<1x10240xf32, #tpu.memory_space<hbm>>
      %dma_start3A_16 = tpu.memref_squeeze %dma_start3A_15 : memref<1x10240xf32, #tpu.memory_space<hbm>> -> memref<10240xf32, #tpu.memory_space<hbm>>
      %dma_start3A_17 = arith.constant 0 : i32
      %dma_start3A_18 = tpu.memref_slice %arg3[%add3A, %dma_start3A_17] : memref<32x10240xf32, #tpu.memory_space<hbm>> -> memref<1x10240xf32, #tpu.memory_space<hbm>>
      %dma_start3A_19 = tpu.memref_squeeze %dma_start3A_18 : memref<1x10240xf32, #tpu.memory_space<hbm>> -> memref<10240xf32, #tpu.memory_space<hbm>>
      tpu.enqueue_dma source(%arg5 : memref<10240xf32, #tpu.memory_space<vmem>>) target(%dma_start3A_19 : memref<10240xf32, #tpu.memory_space<hbm>>) target_semaphore(%run_scoped3A : memref<!tpu.dma_semaphore, #tpu.memory_space<semaphore_mem>>)
      %dma_wait3A = arith.constant 0 : i32
      %dma_wait3A_20 = tpu.memref_slice %arg3[%add3A, %dma_wait3A] : memref<32x10240xf32, #tpu.memory_space<hbm>> -> memref<1x10240xf32, #tpu.memory_space<hbm>>
      %dma_wait3A_21 = tpu.memref_squeeze %dma_wait3A_20 : memref<1x10240xf32, #tpu.memory_space<hbm>> -> memref<10240xf32, #tpu.memory_space<hbm>>
      %dma_wait3A_22 = arith.constant 0 : i32
      %dma_wait3A_23 = tpu.memref_slice %arg3[%add3A, %dma_wait3A_22] : memref<32x10240xf32, #tpu.memory_space<hbm>> -> memref<1x10240xf32, #tpu.memory_space<hbm>>
      %dma_wait3A_24 = tpu.memref_squeeze %dma_wait3A_23 : memref<1x10240xf32, #tpu.memory_space<hbm>> -> memref<10240xf32, #tpu.memory_space<hbm>>
      tpu.wait_dma2 semaphore(%run_scoped3A : memref<!tpu.dma_semaphore, #tpu.memory_space<semaphore_mem>>) src(%arg5 : memref<10240xf32, #tpu.memory_space<vmem>>) dst(%dma_wait3A_24 : memref<10240xf32, #tpu.memory_space<hbm>>)
      tpu.yield
    }) : () -> ()
    return
  }
}

#map = affine_map<(d0, d1) -> (0, 0, 0)>
#map1 = affine_map<(d0, d1) -> (0, 0)>
module attributes {stable_mosaic.version = 14 : i64} {
  func.func @_prop(%arg0: i32, %arg1: i32, %arg2: memref<32x80x128xi32, #tpu.memory_space<hbm>>, %arg3: memref<32x80x128xi32, #tpu.memory_space<hbm>>, %arg4: memref<10240x64xf32, #tpu.memory_space<hbm>>, %arg5: memref<10240x64xf32, #tpu.memory_space<hbm>>, %arg6: memref<2x10240x64xf32, #tpu.memory_space<hbm>>, %arg7: memref<80x128xi32, #tpu.memory_space<vmem>>, %arg8: memref<80x128xi32, #tpu.memory_space<vmem>>, %arg9: memref<8x128x64xf32, #tpu.memory_space<vmem>>, %arg10: memref<10240x64xf32, #tpu.memory_space<vmem_shared>>, %arg11: memref<!tpu.dma_semaphore, #tpu.memory_space<semaphore_mem>>, %arg12: memref<!tpu.dma_semaphore, #tpu.memory_space<semaphore_mem>>, %arg13: memref<!tpu.dma_semaphore, #tpu.memory_space<semaphore_mem>>, %arg14: memref<!tpu.dma_semaphore, #tpu.memory_space<semaphore_mem>>, %arg15: memref<!tpu.dma_semaphore, #tpu.memory_space<semaphore_mem>>) attributes {dimension_semantics = [#tpu.dimension_semantics<core_parallel>, #tpu.dimension_semantics<subcore_parallel>], iteration_bounds = array<i64: 2, 16>, scalar_prefetch = 0 : i64, scratch_operands = 9 : i64, tpu.core_type = #tpu.core_type<sc_vector_subcore>, window_params = [{transform_indices = #map}, {transform_indices = #map}, {transform_indices = #map1}, {transform_indices = #map1}, {transform_indices = #map}]} {
    %mul3A = arith.constant 16 : i32
    %mul3A_0 = arith.muli %arg0, %mul3A : i32
    %add3A = arith.addi %mul3A_0, %arg1 : i32
    %mul3A_1 = arith.constant 640 : i32
    %mul3A_2 = arith.muli %arg1, %mul3A_1 : i32
    %dma_start3A = arith.constant 0 : i32
    %dma_start3A_3 = tpu.memref_slice %arg10[%mul3A_2, %dma_start3A] : memref<10240x64xf32, #tpu.memory_space<vmem_shared>> -> memref<640x64xf32, #tpu.memory_space<vmem_shared>>
    %dma_start3A_4 = arith.constant 0 : i32
    %dma_start3A_5 = tpu.memref_slice %arg5[%mul3A_2, %dma_start3A_4] : memref<10240x64xf32, #tpu.memory_space<hbm>> -> memref<640x64xf32, #tpu.memory_space<hbm>>
    tpu.enqueue_dma source(%dma_start3A_5 : memref<640x64xf32, #tpu.memory_space<hbm>>) target(%dma_start3A_3 : memref<640x64xf32, #tpu.memory_space<vmem_shared>>) target_semaphore(%arg11 : memref<!tpu.dma_semaphore, #tpu.memory_space<semaphore_mem>>)
    %dma_start3A_6 = arith.constant 0 : i32
    %dma_start3A_7 = arith.constant 0 : i32
    %dma_start3A_8 = tpu.memref_slice %arg2[%add3A, %dma_start3A_6, %dma_start3A_7] : memref<32x80x128xi32, #tpu.memory_space<hbm>> -> memref<1x80x128xi32, #tpu.memory_space<hbm>>
    %dma_start3A_9 = tpu.memref_squeeze %dma_start3A_8 : memref<1x80x128xi32, #tpu.memory_space<hbm>> -> memref<80x128xi32, #tpu.memory_space<hbm>>
    %dma_start3A_10 = arith.constant 0 : i32
    %dma_start3A_11 = arith.constant 0 : i32
    %dma_start3A_12 = tpu.memref_slice %arg2[%add3A, %dma_start3A_10, %dma_start3A_11] : memref<32x80x128xi32, #tpu.memory_space<hbm>> -> memref<1x80x128xi32, #tpu.memory_space<hbm>>
    %dma_start3A_13 = tpu.memref_squeeze %dma_start3A_12 : memref<1x80x128xi32, #tpu.memory_space<hbm>> -> memref<80x128xi32, #tpu.memory_space<hbm>>
    tpu.enqueue_dma source(%dma_start3A_13 : memref<80x128xi32, #tpu.memory_space<hbm>>) target(%arg7 : memref<80x128xi32, #tpu.memory_space<vmem>>) target_semaphore(%arg11 : memref<!tpu.dma_semaphore, #tpu.memory_space<semaphore_mem>>)
    %dma_start3A_14 = arith.constant 0 : i32
    %dma_start3A_15 = arith.constant 0 : i32
    %dma_start3A_16 = tpu.memref_slice %arg3[%add3A, %dma_start3A_14, %dma_start3A_15] : memref<32x80x128xi32, #tpu.memory_space<hbm>> -> memref<1x80x128xi32, #tpu.memory_space<hbm>>
    %dma_start3A_17 = tpu.memref_squeeze %dma_start3A_16 : memref<1x80x128xi32, #tpu.memory_space<hbm>> -> memref<80x128xi32, #tpu.memory_space<hbm>>
    %dma_start3A_18 = arith.constant 0 : i32
    %dma_start3A_19 = arith.constant 0 : i32
    %dma_start3A_20 = tpu.memref_slice %arg3[%add3A, %dma_start3A_18, %dma_start3A_19] : memref<32x80x128xi32, #tpu.memory_space<hbm>> -> memref<1x80x128xi32, #tpu.memory_space<hbm>>
    %dma_start3A_21 = tpu.memref_squeeze %dma_start3A_20 : memref<1x80x128xi32, #tpu.memory_space<hbm>> -> memref<80x128xi32, #tpu.memory_space<hbm>>
    tpu.enqueue_dma source(%dma_start3A_21 : memref<80x128xi32, #tpu.memory_space<hbm>>) target(%arg8 : memref<80x128xi32, #tpu.memory_space<vmem>>) target_semaphore(%arg11 : memref<!tpu.dma_semaphore, #tpu.memory_space<semaphore_mem>>)
    %dma_wait3A = arith.constant 0 : i32
    %dma_wait3A_22 = tpu.memref_slice %arg10[%mul3A_2, %dma_wait3A] : memref<10240x64xf32, #tpu.memory_space<vmem_shared>> -> memref<640x64xf32, #tpu.memory_space<vmem_shared>>
    %dma_wait3A_23 = arith.constant 0 : i32
    %dma_wait3A_24 = tpu.memref_slice %arg5[%mul3A_2, %dma_wait3A_23] : memref<10240x64xf32, #tpu.memory_space<hbm>> -> memref<640x64xf32, #tpu.memory_space<hbm>>
    tpu.wait_dma2 semaphore(%arg11 : memref<!tpu.dma_semaphore, #tpu.memory_space<semaphore_mem>>) src(%dma_wait3A_24 : memref<640x64xf32, #tpu.memory_space<hbm>>) dst(%dma_wait3A_22 : memref<640x64xf32, #tpu.memory_space<vmem_shared>>)
    %dma_wait3A_25 = arith.constant 0 : i32
    %dma_wait3A_26 = arith.constant 0 : i32
    %dma_wait3A_27 = tpu.memref_slice %arg2[%add3A, %dma_wait3A_25, %dma_wait3A_26] : memref<32x80x128xi32, #tpu.memory_space<hbm>> -> memref<1x80x128xi32, #tpu.memory_space<hbm>>
    %dma_wait3A_28 = tpu.memref_squeeze %dma_wait3A_27 : memref<1x80x128xi32, #tpu.memory_space<hbm>> -> memref<80x128xi32, #tpu.memory_space<hbm>>
    %dma_wait3A_29 = arith.constant 0 : i32
    %dma_wait3A_30 = arith.constant 0 : i32
    %dma_wait3A_31 = tpu.memref_slice %arg2[%add3A, %dma_wait3A_29, %dma_wait3A_30] : memref<32x80x128xi32, #tpu.memory_space<hbm>> -> memref<1x80x128xi32, #tpu.memory_space<hbm>>
    %dma_wait3A_32 = tpu.memref_squeeze %dma_wait3A_31 : memref<1x80x128xi32, #tpu.memory_space<hbm>> -> memref<80x128xi32, #tpu.memory_space<hbm>>
    tpu.wait_dma2 semaphore(%arg11 : memref<!tpu.dma_semaphore, #tpu.memory_space<semaphore_mem>>) src(%dma_wait3A_32 : memref<80x128xi32, #tpu.memory_space<hbm>>) dst(%arg7 : memref<80x128xi32, #tpu.memory_space<vmem>>)
    %dma_wait3A_33 = arith.constant 0 : i32
    %dma_wait3A_34 = arith.constant 0 : i32
    %dma_wait3A_35 = tpu.memref_slice %arg3[%add3A, %dma_wait3A_33, %dma_wait3A_34] : memref<32x80x128xi32, #tpu.memory_space<hbm>> -> memref<1x80x128xi32, #tpu.memory_space<hbm>>
    %dma_wait3A_36 = tpu.memref_squeeze %dma_wait3A_35 : memref<1x80x128xi32, #tpu.memory_space<hbm>> -> memref<80x128xi32, #tpu.memory_space<hbm>>
    %dma_wait3A_37 = arith.constant 0 : i32
    %dma_wait3A_38 = arith.constant 0 : i32
    %dma_wait3A_39 = tpu.memref_slice %arg3[%add3A, %dma_wait3A_37, %dma_wait3A_38] : memref<32x80x128xi32, #tpu.memory_space<hbm>> -> memref<1x80x128xi32, #tpu.memory_space<hbm>>
    %dma_wait3A_40 = tpu.memref_squeeze %dma_wait3A_39 : memref<1x80x128xi32, #tpu.memory_space<hbm>> -> memref<80x128xi32, #tpu.memory_space<hbm>>
    tpu.wait_dma2 semaphore(%arg11 : memref<!tpu.dma_semaphore, #tpu.memory_space<semaphore_mem>>) src(%dma_wait3A_40 : memref<80x128xi32, #tpu.memory_space<hbm>>) dst(%arg8 : memref<80x128xi32, #tpu.memory_space<vmem>>)
    %barrier3A = arith.constant 0 : index
    tpu.barrier barrier_id(%barrier3A)
    %dma_start3A_41 = arith.constant 0 : i32
    %dma_start3A_42 = arith.constant 0 : i32
    %dma_start3A_43 = arith.constant 0 : i32
    %dma_start3A_44 = arith.constant 0 : i32
    %dma_start3A_45 = tpu.memref_slice %arg9[%dma_start3A_42, %dma_start3A_43, %dma_start3A_44] : memref<8x128x64xf32, #tpu.memory_space<vmem>> -> memref<1x128x64xf32, #tpu.memory_space<vmem>>
    %dma_start3A_46 = tpu.memref_squeeze %dma_start3A_45 : memref<1x128x64xf32, #tpu.memory_space<vmem>> -> memref<128x64xf32, #tpu.memory_space<vmem>>
    %dma_start3A_47 = arith.constant 0 : i32
    %dma_start3A_48 = tpu.memref_slice %arg7[%dma_start3A_41, %dma_start3A_47] : memref<80x128xi32, #tpu.memory_space<vmem>> -> memref<1x128xi32, #tpu.memory_space<vmem>>
    %dma_start3A_49 = tpu.memref_squeeze %dma_start3A_48 : memref<1x128xi32, #tpu.memory_space<vmem>> -> memref<128xi32, #tpu.memory_space<vmem>>
    %dma_start3A_50 = arith.constant 0 : i32
    %dma_start3A_51 = arith.constant 0 : i32
    %dma_start3A_52 = tpu.memref_slice %arg4[%dma_start3A_50, %dma_start3A_51] : memref<10240x64xf32, #tpu.memory_space<hbm>> -> memref<10240x64xf32, #tpu.memory_space<hbm>>
    tpu.enqueue_indirect_dma source(%dma_start3A_52 : memref<10240x64xf32, #tpu.memory_space<hbm>>) target(%dma_start3A_46 : memref<128x64xf32, #tpu.memory_space<vmem>>) offsets(%dma_start3A_49 : memref<128xi32, #tpu.memory_space<vmem>>) semaphore(%arg12 : memref<!tpu.dma_semaphore, #tpu.memory_space<semaphore_mem>>)
    %dma_start3A_53 = arith.constant 1 : i32
    %dma_start3A_54 = arith.constant 1 : i32
    %dma_start3A_55 = arith.constant 0 : i32
    %dma_start3A_56 = arith.constant 0 : i32
    %dma_start3A_57 = tpu.memref_slice %arg9[%dma_start3A_54, %dma_start3A_55, %dma_start3A_56] : memref<8x128x64xf32, #tpu.memory_space<vmem>> -> memref<1x128x64xf32, #tpu.memory_space<vmem>>
    %dma_start3A_58 = tpu.memref_squeeze %dma_start3A_57 : memref<1x128x64xf32, #tpu.memory_space<vmem>> -> memref<128x64xf32, #tpu.memory_space<vmem>>
    %dma_start3A_59 = arith.constant 0 : i32
    %dma_start3A_60 = tpu.memref_slice %arg7[%dma_start3A_53, %dma_start3A_59] : memref<80x128xi32, #tpu.memory_space<vmem>> -> memref<1x128xi32, #tpu.memory_space<vmem>>
    %dma_start3A_61 = tpu.memref_squeeze %dma_start3A_60 : memref<1x128xi32, #tpu.memory_space<vmem>> -> memref<128xi32, #tpu.memory_space<vmem>>
    %dma_start3A_62 = arith.constant 0 : i32
    %dma_start3A_63 = arith.constant 0 : i32
    %dma_start3A_64 = tpu.memref_slice %arg4[%dma_start3A_62, %dma_start3A_63] : memref<10240x64xf32, #tpu.memory_space<hbm>> -> memref<10240x64xf32, #tpu.memory_space<hbm>>
    tpu.enqueue_indirect_dma source(%dma_start3A_64 : memref<10240x64xf32, #tpu.memory_space<hbm>>) target(%dma_start3A_58 : memref<128x64xf32, #tpu.memory_space<vmem>>) offsets(%dma_start3A_61 : memref<128xi32, #tpu.memory_space<vmem>>) semaphore(%arg12 : memref<!tpu.dma_semaphore, #tpu.memory_space<semaphore_mem>>)
    %dma_start3A_65 = arith.constant 2 : i32
    %dma_start3A_66 = arith.constant 2 : i32
    %dma_start3A_67 = arith.constant 0 : i32
    %dma_start3A_68 = arith.constant 0 : i32
    %dma_start3A_69 = tpu.memref_slice %arg9[%dma_start3A_66, %dma_start3A_67, %dma_start3A_68] : memref<8x128x64xf32, #tpu.memory_space<vmem>> -> memref<1x128x64xf32, #tpu.memory_space<vmem>>
    %dma_start3A_70 = tpu.memref_squeeze %dma_start3A_69 : memref<1x128x64xf32, #tpu.memory_space<vmem>> -> memref<128x64xf32, #tpu.memory_space<vmem>>
    %dma_start3A_71 = arith.constant 0 : i32
    %dma_start3A_72 = tpu.memref_slice %arg7[%dma_start3A_65, %dma_start3A_71] : memref<80x128xi32, #tpu.memory_space<vmem>> -> memref<1x128xi32, #tpu.memory_space<vmem>>
    %dma_start3A_73 = tpu.memref_squeeze %dma_start3A_72 : memref<1x128xi32, #tpu.memory_space<vmem>> -> memref<128xi32, #tpu.memory_space<vmem>>
    %dma_start3A_74 = arith.constant 0 : i32
    %dma_start3A_75 = arith.constant 0 : i32
    %dma_start3A_76 = tpu.memref_slice %arg4[%dma_start3A_74, %dma_start3A_75] : memref<10240x64xf32, #tpu.memory_space<hbm>> -> memref<10240x64xf32, #tpu.memory_space<hbm>>
    tpu.enqueue_indirect_dma source(%dma_start3A_76 : memref<10240x64xf32, #tpu.memory_space<hbm>>) target(%dma_start3A_70 : memref<128x64xf32, #tpu.memory_space<vmem>>) offsets(%dma_start3A_73 : memref<128xi32, #tpu.memory_space<vmem>>) semaphore(%arg12 : memref<!tpu.dma_semaphore, #tpu.memory_space<semaphore_mem>>)
    %dma_start3A_77 = arith.constant 3 : i32
    %dma_start3A_78 = arith.constant 3 : i32
    %dma_start3A_79 = arith.constant 0 : i32
    %dma_start3A_80 = arith.constant 0 : i32
    %dma_start3A_81 = tpu.memref_slice %arg9[%dma_start3A_78, %dma_start3A_79, %dma_start3A_80] : memref<8x128x64xf32, #tpu.memory_space<vmem>> -> memref<1x128x64xf32, #tpu.memory_space<vmem>>
    %dma_start3A_82 = tpu.memref_squeeze %dma_start3A_81 : memref<1x128x64xf32, #tpu.memory_space<vmem>> -> memref<128x64xf32, #tpu.memory_space<vmem>>
    %dma_start3A_83 = arith.constant 0 : i32
    %dma_start3A_84 = tpu.memref_slice %arg7[%dma_start3A_77, %dma_start3A_83] : memref<80x128xi32, #tpu.memory_space<vmem>> -> memref<1x128xi32, #tpu.memory_space<vmem>>
    %dma_start3A_85 = tpu.memref_squeeze %dma_start3A_84 : memref<1x128xi32, #tpu.memory_space<vmem>> -> memref<128xi32, #tpu.memory_space<vmem>>
    %dma_start3A_86 = arith.constant 0 : i32
    %dma_start3A_87 = arith.constant 0 : i32
    %dma_start3A_88 = tpu.memref_slice %arg4[%dma_start3A_86, %dma_start3A_87] : memref<10240x64xf32, #tpu.memory_space<hbm>> -> memref<10240x64xf32, #tpu.memory_space<hbm>>
    tpu.enqueue_indirect_dma source(%dma_start3A_88 : memref<10240x64xf32, #tpu.memory_space<hbm>>) target(%dma_start3A_82 : memref<128x64xf32, #tpu.memory_space<vmem>>) offsets(%dma_start3A_85 : memref<128xi32, #tpu.memory_space<vmem>>) semaphore(%arg12 : memref<!tpu.dma_semaphore, #tpu.memory_space<semaphore_mem>>)
    %scan3A = arith.constant 0 : i32
    %scan3A_89 = arith.constant 0 : i32
    %scan3A_90 = arith.constant 10 : i32
    %scan3A_91 = arith.addi %scan3A_89, %scan3A_90 : i32
    %scan3A_92 = arith.constant 1 : i32
    scf.for %scan3A_143 = %scan3A_89 to %scan3A_91 step %scan3A_92  : i32 {
      %mul3A_144 = arith.constant 2 : i32
      %mul3A_145 = arith.muli %scan3A_143, %mul3A_144 : i32
      %mul3A_146 = arith.constant 4 : i32
      %mul3A_147 = arith.muli %mul3A_145, %mul3A_146 : i32
      %ge3A = arith.constant 1 : i32
      %ge3A_148 = arith.cmpi sge, %scan3A_143, %ge3A : i32
      %convert_element_type3A = arith.extui %ge3A_148 : i1 to i32
      %cond3A = arith.constant 0 : i32
      %cond3A_149 = arith.cmpi ne, %convert_element_type3A, %cond3A : i32
      scf.if %cond3A_149 {
        %sub3A = arith.constant 4 : i32
        %sub3A_492 = arith.subi %mul3A_147, %sub3A : i32
        %add3A_493 = arith.constant 0 : i32
        %add3A_494 = arith.addi %sub3A_492, %add3A_493 : i32
        %dma_wait3A_495 = arith.constant 4 : i32
        %dma_wait3A_496 = arith.constant 0 : i32
        %dma_wait3A_497 = arith.constant 0 : i32
        %dma_wait3A_498 = tpu.memref_slice %arg9[%dma_wait3A_495, %dma_wait3A_496, %dma_wait3A_497] : memref<8x128x64xf32, #tpu.memory_space<vmem>> -> memref<1x128x64xf32, #tpu.memory_space<vmem>>
        %dma_wait3A_499 = tpu.memref_squeeze %dma_wait3A_498 : memref<1x128x64xf32, #tpu.memory_space<vmem>> -> memref<128x64xf32, #tpu.memory_space<vmem>>
        %dma_wait3A_500 = arith.constant 0 : i32
        %dma_wait3A_501 = tpu.memref_slice %arg8[%add3A_494, %dma_wait3A_500] : memref<80x128xi32, #tpu.memory_space<vmem>> -> memref<1x128xi32, #tpu.memory_space<vmem>>
        %dma_wait3A_502 = tpu.memref_squeeze %dma_wait3A_501 : memref<1x128xi32, #tpu.memory_space<vmem>> -> memref<128xi32, #tpu.memory_space<vmem>>
        %dma_wait3A_503 = arith.constant 0 : i32
        %dma_wait3A_504 = arith.constant 0 : i32
        %dma_wait3A_505 = tpu.memref_slice %arg10[%dma_wait3A_503, %dma_wait3A_504] : memref<10240x64xf32, #tpu.memory_space<vmem_shared>> -> memref<10240x64xf32, #tpu.memory_space<vmem_shared>>
        tpu.wait_indirect_dma semaphore(%arg15 : memref<!tpu.dma_semaphore, #tpu.memory_space<semaphore_mem>>) src(%dma_wait3A_499 : memref<128x64xf32, #tpu.memory_space<vmem>>) dst(%dma_wait3A_505 : memref<10240x64xf32, #tpu.memory_space<vmem_shared>>)
        %sub3A_506 = arith.constant 4 : i32
        %sub3A_507 = arith.subi %mul3A_147, %sub3A_506 : i32
        %add3A_508 = arith.constant 1 : i32
        %add3A_509 = arith.addi %sub3A_507, %add3A_508 : i32
        %dma_wait3A_510 = arith.constant 5 : i32
        %dma_wait3A_511 = arith.constant 0 : i32
        %dma_wait3A_512 = arith.constant 0 : i32
        %dma_wait3A_513 = tpu.memref_slice %arg9[%dma_wait3A_510, %dma_wait3A_511, %dma_wait3A_512] : memref<8x128x64xf32, #tpu.memory_space<vmem>> -> memref<1x128x64xf32, #tpu.memory_space<vmem>>
        %dma_wait3A_514 = tpu.memref_squeeze %dma_wait3A_513 : memref<1x128x64xf32, #tpu.memory_space<vmem>> -> memref<128x64xf32, #tpu.memory_space<vmem>>
        %dma_wait3A_515 = arith.constant 0 : i32
        %dma_wait3A_516 = tpu.memref_slice %arg8[%add3A_509, %dma_wait3A_515] : memref<80x128xi32, #tpu.memory_space<vmem>> -> memref<1x128xi32, #tpu.memory_space<vmem>>
        %dma_wait3A_517 = tpu.memref_squeeze %dma_wait3A_516 : memref<1x128xi32, #tpu.memory_space<vmem>> -> memref<128xi32, #tpu.memory_space<vmem>>
        %dma_wait3A_518 = arith.constant 0 : i32
        %dma_wait3A_519 = arith.constant 0 : i32
        %dma_wait3A_520 = tpu.memref_slice %arg10[%dma_wait3A_518, %dma_wait3A_519] : memref<10240x64xf32, #tpu.memory_space<vmem_shared>> -> memref<10240x64xf32, #tpu.memory_space<vmem_shared>>
        tpu.wait_indirect_dma semaphore(%arg15 : memref<!tpu.dma_semaphore, #tpu.memory_space<semaphore_mem>>) src(%dma_wait3A_514 : memref<128x64xf32, #tpu.memory_space<vmem>>) dst(%dma_wait3A_520 : memref<10240x64xf32, #tpu.memory_space<vmem_shared>>)
        %sub3A_521 = arith.constant 4 : i32
        %sub3A_522 = arith.subi %mul3A_147, %sub3A_521 : i32
        %add3A_523 = arith.constant 2 : i32
        %add3A_524 = arith.addi %sub3A_522, %add3A_523 : i32
        %dma_wait3A_525 = arith.constant 6 : i32
        %dma_wait3A_526 = arith.constant 0 : i32
        %dma_wait3A_527 = arith.constant 0 : i32
        %dma_wait3A_528 = tpu.memref_slice %arg9[%dma_wait3A_525, %dma_wait3A_526, %dma_wait3A_527] : memref<8x128x64xf32, #tpu.memory_space<vmem>> -> memref<1x128x64xf32, #tpu.memory_space<vmem>>
        %dma_wait3A_529 = tpu.memref_squeeze %dma_wait3A_528 : memref<1x128x64xf32, #tpu.memory_space<vmem>> -> memref<128x64xf32, #tpu.memory_space<vmem>>
        %dma_wait3A_530 = arith.constant 0 : i32
        %dma_wait3A_531 = tpu.memref_slice %arg8[%add3A_524, %dma_wait3A_530] : memref<80x128xi32, #tpu.memory_space<vmem>> -> memref<1x128xi32, #tpu.memory_space<vmem>>
        %dma_wait3A_532 = tpu.memref_squeeze %dma_wait3A_531 : memref<1x128xi32, #tpu.memory_space<vmem>> -> memref<128xi32, #tpu.memory_space<vmem>>
        %dma_wait3A_533 = arith.constant 0 : i32
        %dma_wait3A_534 = arith.constant 0 : i32
        %dma_wait3A_535 = tpu.memref_slice %arg10[%dma_wait3A_533, %dma_wait3A_534] : memref<10240x64xf32, #tpu.memory_space<vmem_shared>> -> memref<10240x64xf32, #tpu.memory_space<vmem_shared>>
        tpu.wait_indirect_dma semaphore(%arg15 : memref<!tpu.dma_semaphore, #tpu.memory_space<semaphore_mem>>) src(%dma_wait3A_529 : memref<128x64xf32, #tpu.memory_space<vmem>>) dst(%dma_wait3A_535 : memref<10240x64xf32, #tpu.memory_space<vmem_shared>>)
        %sub3A_536 = arith.constant 4 : i32
        %sub3A_537 = arith.subi %mul3A_147, %sub3A_536 : i32
        %add3A_538 = arith.constant 3 : i32
        %add3A_539 = arith.addi %sub3A_537, %add3A_538 : i32
        %dma_wait3A_540 = arith.constant 7 : i32
        %dma_wait3A_541 = arith.constant 0 : i32
        %dma_wait3A_542 = arith.constant 0 : i32
        %dma_wait3A_543 = tpu.memref_slice %arg9[%dma_wait3A_540, %dma_wait3A_541, %dma_wait3A_542] : memref<8x128x64xf32, #tpu.memory_space<vmem>> -> memref<1x128x64xf32, #tpu.memory_space<vmem>>
        %dma_wait3A_544 = tpu.memref_squeeze %dma_wait3A_543 : memref<1x128x64xf32, #tpu.memory_space<vmem>> -> memref<128x64xf32, #tpu.memory_space<vmem>>
        %dma_wait3A_545 = arith.constant 0 : i32
        %dma_wait3A_546 = tpu.memref_slice %arg8[%add3A_539, %dma_wait3A_545] : memref<80x128xi32, #tpu.memory_space<vmem>> -> memref<1x128xi32, #tpu.memory_space<vmem>>
        %dma_wait3A_547 = tpu.memref_squeeze %dma_wait3A_546 : memref<1x128xi32, #tpu.memory_space<vmem>> -> memref<128xi32, #tpu.memory_space<vmem>>
        %dma_wait3A_548 = arith.constant 0 : i32
        %dma_wait3A_549 = arith.constant 0 : i32
        %dma_wait3A_550 = tpu.memref_slice %arg10[%dma_wait3A_548, %dma_wait3A_549] : memref<10240x64xf32, #tpu.memory_space<vmem_shared>> -> memref<10240x64xf32, #tpu.memory_space<vmem_shared>>
        tpu.wait_indirect_dma semaphore(%arg15 : memref<!tpu.dma_semaphore, #tpu.memory_space<semaphore_mem>>) src(%dma_wait3A_544 : memref<128x64xf32, #tpu.memory_space<vmem>>) dst(%dma_wait3A_550 : memref<10240x64xf32, #tpu.memory_space<vmem_shared>>)
      } else {
      }
      %add3A_150 = arith.constant 4 : i32
      %add3A_151 = arith.addi %mul3A_147, %add3A_150 : i32
      %add3A_152 = arith.constant 0 : i32
      %add3A_153 = arith.addi %add3A_151, %add3A_152 : i32
      %dma_start3A_154 = arith.constant 4 : i32
      %dma_start3A_155 = arith.constant 0 : i32
      %dma_start3A_156 = arith.constant 0 : i32
      %dma_start3A_157 = tpu.memref_slice %arg9[%dma_start3A_154, %dma_start3A_155, %dma_start3A_156] : memref<8x128x64xf32, #tpu.memory_space<vmem>> -> memref<1x128x64xf32, #tpu.memory_space<vmem>>
      %dma_start3A_158 = tpu.memref_squeeze %dma_start3A_157 : memref<1x128x64xf32, #tpu.memory_space<vmem>> -> memref<128x64xf32, #tpu.memory_space<vmem>>
      %dma_start3A_159 = arith.constant 0 : i32
      %dma_start3A_160 = tpu.memref_slice %arg7[%add3A_153, %dma_start3A_159] : memref<80x128xi32, #tpu.memory_space<vmem>> -> memref<1x128xi32, #tpu.memory_space<vmem>>
      %dma_start3A_161 = tpu.memref_squeeze %dma_start3A_160 : memref<1x128xi32, #tpu.memory_space<vmem>> -> memref<128xi32, #tpu.memory_space<vmem>>
      %dma_start3A_162 = arith.constant 0 : i32
      %dma_start3A_163 = arith.constant 0 : i32
      %dma_start3A_164 = tpu.memref_slice %arg4[%dma_start3A_162, %dma_start3A_163] : memref<10240x64xf32, #tpu.memory_space<hbm>> -> memref<10240x64xf32, #tpu.memory_space<hbm>>
      tpu.enqueue_indirect_dma source(%dma_start3A_164 : memref<10240x64xf32, #tpu.memory_space<hbm>>) target(%dma_start3A_158 : memref<128x64xf32, #tpu.memory_space<vmem>>) offsets(%dma_start3A_161 : memref<128xi32, #tpu.memory_space<vmem>>) semaphore(%arg13 : memref<!tpu.dma_semaphore, #tpu.memory_space<semaphore_mem>>)
      %add3A_165 = arith.constant 4 : i32
      %add3A_166 = arith.addi %mul3A_147, %add3A_165 : i32
      %add3A_167 = arith.constant 1 : i32
      %add3A_168 = arith.addi %add3A_166, %add3A_167 : i32
      %dma_start3A_169 = arith.constant 5 : i32
      %dma_start3A_170 = arith.constant 0 : i32
      %dma_start3A_171 = arith.constant 0 : i32
      %dma_start3A_172 = tpu.memref_slice %arg9[%dma_start3A_169, %dma_start3A_170, %dma_start3A_171] : memref<8x128x64xf32, #tpu.memory_space<vmem>> -> memref<1x128x64xf32, #tpu.memory_space<vmem>>
      %dma_start3A_173 = tpu.memref_squeeze %dma_start3A_172 : memref<1x128x64xf32, #tpu.memory_space<vmem>> -> memref<128x64xf32, #tpu.memory_space<vmem>>
      %dma_start3A_174 = arith.constant 0 : i32
      %dma_start3A_175 = tpu.memref_slice %arg7[%add3A_168, %dma_start3A_174] : memref<80x128xi32, #tpu.memory_space<vmem>> -> memref<1x128xi32, #tpu.memory_space<vmem>>
      %dma_start3A_176 = tpu.memref_squeeze %dma_start3A_175 : memref<1x128xi32, #tpu.memory_space<vmem>> -> memref<128xi32, #tpu.memory_space<vmem>>
      %dma_start3A_177 = arith.constant 0 : i32
      %dma_start3A_178 = arith.constant 0 : i32
      %dma_start3A_179 = tpu.memref_slice %arg4[%dma_start3A_177, %dma_start3A_178] : memref<10240x64xf32, #tpu.memory_space<hbm>> -> memref<10240x64xf32, #tpu.memory_space<hbm>>
      tpu.enqueue_indirect_dma source(%dma_start3A_179 : memref<10240x64xf32, #tpu.memory_space<hbm>>) target(%dma_start3A_173 : memref<128x64xf32, #tpu.memory_space<vmem>>) offsets(%dma_start3A_176 : memref<128xi32, #tpu.memory_space<vmem>>) semaphore(%arg13 : memref<!tpu.dma_semaphore, #tpu.memory_space<semaphore_mem>>)
      %add3A_180 = arith.constant 4 : i32
      %add3A_181 = arith.addi %mul3A_147, %add3A_180 : i32
      %add3A_182 = arith.constant 2 : i32
      %add3A_183 = arith.addi %add3A_181, %add3A_182 : i32
      %dma_start3A_184 = arith.constant 6 : i32
      %dma_start3A_185 = arith.constant 0 : i32
      %dma_start3A_186 = arith.constant 0 : i32
      %dma_start3A_187 = tpu.memref_slice %arg9[%dma_start3A_184, %dma_start3A_185, %dma_start3A_186] : memref<8x128x64xf32, #tpu.memory_space<vmem>> -> memref<1x128x64xf32, #tpu.memory_space<vmem>>
      %dma_start3A_188 = tpu.memref_squeeze %dma_start3A_187 : memref<1x128x64xf32, #tpu.memory_space<vmem>> -> memref<128x64xf32, #tpu.memory_space<vmem>>
      %dma_start3A_189 = arith.constant 0 : i32
      %dma_start3A_190 = tpu.memref_slice %arg7[%add3A_183, %dma_start3A_189] : memref<80x128xi32, #tpu.memory_space<vmem>> -> memref<1x128xi32, #tpu.memory_space<vmem>>
      %dma_start3A_191 = tpu.memref_squeeze %dma_start3A_190 : memref<1x128xi32, #tpu.memory_space<vmem>> -> memref<128xi32, #tpu.memory_space<vmem>>
      %dma_start3A_192 = arith.constant 0 : i32
      %dma_start3A_193 = arith.constant 0 : i32
      %dma_start3A_194 = tpu.memref_slice %arg4[%dma_start3A_192, %dma_start3A_193] : memref<10240x64xf32, #tpu.memory_space<hbm>> -> memref<10240x64xf32, #tpu.memory_space<hbm>>
      tpu.enqueue_indirect_dma source(%dma_start3A_194 : memref<10240x64xf32, #tpu.memory_space<hbm>>) target(%dma_start3A_188 : memref<128x64xf32, #tpu.memory_space<vmem>>) offsets(%dma_start3A_191 : memref<128xi32, #tpu.memory_space<vmem>>) semaphore(%arg13 : memref<!tpu.dma_semaphore, #tpu.memory_space<semaphore_mem>>)
      %add3A_195 = arith.constant 4 : i32
      %add3A_196 = arith.addi %mul3A_147, %add3A_195 : i32
      %add3A_197 = arith.constant 3 : i32
      %add3A_198 = arith.addi %add3A_196, %add3A_197 : i32
      %dma_start3A_199 = arith.constant 7 : i32
      %dma_start3A_200 = arith.constant 0 : i32
      %dma_start3A_201 = arith.constant 0 : i32
      %dma_start3A_202 = tpu.memref_slice %arg9[%dma_start3A_199, %dma_start3A_200, %dma_start3A_201] : memref<8x128x64xf32, #tpu.memory_space<vmem>> -> memref<1x128x64xf32, #tpu.memory_space<vmem>>
      %dma_start3A_203 = tpu.memref_squeeze %dma_start3A_202 : memref<1x128x64xf32, #tpu.memory_space<vmem>> -> memref<128x64xf32, #tpu.memory_space<vmem>>
      %dma_start3A_204 = arith.constant 0 : i32
      %dma_start3A_205 = tpu.memref_slice %arg7[%add3A_198, %dma_start3A_204] : memref<80x128xi32, #tpu.memory_space<vmem>> -> memref<1x128xi32, #tpu.memory_space<vmem>>
      %dma_start3A_206 = tpu.memref_squeeze %dma_start3A_205 : memref<1x128xi32, #tpu.memory_space<vmem>> -> memref<128xi32, #tpu.memory_space<vmem>>
      %dma_start3A_207 = arith.constant 0 : i32
      %dma_start3A_208 = arith.constant 0 : i32
      %dma_start3A_209 = tpu.memref_slice %arg4[%dma_start3A_207, %dma_start3A_208] : memref<10240x64xf32, #tpu.memory_space<hbm>> -> memref<10240x64xf32, #tpu.memory_space<hbm>>
      tpu.enqueue_indirect_dma source(%dma_start3A_209 : memref<10240x64xf32, #tpu.memory_space<hbm>>) target(%dma_start3A_203 : memref<128x64xf32, #tpu.memory_space<vmem>>) offsets(%dma_start3A_206 : memref<128xi32, #tpu.memory_space<vmem>>) semaphore(%arg13 : memref<!tpu.dma_semaphore, #tpu.memory_space<semaphore_mem>>)
      %add3A_210 = arith.constant 0 : i32
      %add3A_211 = arith.addi %mul3A_147, %add3A_210 : i32
      %dma_wait3A_212 = arith.constant 0 : i32
      %dma_wait3A_213 = arith.constant 0 : i32
      %dma_wait3A_214 = arith.constant 0 : i32
      %dma_wait3A_215 = tpu.memref_slice %arg9[%dma_wait3A_212, %dma_wait3A_213, %dma_wait3A_214] : memref<8x128x64xf32, #tpu.memory_space<vmem>> -> memref<1x128x64xf32, #tpu.memory_space<vmem>>
      %dma_wait3A_216 = tpu.memref_squeeze %dma_wait3A_215 : memref<1x128x64xf32, #tpu.memory_space<vmem>> -> memref<128x64xf32, #tpu.memory_space<vmem>>
      %dma_wait3A_217 = arith.constant 0 : i32
      %dma_wait3A_218 = tpu.memref_slice %arg7[%add3A_211, %dma_wait3A_217] : memref<80x128xi32, #tpu.memory_space<vmem>> -> memref<1x128xi32, #tpu.memory_space<vmem>>
      %dma_wait3A_219 = tpu.memref_squeeze %dma_wait3A_218 : memref<1x128xi32, #tpu.memory_space<vmem>> -> memref<128xi32, #tpu.memory_space<vmem>>
      %dma_wait3A_220 = arith.constant 0 : i32
      %dma_wait3A_221 = arith.constant 0 : i32
      %dma_wait3A_222 = tpu.memref_slice %arg4[%dma_wait3A_220, %dma_wait3A_221] : memref<10240x64xf32, #tpu.memory_space<hbm>> -> memref<10240x64xf32, #tpu.memory_space<hbm>>
      tpu.wait_indirect_dma semaphore(%arg12 : memref<!tpu.dma_semaphore, #tpu.memory_space<semaphore_mem>>) src(%dma_wait3A_222 : memref<10240x64xf32, #tpu.memory_space<hbm>>) dst(%dma_wait3A_216 : memref<128x64xf32, #tpu.memory_space<vmem>>)
      %add3A_223 = arith.constant 1 : i32
      %add3A_224 = arith.addi %mul3A_147, %add3A_223 : i32
      %dma_wait3A_225 = arith.constant 1 : i32
      %dma_wait3A_226 = arith.constant 0 : i32
      %dma_wait3A_227 = arith.constant 0 : i32
      %dma_wait3A_228 = tpu.memref_slice %arg9[%dma_wait3A_225, %dma_wait3A_226, %dma_wait3A_227] : memref<8x128x64xf32, #tpu.memory_space<vmem>> -> memref<1x128x64xf32, #tpu.memory_space<vmem>>
      %dma_wait3A_229 = tpu.memref_squeeze %dma_wait3A_228 : memref<1x128x64xf32, #tpu.memory_space<vmem>> -> memref<128x64xf32, #tpu.memory_space<vmem>>
      %dma_wait3A_230 = arith.constant 0 : i32
      %dma_wait3A_231 = tpu.memref_slice %arg7[%add3A_224, %dma_wait3A_230] : memref<80x128xi32, #tpu.memory_space<vmem>> -> memref<1x128xi32, #tpu.memory_space<vmem>>
      %dma_wait3A_232 = tpu.memref_squeeze %dma_wait3A_231 : memref<1x128xi32, #tpu.memory_space<vmem>> -> memref<128xi32, #tpu.memory_space<vmem>>
      %dma_wait3A_233 = arith.constant 0 : i32
      %dma_wait3A_234 = arith.constant 0 : i32
      %dma_wait3A_235 = tpu.memref_slice %arg4[%dma_wait3A_233, %dma_wait3A_234] : memref<10240x64xf32, #tpu.memory_space<hbm>> -> memref<10240x64xf32, #tpu.memory_space<hbm>>
      tpu.wait_indirect_dma semaphore(%arg12 : memref<!tpu.dma_semaphore, #tpu.memory_space<semaphore_mem>>) src(%dma_wait3A_235 : memref<10240x64xf32, #tpu.memory_space<hbm>>) dst(%dma_wait3A_229 : memref<128x64xf32, #tpu.memory_space<vmem>>)
      %add3A_236 = arith.constant 2 : i32
      %add3A_237 = arith.addi %mul3A_147, %add3A_236 : i32
      %dma_wait3A_238 = arith.constant 2 : i32
      %dma_wait3A_239 = arith.constant 0 : i32
      %dma_wait3A_240 = arith.constant 0 : i32
      %dma_wait3A_241 = tpu.memref_slice %arg9[%dma_wait3A_238, %dma_wait3A_239, %dma_wait3A_240] : memref<8x128x64xf32, #tpu.memory_space<vmem>> -> memref<1x128x64xf32, #tpu.memory_space<vmem>>
      %dma_wait3A_242 = tpu.memref_squeeze %dma_wait3A_241 : memref<1x128x64xf32, #tpu.memory_space<vmem>> -> memref<128x64xf32, #tpu.memory_space<vmem>>
      %dma_wait3A_243 = arith.constant 0 : i32
      %dma_wait3A_244 = tpu.memref_slice %arg7[%add3A_237, %dma_wait3A_243] : memref<80x128xi32, #tpu.memory_space<vmem>> -> memref<1x128xi32, #tpu.memory_space<vmem>>
      %dma_wait3A_245 = tpu.memref_squeeze %dma_wait3A_244 : memref<1x128xi32, #tpu.memory_space<vmem>> -> memref<128xi32, #tpu.memory_space<vmem>>
      %dma_wait3A_246 = arith.constant 0 : i32
      %dma_wait3A_247 = arith.constant 0 : i32
      %dma_wait3A_248 = tpu.memref_slice %arg4[%dma_wait3A_246, %dma_wait3A_247] : memref<10240x64xf32, #tpu.memory_space<hbm>> -> memref<10240x64xf32, #tpu.memory_space<hbm>>
      tpu.wait_indirect_dma semaphore(%arg12 : memref<!tpu.dma_semaphore, #tpu.memory_space<semaphore_mem>>) src(%dma_wait3A_248 : memref<10240x64xf32, #tpu.memory_space<hbm>>) dst(%dma_wait3A_242 : memref<128x64xf32, #tpu.memory_space<vmem>>)
      %add3A_249 = arith.constant 3 : i32
      %add3A_250 = arith.addi %mul3A_147, %add3A_249 : i32
      %dma_wait3A_251 = arith.constant 3 : i32
      %dma_wait3A_252 = arith.constant 0 : i32
      %dma_wait3A_253 = arith.constant 0 : i32
      %dma_wait3A_254 = tpu.memref_slice %arg9[%dma_wait3A_251, %dma_wait3A_252, %dma_wait3A_253] : memref<8x128x64xf32, #tpu.memory_space<vmem>> -> memref<1x128x64xf32, #tpu.memory_space<vmem>>
      %dma_wait3A_255 = tpu.memref_squeeze %dma_wait3A_254 : memref<1x128x64xf32, #tpu.memory_space<vmem>> -> memref<128x64xf32, #tpu.memory_space<vmem>>
      %dma_wait3A_256 = arith.constant 0 : i32
      %dma_wait3A_257 = tpu.memref_slice %arg7[%add3A_250, %dma_wait3A_256] : memref<80x128xi32, #tpu.memory_space<vmem>> -> memref<1x128xi32, #tpu.memory_space<vmem>>
      %dma_wait3A_258 = tpu.memref_squeeze %dma_wait3A_257 : memref<1x128xi32, #tpu.memory_space<vmem>> -> memref<128xi32, #tpu.memory_space<vmem>>
      %dma_wait3A_259 = arith.constant 0 : i32
      %dma_wait3A_260 = arith.constant 0 : i32
      %dma_wait3A_261 = tpu.memref_slice %arg4[%dma_wait3A_259, %dma_wait3A_260] : memref<10240x64xf32, #tpu.memory_space<hbm>> -> memref<10240x64xf32, #tpu.memory_space<hbm>>
      tpu.wait_indirect_dma semaphore(%arg12 : memref<!tpu.dma_semaphore, #tpu.memory_space<semaphore_mem>>) src(%dma_wait3A_261 : memref<10240x64xf32, #tpu.memory_space<hbm>>) dst(%dma_wait3A_255 : memref<128x64xf32, #tpu.memory_space<vmem>>)
      %add3A_262 = arith.constant 0 : i32
      %add3A_263 = arith.addi %mul3A_147, %add3A_262 : i32
      %dma_start3A_264 = arith.constant 0 : i32
      %dma_start3A_265 = arith.constant 0 : i32
      %dma_start3A_266 = arith.constant 0 : i32
      %dma_start3A_267 = tpu.memref_slice %arg9[%dma_start3A_264, %dma_start3A_265, %dma_start3A_266] : memref<8x128x64xf32, #tpu.memory_space<vmem>> -> memref<1x128x64xf32, #tpu.memory_space<vmem>>
      %dma_start3A_268 = tpu.memref_squeeze %dma_start3A_267 : memref<1x128x64xf32, #tpu.memory_space<vmem>> -> memref<128x64xf32, #tpu.memory_space<vmem>>
      %dma_start3A_269 = arith.constant 0 : i32
      %dma_start3A_270 = tpu.memref_slice %arg8[%add3A_263, %dma_start3A_269] : memref<80x128xi32, #tpu.memory_space<vmem>> -> memref<1x128xi32, #tpu.memory_space<vmem>>
      %dma_start3A_271 = tpu.memref_squeeze %dma_start3A_270 : memref<1x128xi32, #tpu.memory_space<vmem>> -> memref<128xi32, #tpu.memory_space<vmem>>
      %dma_start3A_272 = arith.constant 0 : i32
      %dma_start3A_273 = arith.constant 0 : i32
      %dma_start3A_274 = tpu.memref_slice %arg10[%dma_start3A_272, %dma_start3A_273] : memref<10240x64xf32, #tpu.memory_space<vmem_shared>> -> memref<10240x64xf32, #tpu.memory_space<vmem_shared>>
      tpu.enqueue_indirect_dma source(%dma_start3A_268 : memref<128x64xf32, #tpu.memory_space<vmem>>) target(%dma_start3A_274 : memref<10240x64xf32, #tpu.memory_space<vmem_shared>>) offsets(%dma_start3A_271 : memref<128xi32, #tpu.memory_space<vmem>>) semaphore(%arg14 : memref<!tpu.dma_semaphore, #tpu.memory_space<semaphore_mem>>) {add = true}
      %add3A_275 = arith.constant 1 : i32
      %add3A_276 = arith.addi %mul3A_147, %add3A_275 : i32
      %dma_start3A_277 = arith.constant 1 : i32
      %dma_start3A_278 = arith.constant 0 : i32
      %dma_start3A_279 = arith.constant 0 : i32
      %dma_start3A_280 = tpu.memref_slice %arg9[%dma_start3A_277, %dma_start3A_278, %dma_start3A_279] : memref<8x128x64xf32, #tpu.memory_space<vmem>> -> memref<1x128x64xf32, #tpu.memory_space<vmem>>
      %dma_start3A_281 = tpu.memref_squeeze %dma_start3A_280 : memref<1x128x64xf32, #tpu.memory_space<vmem>> -> memref<128x64xf32, #tpu.memory_space<vmem>>
      %dma_start3A_282 = arith.constant 0 : i32
      %dma_start3A_283 = tpu.memref_slice %arg8[%add3A_276, %dma_start3A_282] : memref<80x128xi32, #tpu.memory_space<vmem>> -> memref<1x128xi32, #tpu.memory_space<vmem>>
      %dma_start3A_284 = tpu.memref_squeeze %dma_start3A_283 : memref<1x128xi32, #tpu.memory_space<vmem>> -> memref<128xi32, #tpu.memory_space<vmem>>
      %dma_start3A_285 = arith.constant 0 : i32
      %dma_start3A_286 = arith.constant 0 : i32
      %dma_start3A_287 = tpu.memref_slice %arg10[%dma_start3A_285, %dma_start3A_286] : memref<10240x64xf32, #tpu.memory_space<vmem_shared>> -> memref<10240x64xf32, #tpu.memory_space<vmem_shared>>
      tpu.enqueue_indirect_dma source(%dma_start3A_281 : memref<128x64xf32, #tpu.memory_space<vmem>>) target(%dma_start3A_287 : memref<10240x64xf32, #tpu.memory_space<vmem_shared>>) offsets(%dma_start3A_284 : memref<128xi32, #tpu.memory_space<vmem>>) semaphore(%arg14 : memref<!tpu.dma_semaphore, #tpu.memory_space<semaphore_mem>>) {add = true}
      %add3A_288 = arith.constant 2 : i32
      %add3A_289 = arith.addi %mul3A_147, %add3A_288 : i32
      %dma_start3A_290 = arith.constant 2 : i32
      %dma_start3A_291 = arith.constant 0 : i32
      %dma_start3A_292 = arith.constant 0 : i32
      %dma_start3A_293 = tpu.memref_slice %arg9[%dma_start3A_290, %dma_start3A_291, %dma_start3A_292] : memref<8x128x64xf32, #tpu.memory_space<vmem>> -> memref<1x128x64xf32, #tpu.memory_space<vmem>>
      %dma_start3A_294 = tpu.memref_squeeze %dma_start3A_293 : memref<1x128x64xf32, #tpu.memory_space<vmem>> -> memref<128x64xf32, #tpu.memory_space<vmem>>
      %dma_start3A_295 = arith.constant 0 : i32
      %dma_start3A_296 = tpu.memref_slice %arg8[%add3A_289, %dma_start3A_295] : memref<80x128xi32, #tpu.memory_space<vmem>> -> memref<1x128xi32, #tpu.memory_space<vmem>>
      %dma_start3A_297 = tpu.memref_squeeze %dma_start3A_296 : memref<1x128xi32, #tpu.memory_space<vmem>> -> memref<128xi32, #tpu.memory_space<vmem>>
      %dma_start3A_298 = arith.constant 0 : i32
      %dma_start3A_299 = arith.constant 0 : i32
      %dma_start3A_300 = tpu.memref_slice %arg10[%dma_start3A_298, %dma_start3A_299] : memref<10240x64xf32, #tpu.memory_space<vmem_shared>> -> memref<10240x64xf32, #tpu.memory_space<vmem_shared>>
      tpu.enqueue_indirect_dma source(%dma_start3A_294 : memref<128x64xf32, #tpu.memory_space<vmem>>) target(%dma_start3A_300 : memref<10240x64xf32, #tpu.memory_space<vmem_shared>>) offsets(%dma_start3A_297 : memref<128xi32, #tpu.memory_space<vmem>>) semaphore(%arg14 : memref<!tpu.dma_semaphore, #tpu.memory_space<semaphore_mem>>) {add = true}
      %add3A_301 = arith.constant 3 : i32
      %add3A_302 = arith.addi %mul3A_147, %add3A_301 : i32
      %dma_start3A_303 = arith.constant 3 : i32
      %dma_start3A_304 = arith.constant 0 : i32
      %dma_start3A_305 = arith.constant 0 : i32
      %dma_start3A_306 = tpu.memref_slice %arg9[%dma_start3A_303, %dma_start3A_304, %dma_start3A_305] : memref<8x128x64xf32, #tpu.memory_space<vmem>> -> memref<1x128x64xf32, #tpu.memory_space<vmem>>
      %dma_start3A_307 = tpu.memref_squeeze %dma_start3A_306 : memref<1x128x64xf32, #tpu.memory_space<vmem>> -> memref<128x64xf32, #tpu.memory_space<vmem>>
      %dma_start3A_308 = arith.constant 0 : i32
      %dma_start3A_309 = tpu.memref_slice %arg8[%add3A_302, %dma_start3A_308] : memref<80x128xi32, #tpu.memory_space<vmem>> -> memref<1x128xi32, #tpu.memory_space<vmem>>
      %dma_start3A_310 = tpu.memref_squeeze %dma_start3A_309 : memref<1x128xi32, #tpu.memory_space<vmem>> -> memref<128xi32, #tpu.memory_space<vmem>>
      %dma_start3A_311 = arith.constant 0 : i32
      %dma_start3A_312 = arith.constant 0 : i32
      %dma_start3A_313 = tpu.memref_slice %arg10[%dma_start3A_311, %dma_start3A_312] : memref<10240x64xf32, #tpu.memory_space<vmem_shared>> -> memref<10240x64xf32, #tpu.memory_space<vmem_shared>>
      tpu.enqueue_indirect_dma source(%dma_start3A_307 : memref<128x64xf32, #tpu.memory_space<vmem>>) target(%dma_start3A_313 : memref<10240x64xf32, #tpu.memory_space<vmem_shared>>) offsets(%dma_start3A_310 : memref<128xi32, #tpu.memory_space<vmem>>) semaphore(%arg14 : memref<!tpu.dma_semaphore, #tpu.memory_space<semaphore_mem>>) {add = true}
      %add3A_314 = arith.constant 0 : i32
      %add3A_315 = arith.addi %mul3A_147, %add3A_314 : i32
      %dma_wait3A_316 = arith.constant 0 : i32
      %dma_wait3A_317 = arith.constant 0 : i32
      %dma_wait3A_318 = arith.constant 0 : i32
      %dma_wait3A_319 = tpu.memref_slice %arg9[%dma_wait3A_316, %dma_wait3A_317, %dma_wait3A_318] : memref<8x128x64xf32, #tpu.memory_space<vmem>> -> memref<1x128x64xf32, #tpu.memory_space<vmem>>
      %dma_wait3A_320 = tpu.memref_squeeze %dma_wait3A_319 : memref<1x128x64xf32, #tpu.memory_space<vmem>> -> memref<128x64xf32, #tpu.memory_space<vmem>>
      %dma_wait3A_321 = arith.constant 0 : i32
      %dma_wait3A_322 = tpu.memref_slice %arg8[%add3A_315, %dma_wait3A_321] : memref<80x128xi32, #tpu.memory_space<vmem>> -> memref<1x128xi32, #tpu.memory_space<vmem>>
      %dma_wait3A_323 = tpu.memref_squeeze %dma_wait3A_322 : memref<1x128xi32, #tpu.memory_space<vmem>> -> memref<128xi32, #tpu.memory_space<vmem>>
      %dma_wait3A_324 = arith.constant 0 : i32
      %dma_wait3A_325 = arith.constant 0 : i32
      %dma_wait3A_326 = tpu.memref_slice %arg10[%dma_wait3A_324, %dma_wait3A_325] : memref<10240x64xf32, #tpu.memory_space<vmem_shared>> -> memref<10240x64xf32, #tpu.memory_space<vmem_shared>>
      tpu.wait_indirect_dma semaphore(%arg14 : memref<!tpu.dma_semaphore, #tpu.memory_space<semaphore_mem>>) src(%dma_wait3A_320 : memref<128x64xf32, #tpu.memory_space<vmem>>) dst(%dma_wait3A_326 : memref<10240x64xf32, #tpu.memory_space<vmem_shared>>)
      %add3A_327 = arith.constant 1 : i32
      %add3A_328 = arith.addi %mul3A_147, %add3A_327 : i32
      %dma_wait3A_329 = arith.constant 1 : i32
      %dma_wait3A_330 = arith.constant 0 : i32
      %dma_wait3A_331 = arith.constant 0 : i32
      %dma_wait3A_332 = tpu.memref_slice %arg9[%dma_wait3A_329, %dma_wait3A_330, %dma_wait3A_331] : memref<8x128x64xf32, #tpu.memory_space<vmem>> -> memref<1x128x64xf32, #tpu.memory_space<vmem>>
      %dma_wait3A_333 = tpu.memref_squeeze %dma_wait3A_332 : memref<1x128x64xf32, #tpu.memory_space<vmem>> -> memref<128x64xf32, #tpu.memory_space<vmem>>
      %dma_wait3A_334 = arith.constant 0 : i32
      %dma_wait3A_335 = tpu.memref_slice %arg8[%add3A_328, %dma_wait3A_334] : memref<80x128xi32, #tpu.memory_space<vmem>> -> memref<1x128xi32, #tpu.memory_space<vmem>>
      %dma_wait3A_336 = tpu.memref_squeeze %dma_wait3A_335 : memref<1x128xi32, #tpu.memory_space<vmem>> -> memref<128xi32, #tpu.memory_space<vmem>>
      %dma_wait3A_337 = arith.constant 0 : i32
      %dma_wait3A_338 = arith.constant 0 : i32
      %dma_wait3A_339 = tpu.memref_slice %arg10[%dma_wait3A_337, %dma_wait3A_338] : memref<10240x64xf32, #tpu.memory_space<vmem_shared>> -> memref<10240x64xf32, #tpu.memory_space<vmem_shared>>
      tpu.wait_indirect_dma semaphore(%arg14 : memref<!tpu.dma_semaphore, #tpu.memory_space<semaphore_mem>>) src(%dma_wait3A_333 : memref<128x64xf32, #tpu.memory_space<vmem>>) dst(%dma_wait3A_339 : memref<10240x64xf32, #tpu.memory_space<vmem_shared>>)
      %add3A_340 = arith.constant 2 : i32
      %add3A_341 = arith.addi %mul3A_147, %add3A_340 : i32
      %dma_wait3A_342 = arith.constant 2 : i32
      %dma_wait3A_343 = arith.constant 0 : i32
      %dma_wait3A_344 = arith.constant 0 : i32
      %dma_wait3A_345 = tpu.memref_slice %arg9[%dma_wait3A_342, %dma_wait3A_343, %dma_wait3A_344] : memref<8x128x64xf32, #tpu.memory_space<vmem>> -> memref<1x128x64xf32, #tpu.memory_space<vmem>>
      %dma_wait3A_346 = tpu.memref_squeeze %dma_wait3A_345 : memref<1x128x64xf32, #tpu.memory_space<vmem>> -> memref<128x64xf32, #tpu.memory_space<vmem>>
      %dma_wait3A_347 = arith.constant 0 : i32
      %dma_wait3A_348 = tpu.memref_slice %arg8[%add3A_341, %dma_wait3A_347] : memref<80x128xi32, #tpu.memory_space<vmem>> -> memref<1x128xi32, #tpu.memory_space<vmem>>
      %dma_wait3A_349 = tpu.memref_squeeze %dma_wait3A_348 : memref<1x128xi32, #tpu.memory_space<vmem>> -> memref<128xi32, #tpu.memory_space<vmem>>
      %dma_wait3A_350 = arith.constant 0 : i32
      %dma_wait3A_351 = arith.constant 0 : i32
      %dma_wait3A_352 = tpu.memref_slice %arg10[%dma_wait3A_350, %dma_wait3A_351] : memref<10240x64xf32, #tpu.memory_space<vmem_shared>> -> memref<10240x64xf32, #tpu.memory_space<vmem_shared>>
      tpu.wait_indirect_dma semaphore(%arg14 : memref<!tpu.dma_semaphore, #tpu.memory_space<semaphore_mem>>) src(%dma_wait3A_346 : memref<128x64xf32, #tpu.memory_space<vmem>>) dst(%dma_wait3A_352 : memref<10240x64xf32, #tpu.memory_space<vmem_shared>>)
      %add3A_353 = arith.constant 3 : i32
      %add3A_354 = arith.addi %mul3A_147, %add3A_353 : i32
      %dma_wait3A_355 = arith.constant 3 : i32
      %dma_wait3A_356 = arith.constant 0 : i32
      %dma_wait3A_357 = arith.constant 0 : i32
      %dma_wait3A_358 = tpu.memref_slice %arg9[%dma_wait3A_355, %dma_wait3A_356, %dma_wait3A_357] : memref<8x128x64xf32, #tpu.memory_space<vmem>> -> memref<1x128x64xf32, #tpu.memory_space<vmem>>
      %dma_wait3A_359 = tpu.memref_squeeze %dma_wait3A_358 : memref<1x128x64xf32, #tpu.memory_space<vmem>> -> memref<128x64xf32, #tpu.memory_space<vmem>>
      %dma_wait3A_360 = arith.constant 0 : i32
      %dma_wait3A_361 = tpu.memref_slice %arg8[%add3A_354, %dma_wait3A_360] : memref<80x128xi32, #tpu.memory_space<vmem>> -> memref<1x128xi32, #tpu.memory_space<vmem>>
      %dma_wait3A_362 = tpu.memref_squeeze %dma_wait3A_361 : memref<1x128xi32, #tpu.memory_space<vmem>> -> memref<128xi32, #tpu.memory_space<vmem>>
      %dma_wait3A_363 = arith.constant 0 : i32
      %dma_wait3A_364 = arith.constant 0 : i32
      %dma_wait3A_365 = tpu.memref_slice %arg10[%dma_wait3A_363, %dma_wait3A_364] : memref<10240x64xf32, #tpu.memory_space<vmem_shared>> -> memref<10240x64xf32, #tpu.memory_space<vmem_shared>>
      tpu.wait_indirect_dma semaphore(%arg14 : memref<!tpu.dma_semaphore, #tpu.memory_space<semaphore_mem>>) src(%dma_wait3A_359 : memref<128x64xf32, #tpu.memory_space<vmem>>) dst(%dma_wait3A_365 : memref<10240x64xf32, #tpu.memory_space<vmem_shared>>)
      %add3A_366 = arith.constant 1 : i32
      %add3A_367 = arith.addi %scan3A_143, %add3A_366 : i32
      %lt3A = arith.constant 10 : i32
      %lt3A_368 = arith.cmpi slt, %add3A_367, %lt3A : i32
      %convert_element_type3A_369 = arith.extui %lt3A_368 : i1 to i32
      %cond3A_370 = arith.constant 0 : i32
      %cond3A_371 = arith.cmpi ne, %convert_element_type3A_369, %cond3A_370 : i32
      scf.if %cond3A_371 {
        %add3A_492 = arith.constant 8 : i32
        %add3A_493 = arith.addi %mul3A_147, %add3A_492 : i32
        %add3A_494 = arith.constant 0 : i32
        %add3A_495 = arith.addi %add3A_493, %add3A_494 : i32
        %dma_start3A_496 = arith.constant 0 : i32
        %dma_start3A_497 = arith.constant 0 : i32
        %dma_start3A_498 = arith.constant 0 : i32
        %dma_start3A_499 = tpu.memref_slice %arg9[%dma_start3A_496, %dma_start3A_497, %dma_start3A_498] : memref<8x128x64xf32, #tpu.memory_space<vmem>> -> memref<1x128x64xf32, #tpu.memory_space<vmem>>
        %dma_start3A_500 = tpu.memref_squeeze %dma_start3A_499 : memref<1x128x64xf32, #tpu.memory_space<vmem>> -> memref<128x64xf32, #tpu.memory_space<vmem>>
        %dma_start3A_501 = arith.constant 0 : i32
        %dma_start3A_502 = tpu.memref_slice %arg7[%add3A_495, %dma_start3A_501] : memref<80x128xi32, #tpu.memory_space<vmem>> -> memref<1x128xi32, #tpu.memory_space<vmem>>
        %dma_start3A_503 = tpu.memref_squeeze %dma_start3A_502 : memref<1x128xi32, #tpu.memory_space<vmem>> -> memref<128xi32, #tpu.memory_space<vmem>>
        %dma_start3A_504 = arith.constant 0 : i32
        %dma_start3A_505 = arith.constant 0 : i32
        %dma_start3A_506 = tpu.memref_slice %arg4[%dma_start3A_504, %dma_start3A_505] : memref<10240x64xf32, #tpu.memory_space<hbm>> -> memref<10240x64xf32, #tpu.memory_space<hbm>>
        tpu.enqueue_indirect_dma source(%dma_start3A_506 : memref<10240x64xf32, #tpu.memory_space<hbm>>) target(%dma_start3A_500 : memref<128x64xf32, #tpu.memory_space<vmem>>) offsets(%dma_start3A_503 : memref<128xi32, #tpu.memory_space<vmem>>) semaphore(%arg12 : memref<!tpu.dma_semaphore, #tpu.memory_space<semaphore_mem>>)
        %add3A_507 = arith.constant 8 : i32
        %add3A_508 = arith.addi %mul3A_147, %add3A_507 : i32
        %add3A_509 = arith.constant 1 : i32
        %add3A_510 = arith.addi %add3A_508, %add3A_509 : i32
        %dma_start3A_511 = arith.constant 1 : i32
        %dma_start3A_512 = arith.constant 0 : i32
        %dma_start3A_513 = arith.constant 0 : i32
        %dma_start3A_514 = tpu.memref_slice %arg9[%dma_start3A_511, %dma_start3A_512, %dma_start3A_513] : memref<8x128x64xf32, #tpu.memory_space<vmem>> -> memref<1x128x64xf32, #tpu.memory_space<vmem>>
        %dma_start3A_515 = tpu.memref_squeeze %dma_start3A_514 : memref<1x128x64xf32, #tpu.memory_space<vmem>> -> memref<128x64xf32, #tpu.memory_space<vmem>>
        %dma_start3A_516 = arith.constant 0 : i32
        %dma_start3A_517 = tpu.memref_slice %arg7[%add3A_510, %dma_start3A_516] : memref<80x128xi32, #tpu.memory_space<vmem>> -> memref<1x128xi32, #tpu.memory_space<vmem>>
        %dma_start3A_518 = tpu.memref_squeeze %dma_start3A_517 : memref<1x128xi32, #tpu.memory_space<vmem>> -> memref<128xi32, #tpu.memory_space<vmem>>
        %dma_start3A_519 = arith.constant 0 : i32
        %dma_start3A_520 = arith.constant 0 : i32
        %dma_start3A_521 = tpu.memref_slice %arg4[%dma_start3A_519, %dma_start3A_520] : memref<10240x64xf32, #tpu.memory_space<hbm>> -> memref<10240x64xf32, #tpu.memory_space<hbm>>
        tpu.enqueue_indirect_dma source(%dma_start3A_521 : memref<10240x64xf32, #tpu.memory_space<hbm>>) target(%dma_start3A_515 : memref<128x64xf32, #tpu.memory_space<vmem>>) offsets(%dma_start3A_518 : memref<128xi32, #tpu.memory_space<vmem>>) semaphore(%arg12 : memref<!tpu.dma_semaphore, #tpu.memory_space<semaphore_mem>>)
        %add3A_522 = arith.constant 8 : i32
        %add3A_523 = arith.addi %mul3A_147, %add3A_522 : i32
        %add3A_524 = arith.constant 2 : i32
        %add3A_525 = arith.addi %add3A_523, %add3A_524 : i32
        %dma_start3A_526 = arith.constant 2 : i32
        %dma_start3A_527 = arith.constant 0 : i32
        %dma_start3A_528 = arith.constant 0 : i32
        %dma_start3A_529 = tpu.memref_slice %arg9[%dma_start3A_526, %dma_start3A_527, %dma_start3A_528] : memref<8x128x64xf32, #tpu.memory_space<vmem>> -> memref<1x128x64xf32, #tpu.memory_space<vmem>>
        %dma_start3A_530 = tpu.memref_squeeze %dma_start3A_529 : memref<1x128x64xf32, #tpu.memory_space<vmem>> -> memref<128x64xf32, #tpu.memory_space<vmem>>
        %dma_start3A_531 = arith.constant 0 : i32
        %dma_start3A_532 = tpu.memref_slice %arg7[%add3A_525, %dma_start3A_531] : memref<80x128xi32, #tpu.memory_space<vmem>> -> memref<1x128xi32, #tpu.memory_space<vmem>>
        %dma_start3A_533 = tpu.memref_squeeze %dma_start3A_532 : memref<1x128xi32, #tpu.memory_space<vmem>> -> memref<128xi32, #tpu.memory_space<vmem>>
        %dma_start3A_534 = arith.constant 0 : i32
        %dma_start3A_535 = arith.constant 0 : i32
        %dma_start3A_536 = tpu.memref_slice %arg4[%dma_start3A_534, %dma_start3A_535] : memref<10240x64xf32, #tpu.memory_space<hbm>> -> memref<10240x64xf32, #tpu.memory_space<hbm>>
        tpu.enqueue_indirect_dma source(%dma_start3A_536 : memref<10240x64xf32, #tpu.memory_space<hbm>>) target(%dma_start3A_530 : memref<128x64xf32, #tpu.memory_space<vmem>>) offsets(%dma_start3A_533 : memref<128xi32, #tpu.memory_space<vmem>>) semaphore(%arg12 : memref<!tpu.dma_semaphore, #tpu.memory_space<semaphore_mem>>)
        %add3A_537 = arith.constant 8 : i32
        %add3A_538 = arith.addi %mul3A_147, %add3A_537 : i32
        %add3A_539 = arith.constant 3 : i32
        %add3A_540 = arith.addi %add3A_538, %add3A_539 : i32
        %dma_start3A_541 = arith.constant 3 : i32
        %dma_start3A_542 = arith.constant 0 : i32
        %dma_start3A_543 = arith.constant 0 : i32
        %dma_start3A_544 = tpu.memref_slice %arg9[%dma_start3A_541, %dma_start3A_542, %dma_start3A_543] : memref<8x128x64xf32, #tpu.memory_space<vmem>> -> memref<1x128x64xf32, #tpu.memory_space<vmem>>
        %dma_start3A_545 = tpu.memref_squeeze %dma_start3A_544 : memref<1x128x64xf32, #tpu.memory_space<vmem>> -> memref<128x64xf32, #tpu.memory_space<vmem>>
        %dma_start3A_546 = arith.constant 0 : i32
        %dma_start3A_547 = tpu.memref_slice %arg7[%add3A_540, %dma_start3A_546] : memref<80x128xi32, #tpu.memory_space<vmem>> -> memref<1x128xi32, #tpu.memory_space<vmem>>
        %dma_start3A_548 = tpu.memref_squeeze %dma_start3A_547 : memref<1x128xi32, #tpu.memory_space<vmem>> -> memref<128xi32, #tpu.memory_space<vmem>>
        %dma_start3A_549 = arith.constant 0 : i32
        %dma_start3A_550 = arith.constant 0 : i32
        %dma_start3A_551 = tpu.memref_slice %arg4[%dma_start3A_549, %dma_start3A_550] : memref<10240x64xf32, #tpu.memory_space<hbm>> -> memref<10240x64xf32, #tpu.memory_space<hbm>>
        tpu.enqueue_indirect_dma source(%dma_start3A_551 : memref<10240x64xf32, #tpu.memory_space<hbm>>) target(%dma_start3A_545 : memref<128x64xf32, #tpu.memory_space<vmem>>) offsets(%dma_start3A_548 : memref<128xi32, #tpu.memory_space<vmem>>) semaphore(%arg12 : memref<!tpu.dma_semaphore, #tpu.memory_space<semaphore_mem>>)
      } else {
      }
      %add3A_372 = arith.constant 4 : i32
      %add3A_373 = arith.addi %mul3A_147, %add3A_372 : i32
      %add3A_374 = arith.constant 0 : i32
      %add3A_375 = arith.addi %add3A_373, %add3A_374 : i32
      %dma_wait3A_376 = arith.constant 4 : i32
      %dma_wait3A_377 = arith.constant 0 : i32
      %dma_wait3A_378 = arith.constant 0 : i32
      %dma_wait3A_379 = tpu.memref_slice %arg9[%dma_wait3A_376, %dma_wait3A_377, %dma_wait3A_378] : memref<8x128x64xf32, #tpu.memory_space<vmem>> -> memref<1x128x64xf32, #tpu.memory_space<vmem>>
      %dma_wait3A_380 = tpu.memref_squeeze %dma_wait3A_379 : memref<1x128x64xf32, #tpu.memory_space<vmem>> -> memref<128x64xf32, #tpu.memory_space<vmem>>
      %dma_wait3A_381 = arith.constant 0 : i32
      %dma_wait3A_382 = tpu.memref_slice %arg7[%add3A_375, %dma_wait3A_381] : memref<80x128xi32, #tpu.memory_space<vmem>> -> memref<1x128xi32, #tpu.memory_space<vmem>>
      %dma_wait3A_383 = tpu.memref_squeeze %dma_wait3A_382 : memref<1x128xi32, #tpu.memory_space<vmem>> -> memref<128xi32, #tpu.memory_space<vmem>>
      %dma_wait3A_384 = arith.constant 0 : i32
      %dma_wait3A_385 = arith.constant 0 : i32
      %dma_wait3A_386 = tpu.memref_slice %arg4[%dma_wait3A_384, %dma_wait3A_385] : memref<10240x64xf32, #tpu.memory_space<hbm>> -> memref<10240x64xf32, #tpu.memory_space<hbm>>
      tpu.wait_indirect_dma semaphore(%arg13 : memref<!tpu.dma_semaphore, #tpu.memory_space<semaphore_mem>>) src(%dma_wait3A_386 : memref<10240x64xf32, #tpu.memory_space<hbm>>) dst(%dma_wait3A_380 : memref<128x64xf32, #tpu.memory_space<vmem>>)
      %add3A_387 = arith.constant 4 : i32
      %add3A_388 = arith.addi %mul3A_147, %add3A_387 : i32
      %add3A_389 = arith.constant 1 : i32
      %add3A_390 = arith.addi %add3A_388, %add3A_389 : i32
      %dma_wait3A_391 = arith.constant 5 : i32
      %dma_wait3A_392 = arith.constant 0 : i32
      %dma_wait3A_393 = arith.constant 0 : i32
      %dma_wait3A_394 = tpu.memref_slice %arg9[%dma_wait3A_391, %dma_wait3A_392, %dma_wait3A_393] : memref<8x128x64xf32, #tpu.memory_space<vmem>> -> memref<1x128x64xf32, #tpu.memory_space<vmem>>
      %dma_wait3A_395 = tpu.memref_squeeze %dma_wait3A_394 : memref<1x128x64xf32, #tpu.memory_space<vmem>> -> memref<128x64xf32, #tpu.memory_space<vmem>>
      %dma_wait3A_396 = arith.constant 0 : i32
      %dma_wait3A_397 = tpu.memref_slice %arg7[%add3A_390, %dma_wait3A_396] : memref<80x128xi32, #tpu.memory_space<vmem>> -> memref<1x128xi32, #tpu.memory_space<vmem>>
      %dma_wait3A_398 = tpu.memref_squeeze %dma_wait3A_397 : memref<1x128xi32, #tpu.memory_space<vmem>> -> memref<128xi32, #tpu.memory_space<vmem>>
      %dma_wait3A_399 = arith.constant 0 : i32
      %dma_wait3A_400 = arith.constant 0 : i32
      %dma_wait3A_401 = tpu.memref_slice %arg4[%dma_wait3A_399, %dma_wait3A_400] : memref<10240x64xf32, #tpu.memory_space<hbm>> -> memref<10240x64xf32, #tpu.memory_space<hbm>>
      tpu.wait_indirect_dma semaphore(%arg13 : memref<!tpu.dma_semaphore, #tpu.memory_space<semaphore_mem>>) src(%dma_wait3A_401 : memref<10240x64xf32, #tpu.memory_space<hbm>>) dst(%dma_wait3A_395 : memref<128x64xf32, #tpu.memory_space<vmem>>)
      %add3A_402 = arith.constant 4 : i32
      %add3A_403 = arith.addi %mul3A_147, %add3A_402 : i32
      %add3A_404 = arith.constant 2 : i32
      %add3A_405 = arith.addi %add3A_403, %add3A_404 : i32
      %dma_wait3A_406 = arith.constant 6 : i32
      %dma_wait3A_407 = arith.constant 0 : i32
      %dma_wait3A_408 = arith.constant 0 : i32
      %dma_wait3A_409 = tpu.memref_slice %arg9[%dma_wait3A_406, %dma_wait3A_407, %dma_wait3A_408] : memref<8x128x64xf32, #tpu.memory_space<vmem>> -> memref<1x128x64xf32, #tpu.memory_space<vmem>>
      %dma_wait3A_410 = tpu.memref_squeeze %dma_wait3A_409 : memref<1x128x64xf32, #tpu.memory_space<vmem>> -> memref<128x64xf32, #tpu.memory_space<vmem>>
      %dma_wait3A_411 = arith.constant 0 : i32
      %dma_wait3A_412 = tpu.memref_slice %arg7[%add3A_405, %dma_wait3A_411] : memref<80x128xi32, #tpu.memory_space<vmem>> -> memref<1x128xi32, #tpu.memory_space<vmem>>
      %dma_wait3A_413 = tpu.memref_squeeze %dma_wait3A_412 : memref<1x128xi32, #tpu.memory_space<vmem>> -> memref<128xi32, #tpu.memory_space<vmem>>
      %dma_wait3A_414 = arith.constant 0 : i32
      %dma_wait3A_415 = arith.constant 0 : i32
      %dma_wait3A_416 = tpu.memref_slice %arg4[%dma_wait3A_414, %dma_wait3A_415] : memref<10240x64xf32, #tpu.memory_space<hbm>> -> memref<10240x64xf32, #tpu.memory_space<hbm>>
      tpu.wait_indirect_dma semaphore(%arg13 : memref<!tpu.dma_semaphore, #tpu.memory_space<semaphore_mem>>) src(%dma_wait3A_416 : memref<10240x64xf32, #tpu.memory_space<hbm>>) dst(%dma_wait3A_410 : memref<128x64xf32, #tpu.memory_space<vmem>>)
      %add3A_417 = arith.constant 4 : i32
      %add3A_418 = arith.addi %mul3A_147, %add3A_417 : i32
      %add3A_419 = arith.constant 3 : i32
      %add3A_420 = arith.addi %add3A_418, %add3A_419 : i32
      %dma_wait3A_421 = arith.constant 7 : i32
      %dma_wait3A_422 = arith.constant 0 : i32
      %dma_wait3A_423 = arith.constant 0 : i32
      %dma_wait3A_424 = tpu.memref_slice %arg9[%dma_wait3A_421, %dma_wait3A_422, %dma_wait3A_423] : memref<8x128x64xf32, #tpu.memory_space<vmem>> -> memref<1x128x64xf32, #tpu.memory_space<vmem>>
      %dma_wait3A_425 = tpu.memref_squeeze %dma_wait3A_424 : memref<1x128x64xf32, #tpu.memory_space<vmem>> -> memref<128x64xf32, #tpu.memory_space<vmem>>
      %dma_wait3A_426 = arith.constant 0 : i32
      %dma_wait3A_427 = tpu.memref_slice %arg7[%add3A_420, %dma_wait3A_426] : memref<80x128xi32, #tpu.memory_space<vmem>> -> memref<1x128xi32, #tpu.memory_space<vmem>>
      %dma_wait3A_428 = tpu.memref_squeeze %dma_wait3A_427 : memref<1x128xi32, #tpu.memory_space<vmem>> -> memref<128xi32, #tpu.memory_space<vmem>>
      %dma_wait3A_429 = arith.constant 0 : i32
      %dma_wait3A_430 = arith.constant 0 : i32
      %dma_wait3A_431 = tpu.memref_slice %arg4[%dma_wait3A_429, %dma_wait3A_430] : memref<10240x64xf32, #tpu.memory_space<hbm>> -> memref<10240x64xf32, #tpu.memory_space<hbm>>
      tpu.wait_indirect_dma semaphore(%arg13 : memref<!tpu.dma_semaphore, #tpu.memory_space<semaphore_mem>>) src(%dma_wait3A_431 : memref<10240x64xf32, #tpu.memory_space<hbm>>) dst(%dma_wait3A_425 : memref<128x64xf32, #tpu.memory_space<vmem>>)
      %add3A_432 = arith.constant 4 : i32
      %add3A_433 = arith.addi %mul3A_147, %add3A_432 : i32
      %add3A_434 = arith.constant 0 : i32
      %add3A_435 = arith.addi %add3A_433, %add3A_434 : i32
      %dma_start3A_436 = arith.constant 4 : i32
      %dma_start3A_437 = arith.constant 0 : i32
      %dma_start3A_438 = arith.constant 0 : i32
      %dma_start3A_439 = tpu.memref_slice %arg9[%dma_start3A_436, %dma_start3A_437, %dma_start3A_438] : memref<8x128x64xf32, #tpu.memory_space<vmem>> -> memref<1x128x64xf32, #tpu.memory_space<vmem>>
      %dma_start3A_440 = tpu.memref_squeeze %dma_start3A_439 : memref<1x128x64xf32, #tpu.memory_space<vmem>> -> memref<128x64xf32, #tpu.memory_space<vmem>>
      %dma_start3A_441 = arith.constant 0 : i32
      %dma_start3A_442 = tpu.memref_slice %arg8[%add3A_435, %dma_start3A_441] : memref<80x128xi32, #tpu.memory_space<vmem>> -> memref<1x128xi32, #tpu.memory_space<vmem>>
      %dma_start3A_443 = tpu.memref_squeeze %dma_start3A_442 : memref<1x128xi32, #tpu.memory_space<vmem>> -> memref<128xi32, #tpu.memory_space<vmem>>
      %dma_start3A_444 = arith.constant 0 : i32
      %dma_start3A_445 = arith.constant 0 : i32
      %dma_start3A_446 = tpu.memref_slice %arg10[%dma_start3A_444, %dma_start3A_445] : memref<10240x64xf32, #tpu.memory_space<vmem_shared>> -> memref<10240x64xf32, #tpu.memory_space<vmem_shared>>
      tpu.enqueue_indirect_dma source(%dma_start3A_440 : memref<128x64xf32, #tpu.memory_space<vmem>>) target(%dma_start3A_446 : memref<10240x64xf32, #tpu.memory_space<vmem_shared>>) offsets(%dma_start3A_443 : memref<128xi32, #tpu.memory_space<vmem>>) semaphore(%arg15 : memref<!tpu.dma_semaphore, #tpu.memory_space<semaphore_mem>>) {add = true}
      %add3A_447 = arith.constant 4 : i32
      %add3A_448 = arith.addi %mul3A_147, %add3A_447 : i32
      %add3A_449 = arith.constant 1 : i32
      %add3A_450 = arith.addi %add3A_448, %add3A_449 : i32
      %dma_start3A_451 = arith.constant 5 : i32
      %dma_start3A_452 = arith.constant 0 : i32
      %dma_start3A_453 = arith.constant 0 : i32
      %dma_start3A_454 = tpu.memref_slice %arg9[%dma_start3A_451, %dma_start3A_452, %dma_start3A_453] : memref<8x128x64xf32, #tpu.memory_space<vmem>> -> memref<1x128x64xf32, #tpu.memory_space<vmem>>
      %dma_start3A_455 = tpu.memref_squeeze %dma_start3A_454 : memref<1x128x64xf32, #tpu.memory_space<vmem>> -> memref<128x64xf32, #tpu.memory_space<vmem>>
      %dma_start3A_456 = arith.constant 0 : i32
      %dma_start3A_457 = tpu.memref_slice %arg8[%add3A_450, %dma_start3A_456] : memref<80x128xi32, #tpu.memory_space<vmem>> -> memref<1x128xi32, #tpu.memory_space<vmem>>
      %dma_start3A_458 = tpu.memref_squeeze %dma_start3A_457 : memref<1x128xi32, #tpu.memory_space<vmem>> -> memref<128xi32, #tpu.memory_space<vmem>>
      %dma_start3A_459 = arith.constant 0 : i32
      %dma_start3A_460 = arith.constant 0 : i32
      %dma_start3A_461 = tpu.memref_slice %arg10[%dma_start3A_459, %dma_start3A_460] : memref<10240x64xf32, #tpu.memory_space<vmem_shared>> -> memref<10240x64xf32, #tpu.memory_space<vmem_shared>>
      tpu.enqueue_indirect_dma source(%dma_start3A_455 : memref<128x64xf32, #tpu.memory_space<vmem>>) target(%dma_start3A_461 : memref<10240x64xf32, #tpu.memory_space<vmem_shared>>) offsets(%dma_start3A_458 : memref<128xi32, #tpu.memory_space<vmem>>) semaphore(%arg15 : memref<!tpu.dma_semaphore, #tpu.memory_space<semaphore_mem>>) {add = true}
      %add3A_462 = arith.constant 4 : i32
      %add3A_463 = arith.addi %mul3A_147, %add3A_462 : i32
      %add3A_464 = arith.constant 2 : i32
      %add3A_465 = arith.addi %add3A_463, %add3A_464 : i32
      %dma_start3A_466 = arith.constant 6 : i32
      %dma_start3A_467 = arith.constant 0 : i32
      %dma_start3A_468 = arith.constant 0 : i32
      %dma_start3A_469 = tpu.memref_slice %arg9[%dma_start3A_466, %dma_start3A_467, %dma_start3A_468] : memref<8x128x64xf32, #tpu.memory_space<vmem>> -> memref<1x128x64xf32, #tpu.memory_space<vmem>>
      %dma_start3A_470 = tpu.memref_squeeze %dma_start3A_469 : memref<1x128x64xf32, #tpu.memory_space<vmem>> -> memref<128x64xf32, #tpu.memory_space<vmem>>
      %dma_start3A_471 = arith.constant 0 : i32
      %dma_start3A_472 = tpu.memref_slice %arg8[%add3A_465, %dma_start3A_471] : memref<80x128xi32, #tpu.memory_space<vmem>> -> memref<1x128xi32, #tpu.memory_space<vmem>>
      %dma_start3A_473 = tpu.memref_squeeze %dma_start3A_472 : memref<1x128xi32, #tpu.memory_space<vmem>> -> memref<128xi32, #tpu.memory_space<vmem>>
      %dma_start3A_474 = arith.constant 0 : i32
      %dma_start3A_475 = arith.constant 0 : i32
      %dma_start3A_476 = tpu.memref_slice %arg10[%dma_start3A_474, %dma_start3A_475] : memref<10240x64xf32, #tpu.memory_space<vmem_shared>> -> memref<10240x64xf32, #tpu.memory_space<vmem_shared>>
      tpu.enqueue_indirect_dma source(%dma_start3A_470 : memref<128x64xf32, #tpu.memory_space<vmem>>) target(%dma_start3A_476 : memref<10240x64xf32, #tpu.memory_space<vmem_shared>>) offsets(%dma_start3A_473 : memref<128xi32, #tpu.memory_space<vmem>>) semaphore(%arg15 : memref<!tpu.dma_semaphore, #tpu.memory_space<semaphore_mem>>) {add = true}
      %add3A_477 = arith.constant 4 : i32
      %add3A_478 = arith.addi %mul3A_147, %add3A_477 : i32
      %add3A_479 = arith.constant 3 : i32
      %add3A_480 = arith.addi %add3A_478, %add3A_479 : i32
      %dma_start3A_481 = arith.constant 7 : i32
      %dma_start3A_482 = arith.constant 0 : i32
      %dma_start3A_483 = arith.constant 0 : i32
      %dma_start3A_484 = tpu.memref_slice %arg9[%dma_start3A_481, %dma_start3A_482, %dma_start3A_483] : memref<8x128x64xf32, #tpu.memory_space<vmem>> -> memref<1x128x64xf32, #tpu.memory_space<vmem>>
      %dma_start3A_485 = tpu.memref_squeeze %dma_start3A_484 : memref<1x128x64xf32, #tpu.memory_space<vmem>> -> memref<128x64xf32, #tpu.memory_space<vmem>>
      %dma_start3A_486 = arith.constant 0 : i32
      %dma_start3A_487 = tpu.memref_slice %arg8[%add3A_480, %dma_start3A_486] : memref<80x128xi32, #tpu.memory_space<vmem>> -> memref<1x128xi32, #tpu.memory_space<vmem>>
      %dma_start3A_488 = tpu.memref_squeeze %dma_start3A_487 : memref<1x128xi32, #tpu.memory_space<vmem>> -> memref<128xi32, #tpu.memory_space<vmem>>
      %dma_start3A_489 = arith.constant 0 : i32
      %dma_start3A_490 = arith.constant 0 : i32
      %dma_start3A_491 = tpu.memref_slice %arg10[%dma_start3A_489, %dma_start3A_490] : memref<10240x64xf32, #tpu.memory_space<vmem_shared>> -> memref<10240x64xf32, #tpu.memory_space<vmem_shared>>
      tpu.enqueue_indirect_dma source(%dma_start3A_485 : memref<128x64xf32, #tpu.memory_space<vmem>>) target(%dma_start3A_491 : memref<10240x64xf32, #tpu.memory_space<vmem_shared>>) offsets(%dma_start3A_488 : memref<128xi32, #tpu.memory_space<vmem>>) semaphore(%arg15 : memref<!tpu.dma_semaphore, #tpu.memory_space<semaphore_mem>>) {add = true}
    }
    %scan3A_93 = arith.constant 10 : i32
    %dma_wait3A_94 = arith.constant 4 : i32
    %dma_wait3A_95 = arith.constant 76 : i32
    %dma_wait3A_96 = arith.constant 0 : i32
    %dma_wait3A_97 = arith.constant 0 : i32
    %dma_wait3A_98 = tpu.memref_slice %arg9[%dma_wait3A_94, %dma_wait3A_96, %dma_wait3A_97] : memref<8x128x64xf32, #tpu.memory_space<vmem>> -> memref<1x128x64xf32, #tpu.memory_space<vmem>>
    %dma_wait3A_99 = tpu.memref_squeeze %dma_wait3A_98 : memref<1x128x64xf32, #tpu.memory_space<vmem>> -> memref<128x64xf32, #tpu.memory_space<vmem>>
    %dma_wait3A_100 = arith.constant 0 : i32
    %dma_wait3A_101 = tpu.memref_slice %arg8[%dma_wait3A_95, %dma_wait3A_100] : memref<80x128xi32, #tpu.memory_space<vmem>> -> memref<1x128xi32, #tpu.memory_space<vmem>>
    %dma_wait3A_102 = tpu.memref_squeeze %dma_wait3A_101 : memref<1x128xi32, #tpu.memory_space<vmem>> -> memref<128xi32, #tpu.memory_space<vmem>>
    %dma_wait3A_103 = arith.constant 0 : i32
    %dma_wait3A_104 = arith.constant 0 : i32
    %dma_wait3A_105 = tpu.memref_slice %arg10[%dma_wait3A_103, %dma_wait3A_104] : memref<10240x64xf32, #tpu.memory_space<vmem_shared>> -> memref<10240x64xf32, #tpu.memory_space<vmem_shared>>
    tpu.wait_indirect_dma semaphore(%arg15 : memref<!tpu.dma_semaphore, #tpu.memory_space<semaphore_mem>>) src(%dma_wait3A_99 : memref<128x64xf32, #tpu.memory_space<vmem>>) dst(%dma_wait3A_105 : memref<10240x64xf32, #tpu.memory_space<vmem_shared>>)
    %dma_wait3A_106 = arith.constant 5 : i32
    %dma_wait3A_107 = arith.constant 77 : i32
    %dma_wait3A_108 = arith.constant 0 : i32
    %dma_wait3A_109 = arith.constant 0 : i32
    %dma_wait3A_110 = tpu.memref_slice %arg9[%dma_wait3A_106, %dma_wait3A_108, %dma_wait3A_109] : memref<8x128x64xf32, #tpu.memory_space<vmem>> -> memref<1x128x64xf32, #tpu.memory_space<vmem>>
    %dma_wait3A_111 = tpu.memref_squeeze %dma_wait3A_110 : memref<1x128x64xf32, #tpu.memory_space<vmem>> -> memref<128x64xf32, #tpu.memory_space<vmem>>
    %dma_wait3A_112 = arith.constant 0 : i32
    %dma_wait3A_113 = tpu.memref_slice %arg8[%dma_wait3A_107, %dma_wait3A_112] : memref<80x128xi32, #tpu.memory_space<vmem>> -> memref<1x128xi32, #tpu.memory_space<vmem>>
    %dma_wait3A_114 = tpu.memref_squeeze %dma_wait3A_113 : memref<1x128xi32, #tpu.memory_space<vmem>> -> memref<128xi32, #tpu.memory_space<vmem>>
    %dma_wait3A_115 = arith.constant 0 : i32
    %dma_wait3A_116 = arith.constant 0 : i32
    %dma_wait3A_117 = tpu.memref_slice %arg10[%dma_wait3A_115, %dma_wait3A_116] : memref<10240x64xf32, #tpu.memory_space<vmem_shared>> -> memref<10240x64xf32, #tpu.memory_space<vmem_shared>>
    tpu.wait_indirect_dma semaphore(%arg15 : memref<!tpu.dma_semaphore, #tpu.memory_space<semaphore_mem>>) src(%dma_wait3A_111 : memref<128x64xf32, #tpu.memory_space<vmem>>) dst(%dma_wait3A_117 : memref<10240x64xf32, #tpu.memory_space<vmem_shared>>)
    %dma_wait3A_118 = arith.constant 6 : i32
    %dma_wait3A_119 = arith.constant 78 : i32
    %dma_wait3A_120 = arith.constant 0 : i32
    %dma_wait3A_121 = arith.constant 0 : i32
    %dma_wait3A_122 = tpu.memref_slice %arg9[%dma_wait3A_118, %dma_wait3A_120, %dma_wait3A_121] : memref<8x128x64xf32, #tpu.memory_space<vmem>> -> memref<1x128x64xf32, #tpu.memory_space<vmem>>
    %dma_wait3A_123 = tpu.memref_squeeze %dma_wait3A_122 : memref<1x128x64xf32, #tpu.memory_space<vmem>> -> memref<128x64xf32, #tpu.memory_space<vmem>>
    %dma_wait3A_124 = arith.constant 0 : i32
    %dma_wait3A_125 = tpu.memref_slice %arg8[%dma_wait3A_119, %dma_wait3A_124] : memref<80x128xi32, #tpu.memory_space<vmem>> -> memref<1x128xi32, #tpu.memory_space<vmem>>
    %dma_wait3A_126 = tpu.memref_squeeze %dma_wait3A_125 : memref<1x128xi32, #tpu.memory_space<vmem>> -> memref<128xi32, #tpu.memory_space<vmem>>
    %dma_wait3A_127 = arith.constant 0 : i32
    %dma_wait3A_128 = arith.constant 0 : i32
    %dma_wait3A_129 = tpu.memref_slice %arg10[%dma_wait3A_127, %dma_wait3A_128] : memref<10240x64xf32, #tpu.memory_space<vmem_shared>> -> memref<10240x64xf32, #tpu.memory_space<vmem_shared>>
    tpu.wait_indirect_dma semaphore(%arg15 : memref<!tpu.dma_semaphore, #tpu.memory_space<semaphore_mem>>) src(%dma_wait3A_123 : memref<128x64xf32, #tpu.memory_space<vmem>>) dst(%dma_wait3A_129 : memref<10240x64xf32, #tpu.memory_space<vmem_shared>>)
    %dma_wait3A_130 = arith.constant 7 : i32
    %dma_wait3A_131 = arith.constant 79 : i32
    %dma_wait3A_132 = arith.constant 0 : i32
    %dma_wait3A_133 = arith.constant 0 : i32
    %dma_wait3A_134 = tpu.memref_slice %arg9[%dma_wait3A_130, %dma_wait3A_132, %dma_wait3A_133] : memref<8x128x64xf32, #tpu.memory_space<vmem>> -> memref<1x128x64xf32, #tpu.memory_space<vmem>>
    %dma_wait3A_135 = tpu.memref_squeeze %dma_wait3A_134 : memref<1x128x64xf32, #tpu.memory_space<vmem>> -> memref<128x64xf32, #tpu.memory_space<vmem>>
    %dma_wait3A_136 = arith.constant 0 : i32
    %dma_wait3A_137 = tpu.memref_slice %arg8[%dma_wait3A_131, %dma_wait3A_136] : memref<80x128xi32, #tpu.memory_space<vmem>> -> memref<1x128xi32, #tpu.memory_space<vmem>>
    %dma_wait3A_138 = tpu.memref_squeeze %dma_wait3A_137 : memref<1x128xi32, #tpu.memory_space<vmem>> -> memref<128xi32, #tpu.memory_space<vmem>>
    %dma_wait3A_139 = arith.constant 0 : i32
    %dma_wait3A_140 = arith.constant 0 : i32
    %dma_wait3A_141 = tpu.memref_slice %arg10[%dma_wait3A_139, %dma_wait3A_140] : memref<10240x64xf32, #tpu.memory_space<vmem_shared>> -> memref<10240x64xf32, #tpu.memory_space<vmem_shared>>
    tpu.wait_indirect_dma semaphore(%arg15 : memref<!tpu.dma_semaphore, #tpu.memory_space<semaphore_mem>>) src(%dma_wait3A_135 : memref<128x64xf32, #tpu.memory_space<vmem>>) dst(%dma_wait3A_141 : memref<10240x64xf32, #tpu.memory_space<vmem_shared>>)
    %barrier3A_142 = arith.constant 0 : index
    tpu.barrier barrier_id(%barrier3A_142)
    "tpu.region"() ({
      %run_scoped3A = tpu.sem_alloc : memref<!tpu.dma_semaphore, #tpu.memory_space<semaphore_mem>>
      %dma_start3A_143 = arith.constant 0 : i32
      %dma_start3A_144 = tpu.memref_slice %arg6[%arg0, %mul3A_2, %dma_start3A_143] : memref<2x10240x64xf32, #tpu.memory_space<hbm>> -> memref<1x640x64xf32, #tpu.memory_space<hbm>>
      %dma_start3A_145 = tpu.memref_squeeze %dma_start3A_144 : memref<1x640x64xf32, #tpu.memory_space<hbm>> -> memref<640x64xf32, #tpu.memory_space<hbm>>
      %dma_start3A_146 = arith.constant 0 : i32
      %dma_start3A_147 = tpu.memref_slice %arg10[%mul3A_2, %dma_start3A_146] : memref<10240x64xf32, #tpu.memory_space<vmem_shared>> -> memref<640x64xf32, #tpu.memory_space<vmem_shared>>
      tpu.enqueue_dma source(%dma_start3A_147 : memref<640x64xf32, #tpu.memory_space<vmem_shared>>) target(%dma_start3A_145 : memref<640x64xf32, #tpu.memory_space<hbm>>) target_semaphore(%run_scoped3A : memref<!tpu.dma_semaphore, #tpu.memory_space<semaphore_mem>>)
      %dma_wait3A_148 = arith.constant 0 : i32
      %dma_wait3A_149 = tpu.memref_slice %arg6[%arg0, %mul3A_2, %dma_wait3A_148] : memref<2x10240x64xf32, #tpu.memory_space<hbm>> -> memref<1x640x64xf32, #tpu.memory_space<hbm>>
      %dma_wait3A_150 = tpu.memref_squeeze %dma_wait3A_149 : memref<1x640x64xf32, #tpu.memory_space<hbm>> -> memref<640x64xf32, #tpu.memory_space<hbm>>
      %dma_wait3A_151 = arith.constant 0 : i32
      %dma_wait3A_152 = tpu.memref_slice %arg10[%mul3A_2, %dma_wait3A_151] : memref<10240x64xf32, #tpu.memory_space<vmem_shared>> -> memref<640x64xf32, #tpu.memory_space<vmem_shared>>
      tpu.wait_dma2 semaphore(%run_scoped3A : memref<!tpu.dma_semaphore, #tpu.memory_space<semaphore_mem>>) src(%dma_wait3A_152 : memref<640x64xf32, #tpu.memory_space<vmem_shared>>) dst(%dma_wait3A_150 : memref<640x64xf32, #tpu.memory_space<hbm>>)
      tpu.yield
    }) : () -> ()
    return
  }
}

module attributes {stable_mosaic.version = 14 : i64} {
  func.func @_tc_prep_body(%arg0: memref<32x10240xf32, #tpu.memory_space<vmem>>, %arg1: memref<10240x128xf32, #tpu.memory_space<vmem>>, %arg2: memref<128x64xf32, #tpu.memory_space<vmem>>, %arg3: memref<10240x64xf32, #tpu.memory_space<vmem>>, %arg4: memref<10240x1xf32, #tpu.memory_space<vmem>>) attributes {dimension_semantics = [], scalar_prefetch = 0 : i64, scratch_operands = 0 : i64, tpu.core_type = #tpu.core_type<tc>} {
    %get3A = arith.constant 0 : index
    %get3A_0 = arith.constant 0 : index
    %get3A_1 = vector.load %arg0[%get3A, %get3A_0] : memref<32x10240xf32, #tpu.memory_space<vmem>>, vector<32x10240xf32>
    %reduce_sum3A = arith.constant dense<0.000000e+00> : vector<10240xf32>
    %reduce_sum3A_2 = vector.multi_reduction <add>, %get3A_1, %reduce_sum3A [0] : vector<32x10240xf32> to vector<10240xf32>
    %add3A = arith.constant 1.000000e+00 : f32
    %add3A_3 = vector.broadcast %add3A : f32 to vector<10240xf32>
    %add3A_4 = arith.addf %reduce_sum3A_2, %add3A_3 : vector<10240xf32>
    %iota3A = tpu.iota {dimensions = array<i32: 0>} : vector<10240x1xi32>
    %lt3A = arith.constant 10000 : i32
    %lt3A_5 = vector.broadcast %lt3A : i32 to vector<10240x1xi32>
    %lt3A_6 = arith.cmpi slt, %iota3A, %lt3A_5 : vector<10240x1xi32>
    %rsqrt3A = math.rsqrt %add3A_4 : vector<10240xf32>
    %broadcast_in_dim3A = vector.shape_cast %rsqrt3A : vector<10240xf32> to vector<10240x1xf32>
    %jit3A = arith.constant 0.000000e+00 : f32
    %broadcast_in_dim3A_7 = vector.broadcast %jit3A : f32 to vector<10240x1xf32>
    %select_n3A = arith.select %lt3A_6, %broadcast_in_dim3A, %broadcast_in_dim3A_7 : vector<10240x1xi1>, vector<10240x1xf32>
    %get3A_8 = arith.constant 0 : index
    %get3A_9 = arith.constant 0 : index
    %get3A_10 = vector.load %arg1[%get3A_8, %get3A_9] : memref<10240x128xf32, #tpu.memory_space<vmem>>, vector<10240x128xf32>
    %get3A_11 = arith.constant 0 : index
    %get3A_12 = arith.constant 0 : index
    %get3A_13 = vector.load %arg2[%get3A_11, %get3A_12] : memref<128x64xf32, #tpu.memory_space<vmem>>, vector<128x64xf32>
    %dot_general3A = arith.constant dense<0.000000e+00> : vector<10240x64xf32>
    %dot_general3A_14 = tpu.matmul %get3A_10, %get3A_13, %dot_general3A {dimension_numbers = #tpu.dot_dimension_numbers<[1], [0], [0], [1], [0, 0, 1, 1], [], []>, transpose_lhs_hint = false} : vector<10240x128xf32>, vector<128x64xf32>, vector<10240x64xf32> -> vector<10240x64xf32>
    %mul3A = vector.broadcast %select_n3A : vector<10240x1xf32> to vector<10240x64xf32>
    %mul3A_15 = arith.mulf %dot_general3A_14, %mul3A : vector<10240x64xf32>
    %swap3A = arith.constant 0 : index
    %swap3A_16 = arith.constant 0 : index
    %swap3A_17 = vector.load %arg3[%swap3A, %swap3A_16] : memref<10240x64xf32, #tpu.memory_space<vmem>>, vector<10240x64xf32>
    tpu.vector_store %arg3[%swap3A, %swap3A_16], %mul3A_15 {strides = array<i32>} : memref<10240x64xf32, #tpu.memory_space<vmem>>, vector<10240x64xf32>,
    %swap3A_18 = arith.constant 0 : index
    %swap3A_19 = arith.constant 0 : index
    %swap3A_20 = vector.load %arg4[%swap3A_18, %swap3A_19] : memref<10240x1xf32, #tpu.memory_space<vmem>>, vector<10240x1xf32>
    tpu.vector_store %arg4[%swap3A_18, %swap3A_19], %select_n3A {strides = array<i32>} : memref<10240x1xf32, #tpu.memory_space<vmem>>, vector<10240x1xf32>,
    return
  }
}

module attributes {stable_mosaic.version = 14 : i64} {
  func.func @_tc_combine1_body(%arg0: memref<2x10240x64xf32, #tpu.memory_space<vmem>>, %arg1: memref<10240x64xf32, #tpu.memory_space<vmem>>, %arg2: memref<10240x1xf32, #tpu.memory_space<vmem>>, %arg3: memref<1x64xf32, #tpu.memory_space<vmem>>, %arg4: memref<64x32xf32, #tpu.memory_space<vmem>>, %arg5: memref<10240x32xf32, #tpu.memory_space<vmem>>) attributes {dimension_semantics = [], scalar_prefetch = 0 : i64, scratch_operands = 0 : i64, tpu.core_type = #tpu.core_type<tc>} {
    %get3A = arith.constant 0 : index
    %get3A_0 = arith.constant 0 : index
    %get3A_1 = arith.constant 0 : index
    %get3A_2 = vector.load %arg0[%get3A, %get3A_0, %get3A_1] : memref<2x10240x64xf32, #tpu.memory_space<vmem>>, vector<1x10240x64xf32>
    %get3A_3 = vector.shape_cast %get3A_2 : vector<1x10240x64xf32> to vector<10240x64xf32>
    %get3A_4 = arith.constant 1 : index
    %get3A_5 = arith.constant 0 : index
    %get3A_6 = arith.constant 0 : index
    %get3A_7 = vector.load %arg0[%get3A_4, %get3A_5, %get3A_6] : memref<2x10240x64xf32, #tpu.memory_space<vmem>>, vector<1x10240x64xf32>
    %get3A_8 = vector.shape_cast %get3A_7 : vector<1x10240x64xf32> to vector<10240x64xf32>
    %add3A = arith.addf %get3A_3, %get3A_8 : vector<10240x64xf32>
    %get3A_9 = arith.constant 0 : index
    %get3A_10 = arith.constant 0 : index
    %get3A_11 = vector.load %arg1[%get3A_9, %get3A_10] : memref<10240x64xf32, #tpu.memory_space<vmem>>, vector<10240x64xf32>
    %add3A_12 = arith.addf %add3A, %get3A_11 : vector<10240x64xf32>
    %get3A_13 = arith.constant 0 : index
    %get3A_14 = arith.constant 0 : index
    %get3A_15 = vector.load %arg2[%get3A_13, %get3A_14] : memref<10240x1xf32, #tpu.memory_space<vmem>>, vector<10240x1xf32>
    %mul3A = vector.broadcast %get3A_15 : vector<10240x1xf32> to vector<10240x64xf32>
    %mul3A_16 = arith.mulf %add3A_12, %mul3A : vector<10240x64xf32>
    %get3A_17 = arith.constant 0 : index
    %get3A_18 = arith.constant 0 : index
    %get3A_19 = vector.load %arg3[%get3A_17, %get3A_18] : memref<1x64xf32, #tpu.memory_space<vmem>>, vector<1x64xf32>
    %add3A_20 = vector.broadcast %get3A_19 : vector<1x64xf32> to vector<10240x64xf32>
    %add3A_21 = arith.addf %mul3A_16, %add3A_20 : vector<10240x64xf32>
    %max3A = arith.constant 0.000000e+00 : f32
    %max3A_22 = vector.broadcast %max3A : f32 to vector<10240x64xf32>
    %max3A_23 = arith.maximumf %add3A_21, %max3A_22 : vector<10240x64xf32>
    %get3A_24 = arith.constant 0 : index
    %get3A_25 = arith.constant 0 : index
    %get3A_26 = vector.load %arg4[%get3A_24, %get3A_25] : memref<64x32xf32, #tpu.memory_space<vmem>>, vector<64x32xf32>
    %dot_general3A = arith.constant dense<0.000000e+00> : vector<10240x32xf32>
    %dot_general3A_27 = tpu.matmul %max3A_23, %get3A_26, %dot_general3A {dimension_numbers = #tpu.dot_dimension_numbers<[1], [0], [0], [1], [0, 0, 1, 1], [], []>, transpose_lhs_hint = false} : vector<10240x64xf32>, vector<64x32xf32>, vector<10240x32xf32> -> vector<10240x32xf32>
    %get3A_28 = arith.constant 0 : index
    %get3A_29 = arith.constant 0 : index
    %get3A_30 = vector.load %arg2[%get3A_28, %get3A_29] : memref<10240x1xf32, #tpu.memory_space<vmem>>, vector<10240x1xf32>
    %mul3A_31 = vector.broadcast %get3A_30 : vector<10240x1xf32> to vector<10240x32xf32>
    %mul3A_32 = arith.mulf %dot_general3A_27, %mul3A_31 : vector<10240x32xf32>
    %swap3A = arith.constant 0 : index
    %swap3A_33 = arith.constant 0 : index
    %swap3A_34 = vector.load %arg5[%swap3A, %swap3A_33] : memref<10240x32xf32, #tpu.memory_space<vmem>>, vector<10240x32xf32>
    tpu.vector_store %arg5[%swap3A, %swap3A_33], %mul3A_32 {strides = array<i32>} : memref<10240x32xf32, #tpu.memory_space<vmem>>, vector<10240x32xf32>,
    return
  }
}

module attributes {stable_mosaic.version = 14 : i64} {
  func.func @_tc_final_body(%arg0: memref<2x10240x32xf32, #tpu.memory_space<vmem>>, %arg1: memref<10240x32xf32, #tpu.memory_space<vmem>>, %arg2: memref<10240x1xf32, #tpu.memory_space<vmem>>, %arg3: memref<1x32xf32, #tpu.memory_space<vmem>>, %arg4: memref<1x32xf32, #tpu.memory_space<vmem>>, %arg5: memref<1x1xf32, #tpu.memory_space<vmem>>, %arg6: memref<10240x32xf32, #tpu.memory_space<vmem>>) attributes {dimension_semantics = [], scalar_prefetch = 0 : i64, scratch_operands = 0 : i64, tpu.core_type = #tpu.core_type<tc>} {
    %get3A = arith.constant 0 : index
    %get3A_0 = arith.constant 0 : index
    %get3A_1 = arith.constant 0 : index
    %get3A_2 = vector.load %arg0[%get3A, %get3A_0, %get3A_1] : memref<2x10240x32xf32, #tpu.memory_space<vmem>>, vector<1x10240x32xf32>
    %get3A_3 = vector.shape_cast %get3A_2 : vector<1x10240x32xf32> to vector<10240x32xf32>
    %get3A_4 = arith.constant 1 : index
    %get3A_5 = arith.constant 0 : index
    %get3A_6 = arith.constant 0 : index
    %get3A_7 = vector.load %arg0[%get3A_4, %get3A_5, %get3A_6] : memref<2x10240x32xf32, #tpu.memory_space<vmem>>, vector<1x10240x32xf32>
    %get3A_8 = vector.shape_cast %get3A_7 : vector<1x10240x32xf32> to vector<10240x32xf32>
    %add3A = arith.addf %get3A_3, %get3A_8 : vector<10240x32xf32>
    %get3A_9 = arith.constant 0 : index
    %get3A_10 = arith.constant 0 : index
    %get3A_11 = vector.load %arg1[%get3A_9, %get3A_10] : memref<10240x32xf32, #tpu.memory_space<vmem>>, vector<10240x32xf32>
    %add3A_12 = arith.addf %add3A, %get3A_11 : vector<10240x32xf32>
    %get3A_13 = arith.constant 0 : index
    %get3A_14 = arith.constant 0 : index
    %get3A_15 = vector.load %arg2[%get3A_13, %get3A_14] : memref<10240x1xf32, #tpu.memory_space<vmem>>, vector<10240x1xf32>
    %mul3A = vector.broadcast %get3A_15 : vector<10240x1xf32> to vector<10240x32xf32>
    %mul3A_16 = arith.mulf %add3A_12, %mul3A : vector<10240x32xf32>
    %get3A_17 = arith.constant 0 : index
    %get3A_18 = arith.constant 0 : index
    %get3A_19 = vector.load %arg3[%get3A_17, %get3A_18] : memref<1x32xf32, #tpu.memory_space<vmem>>, vector<1x32xf32>
    %add3A_20 = vector.broadcast %get3A_19 : vector<1x32xf32> to vector<10240x32xf32>
    %add3A_21 = arith.addf %mul3A_16, %add3A_20 : vector<10240x32xf32>
    %max3A = arith.constant 0.000000e+00 : f32
    %max3A_22 = vector.broadcast %max3A : f32 to vector<10240x32xf32>
    %max3A_23 = arith.maximumf %add3A_21, %max3A_22 : vector<10240x32xf32>
    %get3A_24 = arith.constant 0 : index
    %get3A_25 = arith.constant 0 : index
    %get3A_26 = vector.load %arg4[%get3A_24, %get3A_25] : memref<1x32xf32, #tpu.memory_space<vmem>>, vector<1x32xf32>
    %mul3A_27 = vector.broadcast %get3A_26 : vector<1x32xf32> to vector<10240x32xf32>
    %mul3A_28 = arith.mulf %max3A_23, %mul3A_27 : vector<10240x32xf32>
    %reduce_sum3A = arith.constant dense<0.000000e+00> : vector<10240xf32>
    %reduce_sum3A_29 = vector.multi_reduction <add>, %mul3A_28, %reduce_sum3A [1] : vector<10240x32xf32> to vector<10240xf32>
    %broadcast_in_dim3A = vector.shape_cast %reduce_sum3A_29 : vector<10240xf32> to vector<10240x1xf32>
    %get3A_30 = arith.constant 0 : index
    %get3A_31 = arith.constant 0 : index
    %get3A_32 = vector.load %arg5[%get3A_30, %get3A_31] : memref<1x1xf32, #tpu.memory_space<vmem>>, vector<1x1xf32>
    %add3A_33 = vector.broadcast %get3A_32 : vector<1x1xf32> to vector<10240x1xf32>
    %add3A_34 = arith.addf %broadcast_in_dim3A, %add3A_33 : vector<10240x1xf32>
    %logistic3A = arith.negf %add3A_34 : vector<10240x1xf32>
    %logistic3A_35 = math.exp %logistic3A : vector<10240x1xf32>
    %logistic3A_36 = arith.constant 1.000000e+00 : f32
    %logistic3A_37 = vector.broadcast %logistic3A_36 : f32 to vector<10240x1xf32>
    %logistic3A_38 = arith.addf %logistic3A_37, %logistic3A_35 : vector<10240x1xf32>
    %logistic3A_39 = arith.divf %logistic3A_37, %logistic3A_38 : vector<10240x1xf32>
    %mul3A_40 = vector.broadcast %logistic3A_39 : vector<10240x1xf32> to vector<10240x32xf32>
    %mul3A_41 = arith.mulf %max3A_23, %mul3A_40 : vector<10240x32xf32>
    %swap3A = arith.constant 0 : index
    %swap3A_42 = arith.constant 0 : index
    %swap3A_43 = vector.load %arg6[%swap3A, %swap3A_42] : memref<10240x32xf32, #tpu.memory_space<vmem>>, vector<10240x32xf32>
    tpu.vector_store %arg6[%swap3A, %swap3A_42], %mul3A_41 {strides = array<i32>} : memref<10240x32xf32, #tpu.memory_space<vmem>>, vector<10240x32xf32>,
    return
  }
}

</mosaic_0001>

<sc_bundles>
// kernel: kernel.11.cloned.1.call-start
scs
__scs_entry_jumppad:
0x0: {  	(pc) =	sbr.rel $0x88, $3  }
0x1: {  	(tag) =	ssettag $0x0;
	lr =	simm.s32 $0x1  }
0x2: {  	[smem:$0x3F99] =	sst lr;
	_ =	strace $0xD0000000  }
0x3: {  	_ = 	snop  }
0x4: {  	_ = 	snop  }
0x5: {  	_ = 	snop  }
0x6: {  	_ = 	snop  }
0x7: {  	_ = 	snop  }
__scs_overlays_trampoline_lowered:
0x8: {  	[smem:$0x3FA8] =	sst s0  }
0x9: {  	[smem:$0x3FA9] =	sst s1  }
0xa: {  	[smem:$0x3FAA] =	sst s2  }
0xb: {  	[smem:$0x3FAB] =	sst s3  }
0xc: {  	[smem:$0x3FAC] =	sst s4  }
0xd: {  	[smem:$0x3FAD] =	sst s5  }
0xe: {  	[smem:$0x3FAE] =	sst s6  }
0xf: {  	[smem:$0x3FAF] =	sst s7  }
0x10: {  	[smem:$0x3FB0] =	sst s8  }
0x11: {  	[smem:$0x3FB1] =	sst s9;
	s0 =	simm.s32 @!p0 $0x0  }
0x12: {  	s1 =	sld [smem:$0x3F97];
	s0 =	simm.s32 @p0 $0x1  }
0x13: {  	[smem:$0x3FB2] =	sst s0;
	s0 =	simm.s32 @!p1 $0x0  }
0x14: {  	s2 =	sld [smem:$0x3F96];
	s0 =	simm.s32 @p1 $0x1  }
0x15: {  	[smem:$0x3FB3] =	sst s0;
	s0 =	simm.s32 @!p2 $0x0  }
0x16: {  	s3 =	sld [smem:$0x3FDB];
	s0 =	simm.s32 @p2 $0x1  }
0x17: {  	s4 =	simm.s32 $0x1BF5;
	[smem:$0x3FB5] =	sst s0  }
0x18: {  	s0 =	sld [smem:$0x3F98];
	_ =	swait.ge [sflag:s4], $0x0  }
0x19: {  	s7 =	sld [smem:$0x3F99]  }
0x1a: {  	s8 =	sadd.s32 $0xFFFFE003, lr  }
0x1b: {  	s9 =	sadd.s32 $0xFFFFFEF7, lr;
	s5 =	simm.s32 $0xFFFFFFFF;
	p2 =	slt.u32 s8, $0xFFFFF086  }
0x1c: {  	p1 =	slt.u32 s9, $0xF7A;
	s5 =	simm.s32 @!p2 $0x0  }
0x1d: {  	s5 =	simm.s32 @p1 $0x1;
	p0 =	seq.s32 s7, s2  }
0x1e: {  	s7 =	smul.u32 @!p0 $0xF7A, s2;
	p2 =	seq.s32 @!p0 s5, $0x0  }
0x1f: {  	s9 =	smul.u32 $0xF7A, s1;
	s8 =	simm.s32 @!p0 $0x1BF5;
	p2 =	por !p2, p0  }
0x20: {  	[sflag:s8] =	ssyncset.s32 @!p0 $0xFFFFF086;
	s6 =	sadd.s32 @!p0 s3, s7;
	s7 =	simm.s32 @!p0 $0x108  }
0x21: {  	s3 =	sadd.s32 s3, s9;
	s6 =	sadd.s32 @!p0 $0x88, s6;
	s7 =	simm.s32 @p2 $0x1082  }
0x22: {  	[simem:s7], [sflag:s8] =	dma.local @!p0 [hbm:s6], $0xF7A  }
0x23: {  	s9 =	sor.u32 $0xD0000000, s2;
	s6 =	simm.s32 $0x108;
	_ =	swait.ge @!p0 [sflag:s8], $0x0  }
0x24: {  	s3 =	sadd.s32 $0x88, s3;
	s6 =	simm.s32 @!p1 $0x1082;
	[sflag:s4] =	ssyncset.s32 $0xFFFFF086  }
0x25: {  	[simem:s6], [sflag:s4] =	dma.local [hbm:s3], $0xF7A  }
0x26: {  	[smem:$0x3F99] =	sst s1;
	(tag) =	ssettag s2;
	_ =	strace s9  }
0x27: {  	s1 =	sld [smem:$0x3FA9]  }
0x28: {  	s2 =	sld [smem:$0x3FAA]  }
0x29: {  	s4 =	sld [smem:$0x3FAC]  }
0x2a: {  	p0 =	seq.s32 s5, $0x0;
	s5 =	sld [smem:$0x3FAD]  }
0x2b: {  	s6 =	sld [smem:$0x3FAE]  }
0x2c: {  	s7 =	sld [smem:$0x3FAF]  }
0x2d: {  	s3 =	simm.s32 $0x108;
	s8 =	sld [smem:$0x3FB0]  }
0x2e: {  	s3 =	simm.s32 @!p0 $0x1082;
	s9 =	sld [smem:$0x3FB1]  }
0x2f: {  	lr =	sadd.s32 s0, s3;
	s0 =	sld [smem:$0x3FA8]  }
0x30: {  	s3 =	sld [smem:$0x3FAB]  }
0x31: {  	[smem:$0x3FB4] =	sst s10  }
0x32: {  	s10 =	sld [smem:$0x3FB2];
	_ =	sdelay $0x3  }
0x33: {  	p0 =	seq.s32 s10, $0x1;
	s10 =	sld [smem:$0x3FB4];
	_ =	sdelay $0x3  }
0x34: {  	[smem:$0x3FB4] =	sst s10  }
0x35: {  	s10 =	sld [smem:$0x3FB3];
	_ =	sdelay $0x3  }
0x36: {  	p1 =	seq.s32 s10, $0x1;
	s10 =	sld [smem:$0x3FB4];
	_ =	sdelay $0x3  }
0x37: {  	[smem:$0x3FB4] =	sst s10  }
0x38: {  	s10 =	sld [smem:$0x3FB5]  }
0x39: {  	_ = 	snop;
	(pc) =	sbr.ind lr, $3  }
0x3a: {  	_ = 	snop  }
0x3b: {  	_ = 	snop  }
0x3c: {  	p2 =	seq.s32 s10, $0x1;
	s10 =	sld [smem:$0x3FB4]  }
0x3d: {  	_ =	shalt  }
0x3e: {  	_ =	shalt  }
0x3f: {  	_ =	shalt  }
0x40: {  	_ =	shalt  }
0x41: {  	_ =	shalt  }
0x42: {  	_ =	shalt  }
0x43: {  	_ =	shalt  }
0x44: {  	_ =	shalt  }
0x45: {  	_ =	shalt  }
0x46: {  	_ =	shalt  }
0x47: {  	_ =	shalt  }
0x48: {  	_ =	shalt  }
0x49: {  	_ =	shalt  }
0x4a: {  	_ =	shalt  }
0x4b: {  	_ =	shalt  }
0x4c: {  	_ =	shalt  }
0x4d: {  	_ =	shalt  }
0x4e: {  	_ =	shalt  }
0x4f: {  	_ =	shalt  }
0x50: {  	_ =	shalt  }
0x51: {  	_ =	shalt  }
0x52: {  	_ =	shalt  }
0x53: {  	_ =	shalt  }
0x54: {  	_ =	shalt  }
0x55: {  	_ =	shalt  }
0x56: {  	_ =	shalt  }
0x57: {  	_ =	shalt  }
0x58: {  	_ =	shalt  }
0x59: {  	_ =	shalt  }
0x5a: {  	_ =	shalt  }
0x5b: {  	_ =	shalt  }
0x5c: {  	_ =	shalt  }
0x5d: {  	_ =	shalt  }
0x5e: {  	_ =	shalt  }
0x5f: {  	_ =	shalt  }
0x60: {  	_ =	shalt  }
0x61: {  	_ =	shalt  }
0x62: {  	_ =	shalt  }
0x63: {  	_ =	shalt  }
0x64: {  	_ =	shalt  }
0x65: {  	_ =	shalt  }
0x66: {  	_ =	shalt  }
0x67: {  	_ =	shalt  }
0x68: {  	_ =	shalt  }
0x69: {  	_ =	shalt  }
0x6a: {  	_ =	shalt  }
0x6b: {  	_ =	shalt  }
0x6c: {  	_ =	shalt  }
0x6d: {  	_ =	shalt  }
0x6e: {  	_ =	shalt  }
0x6f: {  	_ =	shalt  }
0x70: {  	_ =	shalt  }
0x71: {  	_ =	shalt  }
0x72: {  	_ =	shalt  }
0x73: {  	_ =	shalt  }
0x74: {  	_ =	shalt  }
0x75: {  	_ =	shalt  }
0x76: {  	_ =	shalt  }
0x77: {  	_ =	shalt  }
0x78: {  	_ =	shalt  }
0x79: {  	_ =	shalt  }
0x7a: {  	_ =	shalt  }
0x7b: {  	_ =	shalt  }
0x7c: {  	_ =	shalt  }
0x7d: {  	_ =	shalt  }
0x7e: {  	_ =	shalt  }
0x7f: {  	_ =	shalt  }
0x80: {  	_ =	shalt  }
0x81: {  	_ =	shalt  }
0x82: {  	_ =	shalt  }
0x83: {  	_ =	shalt  }
0x84: {  	_ =	shalt  }
0x85: {  	_ =	shalt  }
0x86: {  	_ =	shalt  }
0x87: {  	_ =	shalt  }
.Lfunc_end0:
.L_simem_size_0:
called_computation.1_lowered:
.L_overlay_start_0:
0x88: {  	s2 =	sld [smem:$0x3FD9]  }
0x89: {  	s3 =	sld [smem:$0x3FFE];
	_ =	sdelay $0x1  }
0x8a: {  	s1 =	srdreg.scid  }
0x8b: {  	s0 =	sand.u32 $0x1, s1  }
0x8c: {  	s16 =	sshll.u32 s0, $0xA;
	s2 =	sadd.s32 s3, s2  }
0x8d: {  	s2 =	sadd.s32 s2, s16  }
0x8e: {  	[smem:$0x3FC0] =	sst s2  }
0x8f: {  	_ = 	snop  }
0x90: {  	(tm) =	ssettm $0x1  }
0x91: {  	s17 =	sld [smem:$0x3FFB];
	_ =	sdelay $0x3  }
0x92: {  	_ =	strace s17  }
0x93: {  	s2 =	sld [smem:$0x3FFC];
	_ =	sdelay $0x3  }
0x94: {  	_ =	strace s2  }
0x95: {  	s2 =	sld [smem:$0x3FFD];
	_ =	sdelay $0x3  }
0x96: {  	_ =	strace s2  }
0x97: {  	_ =	strace $0x8FFFFFFF  }
0x98: {  	s18 =	sld [smem:$0x3FDB];
	_ =	sdelay $0x1  }
0x99: {  	s19 =	simm.s32 $_scs_section_size  }
0x9a: {  	s4 =	simm.s32 $_size__tile_overlayer_lowered;
	s5 =	simm.s32 $_tile_overlayer_lowered  }
0x9b: {  	s22 =	simm.s32 $0x1BFF;
	s21 =	sshll.u32 s5, $0x1;
	s2 =	sadd.s32 s19, s18  }
0x9c: {  	s6 =	simm.s32 $0x0;
	s20 =	sshll.u32 s4, $0x1;
	s4 =	sadd.s32 s21, s2  }
0x9d: {  	[timem:s6], [sflag:s22] =	dma.local [hbm:s4], s20  }
0x9e: {  	_ =	swait.ge [sflag:s22], s20  }
0x9f: {  	s3 =	ssub.s32 $0x0, s20;
	[sflag:s22] =	ssyncset.done $0x0  }
0xa0: {  	[sflag:s22] =	ssyncadd.s32 s3;
	_ =	sdelay $0x1  }
0xa1: {  	s23 =	simm.s32 $0x1B8B  }
0xa2: {  	_ =	swait.ge [sflag:s23], $0x1  }
0xa3: {  	[sflag:s23] =	ssyncset.done $0x0  }
0xa4: {  	s25 =	simm.s32 $0x1B8E;
	s24 =	sld [smem:$0x3FFE];
	[sflag:s23] =	ssyncadd.s32 $0xFFFFFFFF  }
0xa5: {  	s26 =	simm.s32 $execute0_lowered;
	[smem:$0x3FD2] =	sst s25  }
0xa6: {  	s4 =	sshll.u32 s26, $0x1;
	_ =	strace $0x80000049;
	[dreg:$0x1] =	wrdreg $0xFFFFFFFF  }
0xa7: {  	s28 =	simm.s32 $_size_execute0_lowered;
	s2 =	sadd.s32 s2, s4;
	[dreg:$0x0] =	wrdreg $0x0  }
0xa8: {  	s4 =	sshll.u32 s28, $0x1;
	[dreg:$0x2] =	wrdreg s2  }
0xa9: {  	[dreg:$0x3] =	wrdreg s4  }
0xaa: {  	[dreg:$0x4] =	wrdreg $0xC0  }
0xab: {  	_ =	task [dreg:s6], $0x5FFFF  }
0xac: {  	[dreg:$0x1] =	wrdreg $0xFFFFFFFF  }
0xad: {  	[dreg:$0x0] =	wrdreg $0x60  }
0xae: {  	[dreg:$0x2] =	wrdreg s24  }
0xaf: {  	[dreg:$0x3] =	wrdreg $0x150000  }
0xb0: {  	[dreg:$0x4] =	wrdreg $0x9  }
0xb1: {  	_ =	task.clear_ibuf [dreg:s6], $0x5FFFF;
	_ =	strace $0x90000049  }
0xb2: {  	s29 =	simm.s32 $0x9;
	_ =	strace $0x8000004B  }
0xb3: {  	_ =	swait.ge [sflag:s29], $0x1  }
0xb4: {  	[sflag:s29] =	ssyncadd.s32 $0xFFFFFFFF  }
0xb5: {  	_ =	strace $0x9000004B  }
0xb6: {  	_ =	sfence  }
0xb7: {  	s30 =	sld [smem:$0x0];
	_ =	sdelay $0x2  }
0xb8: {  	s31 =	sshll.u32 s1, $0xD;
	s1 =	sshrl.u32 s1, $0x2  }
0xb9: {  	s3 =	sand.u32 $0x4000, s31;
	s1 =	sadd.s32 s1, s30  }
0xba: {  	s0 =	sor.u32 s3, s0;
	s1 =	sshll.u32 s1, $0x11  }
0xbb: {  	s0 =	sor.u32 s1, s0  }
0xbc: {  	s0 =	sadd.s32 $0x8F2B, s0  }
0xbd: {  	[sflag:s0] =	ssyncadd.remote.s32 $0x1  }
0xbe: {  	_ =	sfence.sel $0xFFFF  }
0xbf: {  	[dreg:$0x0] =	wrdreg $0xFFFFFFFF;
	(pc) =	sbr.abs _section_cstart, $3  }
0xc0: {  	[dreg:$0x1] =	wrdreg $0xFFFFFFFF  }
0xc1: {  	_ =	task.clear_ibuf [dreg:s6], $0x2FFFF;
	_ =	strace $0x9FFFFFFF  }
0xc2: {  	(tm) =	ssettm $0x7FFFFFFF  }
0xc3: {  	_ =	shalt  }
tec
execute0_lowered:
.L_overlay_start_1:
0x0: {  	(tag) =	ssettag $0x1  }
0x1: {  	s0 =	srdreg.scid;
	s5 =	rddreg [dreg:$0x0]  }
0x2: {  	s11 =	stileid.u32;
	s2 =	rddreg [dreg:$0x1]  }
0x3: {  	s3 =	simm.s32 $0x0;
	s14 =	simm.s32 $0x1;
	s15 =	simm.s32 $0x80  }
0x4: {  	s16 =	simm.s32 $0x5000;
	s17 =	simm.s32 $0x7000;
	s19 =	simm.s32 $0x9000  }
0x5: {  	s21 =	simm.s32 $0xB000;
	s22 =	simm.s32 $0xD000;
	s23 =	simm.s32 $0xF000  }
0x6: {  	s28 =	simm.s32 $0x4;
	s29 =	simm.s32 $0x3;
	s30 =	simm.s32 $0x5  }
0x7: {  	s31 =	simm.s32 $0x6;
	s0 =	sand.u32 $0x1, s0;
	s6 =	smul.u32 $0xA000, s11  }
0x8: {  	[smem:$0x7FF] =	sst s3;
	s4 =	sadd.s32 $0x15A00, s5;
	s1 =	sshll.u32 s0, $0x4  }
0x9: {  	s7 =	smul.u32 $0xA0000, s0;
	_ =	strace $0x8000004A;
	s0 =	ssub.s32 $0x2, s0  }
0xa: {  	s1 =	sor.u32 s11, s1;
	s8 =	sshrl.u32 s6, $0x3;
	s9 =	sshrl.u32 s0, $0x1  }
0xb: {  	s1 =	smul.u32 $0x500, s1;
	s7 =	sadd.s32 s6, s7;
	s8 =	sadd.s32 s8, s5  }
0xc: {  	s12 =	sadd.s32 s6, s2;
	s7 =	sshrl.u32 s7, $0x3;
	s24 =	sadd.s32 $0x29A00, s8  }
0xd: {  	s1 =	sadd.s32 s1, s5;
	s10 =	sadd.s32 s7, s5;
	s5 =	sshll.u32 s11, $0x6  }
0xe: {  	s0 =	ssub.s32 s0, s9;
	[dreg:$0x3] =	wrdreg s24;
	s25 =	sor.u32 $0x1C01, s5  }
0xf: {  	s12 =	sshrl.u32 s12, $0x3;
	s26 =	sadd.s32 $0xBA00, s1;
	[dreg:$0x4] =	wrdreg s25  }
0x10: {  	s11 =	smax.u32 s0, $0x1;
	s1 =	sadd.s32 $0x1A00, s1;
	[dreg:$0x5] =	wrdreg s26  }
0x11: {  	s24 =	simm.s32 $0x11000;
	s10 =	sadd.s32 $0x3DA00, s10;
	[dreg:$0x6] =	wrdreg s1  }
0x12: {  	s25 =	simm.s32 $0x13000;
	s26 =	simm.s32 $0x2;
	s1 =	simm.s32 $0x0  }
.LBB2_1:
0x13: {  	s0 =	rddreg [dreg:$0x3]  }
0x14: {  	s6 =	rddreg [dreg:$0x4]  }
0x15: {  	[spmem:s12], [sflag:s6] =	dma.local [hbm:s0], $0x1400  }
0x16: {  	s0 =	rddreg [dreg:$0x5]  }
0x17: {  	[tilespmem:s3], [sflag:$0x1] =	stream.linear.gather [hbm4b:s0+s3], $0x2800, $0x38;
	[tilespmem:$0x1F000] =	vst v63  }
0x18: {  	s20 =	simm.s32 $0x2800;
	s18 =	rddreg [dreg:$0x6]  }
0x19: {  	[tilespmem:s20], [sflag:$0x1] =	stream.linear.gather [hbm4b:s18+s3], $0x2800, $0x38;
	[tilespmem:$0x1F000] =	vst v63  }
0x1a: {  	_ =	swait.ge [sflag:s14], $0x1400  }
0x1b: {  	[sflag:s14] =	ssyncset.done $0x0  }
0x1c: {  	[sflag:s14] =	ssyncadd.s32 $0xFFFFEC00  }
0x1d: {  	_ =	swait.ge [sflag:s14], $0x2800  }
0x1e: {  	[sflag:s14] =	ssyncset.done $0x0  }
0x1f: {  	[sflag:s14] =	ssyncadd.s32 $0xFFFFD800  }
0x20: {  	_ =	swait.ge [sflag:s14], $0x2800  }
0x21: {  	[sflag:s14] =	ssyncset.done $0x0  }
0x22: {  	[sflag:s14] =	ssyncadd.s32 $0xFFFFD800  }
0x23: {  	[bflag:$0x0] =	sbarrier.arrive $0xFFFF  }
0x24: {  	[tilespmem:s16], [sflag:$0x2] =	stream.indirect.gather [hbm4b:s4+s15], $0x40, s3, s15, $0xb8;
	[tilespmem:$0x1F000] =	vst v63  }
0x25: {  	p0 =	por $0x1, $0x1  }
0x26: {  	[tilespmem:s17], [sflag:$0x2] =	stream.indirect.gather [hbm4b:s4+s15], $0x40, s15, s15, $0xb8;
	[tilespmem:$0x1F000] =	vst v63  }
0x27: {  	s7 =	simm.s32 $0x100;
	p0 =	por p0, p0  }
0x28: {  	[tilespmem:s19], [sflag:$0x2] =	stream.indirect.gather [hbm4b:s4+s15], $0x40, s7, s15, $0xb8;
	[tilespmem:$0x1F000] =	vst v63  }
0x29: {  	s8 =	simm.s32 $0x180;
	s0 =	simm.s32 @!p0 $0x5  }
0x2a: {  	[tilespmem:s21], [sflag:$0x2] =	stream.indirect.gather [hbm4b:s4+s15], $0x40, s8, s15, $0xb8;
	[tilespmem:$0x1F000] =	vst v63  }
0x2b: {  	_ =	swait.ge @!p0 [sflag:s0], $0x2000  }
0x2c: {  	[sflag:s0] =	ssyncset.done @!p0 $0x0  }
0x2d: {  	[sflag:s0] =	ssyncadd.s32 @!p0 $0xFFFFE000  }
0x2e: {  	_ =	swait.ge @!p0 [sflag:s0], $0x2000  }
0x2f: {  	[sflag:s0] =	ssyncset.done @!p0 $0x0  }
0x30: {  	[sflag:s0] =	ssyncadd.s32 @!p0 $0xFFFFE000  }
0x31: {  	_ =	swait.ge @!p0 [sflag:s0], $0x2000  }
0x32: {  	[sflag:s0] =	ssyncset.done @!p0 $0x0  }
0x33: {  	[sflag:s0] =	ssyncadd.s32 @!p0 $0xFFFFE000  }
0x34: {  	_ =	swait.ge @!p0 [sflag:s0], $0x2000  }
0x35: {  	[sflag:s0] =	ssyncset.done @!p0 $0x0  }
0x36: {  	s9 =	simm.s32 $0x200;
	[sflag:s0] =	ssyncadd.s32 @!p0 $0xFFFFE000  }
0x37: {  	[tilespmem:s22], [sflag:$0x3] =	stream.indirect.gather [hbm4b:s4+s15], $0x40, s9, s15, $0xb8;
	[tilespmem:$0x1F000] =	vst v63  }
0x38: {  	s13 =	simm.s32 $0x280  }
0x39: {  	[tilespmem:s23], [sflag:$0x3] =	stream.indirect.gather [hbm4b:s4+s15], $0x40, s13, s15, $0xb8;
	[tilespmem:$0x1F000] =	vst v63  }
0x3a: {  	s18 =	simm.s32 $0x300  }
0x3b: {  	[tilespmem:s24], [sflag:$0x3] =	stream.indirect.gather [hbm4b:s4+s15], $0x40, s18, s15, $0xb8;
	[tilespmem:$0x1F000] =	vst v63  }
0x3c: {  	s20 =	simm.s32 $0x380  }
0x3d: {  	[tilespmem:s25], [sflag:$0x3] =	stream.indirect.gather [hbm4b:s4+s15], $0x40, s20, s15, $0xb8;
	[tilespmem:$0x1F000] =	vst v63  }
0x3e: {  	_ =	swait.ge [sflag:s26], $0x2000  }
0x3f: {  	[sflag:s26] =	ssyncset.done $0x0  }
0x40: {  	[sflag:s26] =	ssyncadd.s32 $0xFFFFE000  }
0x41: {  	_ =	swait.ge [sflag:s26], $0x2000  }
0x42: {  	[sflag:s26] =	ssyncset.done $0x0  }
0x43: {  	[sflag:s26] =	ssyncadd.s32 $0xFFFFE000  }
0x44: {  	_ =	swait.ge [sflag:s26], $0x2000  }
0x45: {  	[sflag:s26] =	ssyncset.done $0x0  }
0x46: {  	[sflag:s26] =	ssyncadd.s32 $0xFFFFE000  }
0x47: {  	_ =	swait.ge [sflag:s26], $0x2000  }
0x48: {  	[sflag:s26] =	ssyncset.done $0x0  }
0x49: {  	s6 =	simm.s32 $0x2800;
	[sflag:s26] =	ssyncadd.s32 $0xFFFFE000  }
0x4a: {  	[spmem:s2] =	stream.indirect.scatter.add.f32 [tilespmem:s16], [sflag:$0x4], $0x40, s6, s15, $0xb8;
	[tilespmem:$0x1F000] =	vst v63  }
0x4b: {  	s7 =	simm.s32 $0x2880  }
0x4c: {  	[spmem:s2] =	stream.indirect.scatter.add.f32 [tilespmem:s17], [sflag:$0x4], $0x40, s7, s15, $0xb8;
	[tilespmem:$0x1F000] =	vst v63  }
0x4d: {  	s8 =	simm.s32 $0x2900  }
0x4e: {  	[spmem:s2] =	stream.indirect.scatter.add.f32 [tilespmem:s19], [sflag:$0x4], $0x40, s8, s15, $0xb8;
	[tilespmem:$0x1F000] =	vst v63  }
0x4f: {  	s9 =	simm.s32 $0x2980  }
0x50: {  	[spmem:s2] =	stream.indirect.scatter.add.f32 [tilespmem:s21], [sflag:$0x4], $0x40, s9, s15, $0xb8;
	[tilespmem:$0x1F000] =	vst v63  }
0x51: {  	_ =	swait.ge [sflag:s28], $0x2000  }
0x52: {  	[sflag:s28] =	ssyncset.done $0x0  }
0x53: {  	[sflag:s28] =	ssyncadd.s32 $0xFFFFE000  }
0x54: {  	_ =	swait.ge [sflag:s28], $0x2000  }
0x55: {  	[sflag:s28] =	ssyncset.done $0x0  }
0x56: {  	[sflag:s28] =	ssyncadd.s32 $0xFFFFE000  }
0x57: {  	_ =	swait.ge [sflag:s28], $0x2000  }
0x58: {  	[sflag:s28] =	ssyncset.done $0x0  }
0x59: {  	[sflag:s28] =	ssyncadd.s32 $0xFFFFE000  }
0x5a: {  	p0 =	por $0x0, $0x0;
	_ =	swait.ge [sflag:s28], $0x2000  }
0x5b: {  	s0 =	simm.s32 @!p0 $0x5000;
	[sflag:s28] =	ssyncset.done $0x0  }
0x5c: {  	s13 =	simm.s32 @!p0 $0x400;
	s18 =	simm.s32 @!p0 $0x80;
	[sflag:s28] =	ssyncadd.s32 $0xFFFFE000  }
0x5d: {  	[tilespmem:s0], [sflag:$0x2] =	stream.indirect.gather @!p0 [hbm4b:s4+s18], $0x40, s13, s18, $0xb8;
	[tilespmem:$0x1F000] =	vst v63  }
0x5e: {  	s0 =	simm.s32 @!p0 $0x480;
	s13 =	simm.s32 @!p0 $0x7000  }
0x5f: {  	[tilespmem:s13], [sflag:$0x2] =	stream.indirect.gather @!p0 [hbm4b:s4+s18], $0x40, s0, s18, $0xb8;
	[tilespmem:$0x1F000] =	vst v63  }
0x60: {  	s0 =	simm.s32 @!p0 $0x500;
	s13 =	simm.s32 @!p0 $0x9000  }
0x61: {  	[tilespmem:s13], [sflag:$0x2] =	stream.indirect.gather @!p0 [hbm4b:s4+s18], $0x40, s0, s18, $0xb8;
	[tilespmem:$0x1F000] =	vst v63  }
0x62: {  	s0 =	simm.s32 @!p0 $0x580;
	s13 =	simm.s32 @!p0 $0xB000  }
0x63: {  	[tilespmem:s13], [sflag:$0x2] =	stream.indirect.gather @!p0 [hbm4b:s4+s18], $0x40, s0, s18, $0xb8;
	[tilespmem:$0x1F000] =	vst v63  }
0x64: {  	_ =	swait.ge [sflag:s29], $0x2000  }
0x65: {  	[sflag:s29] =	ssyncset.done $0x0  }
0x66: {  	[sflag:s29] =	ssyncadd.s32 $0xFFFFE000  }
0x67: {  	_ =	swait.ge [sflag:s29], $0x2000  }
0x68: {  	[sflag:s29] =	ssyncset.done $0x0  }
0x69: {  	[sflag:s29] =	ssyncadd.s32 $0xFFFFE000  }
0x6a: {  	_ =	swait.ge [sflag:s29], $0x2000  }
0x6b: {  	[sflag:s29] =	ssyncset.done $0x0  }
0x6c: {  	[sflag:s29] =	ssyncadd.s32 $0xFFFFE000  }
0x6d: {  	_ =	swait.ge [sflag:s29], $0x2000  }
0x6e: {  	[sflag:s29] =	ssyncset.done $0x0  }
0x6f: {  	p6 =	por $0x0, $0x0;
	s13 =	simm.s32 $0x2A00;
	[sflag:s29] =	ssyncadd.s32 $0xFFFFE000  }
0x70: {  	[spmem:s2] =	stream.indirect.scatter.add.f32 [tilespmem:s22], [sflag:$0x5], $0x40, s13, s15, $0xb8;
	[tilespmem:$0x1F000] =	vst v63  }
0x71: {  	s20 =	simm.s32 $0x2B00;
	s18 =	simm.s32 $0x2A80;
	s0 =	simm.s32 $0x1000  }
0x72: {  	[spmem:s2] =	stream.indirect.scatter.add.f32 [tilespmem:s23], [sflag:$0x5], $0x40, s18, s15, $0xb8;
	[tilespmem:$0x1F000] =	vst v63  }
0x73: {  	p0 =	por p6, p6;
	s13 =	simm.s32 $0x2000;
	s18 =	simm.s32 $0x2B80  }
0x74: {  	[spmem:s2] =	stream.indirect.scatter.add.f32 [tilespmem:s24], [sflag:$0x5], $0x40, s20, s15, $0xb8;
	[tilespmem:$0x1F000] =	vst v63  }
.LBB2_2:
0x75: {  	[spmem:s2] =	stream.indirect.scatter.add.f32 [tilespmem:s25], [sflag:$0x5], $0x40, s18, s15, $0xb8;
	[tilespmem:$0x1F000] =	vst v63  }
0x76: {  	s20 =	smov.u32 s13  }
0x77: {  	s13 =	sadd.s32 $0x1000, s13;
	s6 =	simm.s32 @!p0 $0x5;
	p2 =	seq.s32 s20, $0x0  }
0x78: {  	p1 =	sne.s32 s13, $0xA000;
	_ =	swait.ge @!p0 [sflag:s6], $0x2000  }
0x79: {  	[sflag:s6] =	ssyncset.done @!p0 $0x0  }
0x7a: {  	[sflag:s6] =	ssyncadd.s32 @!p0 $0xFFFFE000  }
0x7b: {  	_ =	swait.ge @!p0 [sflag:s6], $0x2000  }
0x7c: {  	[sflag:s6] =	ssyncset.done @!p0 $0x0  }
0x7d: {  	[sflag:s6] =	ssyncadd.s32 @!p0 $0xFFFFE000  }
0x7e: {  	_ =	swait.ge @!p0 [sflag:s6], $0x2000  }
0x7f: {  	[sflag:s6] =	ssyncset.done @!p0 $0x0  }
0x80: {  	[sflag:s6] =	ssyncadd.s32 @!p0 $0xFFFFE000  }
0x81: {  	_ =	swait.ge @!p0 [sflag:s6], $0x2000  }
0x82: {  	s18 =	sshra.s32 s0, $0x2;
	[sflag:s6] =	ssyncset.done @!p0 $0x0  }
0x83: {  	[sflag:s6] =	ssyncadd.s32 @!p0 $0xFFFFE000;
	s6 =	sadd.s32 $0x200, s18;
	p0 =	por p2, p2  }
0x84: {  	[tilespmem:s22], [sflag:$0x3] =	stream.indirect.gather [hbm4b:s4+s15], $0x40, s6, s15, $0xb8;
	[tilespmem:$0x1F000] =	vst v63  }
0x85: {  	s6 =	sadd.s32 $0x280, s18  }
0x86: {  	[tilespmem:s23], [sflag:$0x3] =	stream.indirect.gather [hbm4b:s4+s15], $0x40, s6, s15, $0xb8;
	[tilespmem:$0x1F000] =	vst v63  }
0x87: {  	s6 =	sadd.s32 $0x300, s18  }
0x88: {  	[tilespmem:s24], [sflag:$0x3] =	stream.indirect.gather [hbm4b:s4+s15], $0x40, s6, s15, $0xb8;
	[tilespmem:$0x1F000] =	vst v63  }
0x89: {  	s6 =	sadd.s32 $0x380, s18  }
0x8a: {  	[tilespmem:s25], [sflag:$0x3] =	stream.indirect.gather [hbm4b:s4+s15], $0x40, s6, s15, $0xb8;
	[tilespmem:$0x1F000] =	vst v63  }
0x8b: {  	_ =	swait.ge [sflag:s26], $0x2000  }
0x8c: {  	[sflag:s26] =	ssyncset.done $0x0  }
0x8d: {  	[sflag:s26] =	ssyncadd.s32 $0xFFFFE000  }
0x8e: {  	_ =	swait.ge [sflag:s26], $0x2000  }
0x8f: {  	[sflag:s26] =	ssyncset.done $0x0  }
0x90: {  	[sflag:s26] =	ssyncadd.s32 $0xFFFFE000  }
0x91: {  	_ =	swait.ge [sflag:s26], $0x2000  }
0x92: {  	[sflag:s26] =	ssyncset.done $0x0  }
0x93: {  	[sflag:s26] =	ssyncadd.s32 $0xFFFFE000  }
0x94: {  	_ =	swait.ge [sflag:s26], $0x2000  }
0x95: {  	[sflag:s26] =	ssyncset.done $0x0  }
0x96: {  	s6 =	sadd.s32 $0x2800, s18;
	[sflag:s26] =	ssyncadd.s32 $0xFFFFE000  }
0x97: {  	[spmem:s2] =	stream.indirect.scatter.add.f32 [tilespmem:s16], [sflag:$0x4], $0x40, s6, s15, $0xb8;
	[tilespmem:$0x1F000] =	vst v63  }
0x98: {  	s6 =	sadd.s32 $0x2880, s18  }
0x99: {  	[spmem:s2] =	stream.indirect.scatter.add.f32 [tilespmem:s17], [sflag:$0x4], $0x40, s6, s15, $0xb8;
	[tilespmem:$0x1F000] =	vst v63  }
0x9a: {  	s6 =	sadd.s32 $0x2900, s18  }
0x9b: {  	[spmem:s2] =	stream.indirect.scatter.add.f32 [tilespmem:s19], [sflag:$0x4], $0x40, s6, s15, $0xb8;
	[tilespmem:$0x1F000] =	vst v63  }
0x9c: {  	s6 =	sadd.s32 $0x2980, s18  }
0x9d: {  	[spmem:s2] =	stream.indirect.scatter.add.f32 [tilespmem:s21], [sflag:$0x4], $0x40, s6, s15, $0xb8;
	[tilespmem:$0x1F000] =	vst v63  }
0x9e: {  	_ =	swait.ge [sflag:s28], $0x2000  }
0x9f: {  	[sflag:s28] =	ssyncset.done $0x0  }
0xa0: {  	[sflag:s28] =	ssyncadd.s32 $0xFFFFE000  }
0xa1: {  	_ =	swait.ge [sflag:s28], $0x2000  }
0xa2: {  	[sflag:s28] =	ssyncset.done $0x0  }
0xa3: {  	[sflag:s28] =	ssyncadd.s32 $0xFFFFE000  }
0xa4: {  	_ =	swait.ge [sflag:s28], $0x2000  }
0xa5: {  	[sflag:s28] =	ssyncset.done $0x0  }
0xa6: {  	[sflag:s28] =	ssyncadd.s32 $0xFFFFE000  }
0xa7: {  	p2 =	seq.s32 s0, $0x9000;
	_ =	swait.ge [sflag:s28], $0x2000  }
0xa8: {  	s0 =	sshra.s32 @!p2 s0, $0x2;
	s6 =	simm.s32 @!p2 $0x5000;
	[sflag:s28] =	ssyncset.done $0x0  }
0xa9: {  	s8 =	simm.s32 @!p2 $0x80;
	s7 =	sadd.s32 @!p2 $0x400, s0;
	[sflag:s28] =	ssyncadd.s32 $0xFFFFE000  }
0xaa: {  	[tilespmem:s6], [sflag:$0x2] =	stream.indirect.gather @!p2 [hbm4b:s4+s8], $0x40, s7, s8, $0xb8;
	[tilespmem:$0x1F000] =	vst v63  }
0xab: {  	s9 =	sadd.s32 @!p2 $0x500, s0;
	s6 =	sadd.s32 @!p2 $0x480, s0;
	s7 =	simm.s32 @!p2 $0x7000  }
0xac: {  	[tilespmem:s7], [sflag:$0x2] =	stream.indirect.gather @!p2 [hbm4b:s4+s8], $0x40, s6, s8, $0xb8;
	[tilespmem:$0x1F000] =	vst v63  }
0xad: {  	s6 =	simm.s32 @!p2 $0x9000;
	s7 =	sadd.s32 @!p2 $0x580, s0;
	s0 =	smov.u32 s20  }
0xae: {  	[tilespmem:s6], [sflag:$0x2] =	stream.indirect.gather @!p2 [hbm4b:s4+s8], $0x40, s9, s8, $0xb8;
	[tilespmem:$0x1F000] =	vst v63  }
0xaf: {  	s6 =	simm.s32 @!p2 $0xB000  }
0xb0: {  	[tilespmem:s6], [sflag:$0x2] =	stream.indirect.gather @!p2 [hbm4b:s4+s8], $0x40, s7, s8, $0xb8;
	[tilespmem:$0x1F000] =	vst v63  }
0xb1: {  	_ =	swait.ge [sflag:s29], $0x2000  }
0xb2: {  	[sflag:s29] =	ssyncset.done $0x0  }
0xb3: {  	[sflag:s29] =	ssyncadd.s32 $0xFFFFE000  }
0xb4: {  	_ =	swait.ge [sflag:s29], $0x2000  }
0xb5: {  	[sflag:s29] =	ssyncset.done $0x0  }
0xb6: {  	[sflag:s29] =	ssyncadd.s32 $0xFFFFE000  }
0xb7: {  	_ =	swait.ge [sflag:s29], $0x2000  }
0xb8: {  	[sflag:s29] =	ssyncset.done $0x0  }
0xb9: {  	[sflag:s29] =	ssyncadd.s32 $0xFFFFE000  }
0xba: {  	_ =	swait.ge [sflag:s29], $0x2000  }
0xbb: {  	[sflag:s29] =	ssyncset.done $0x0  }
0xbc: {  	s6 =	sadd.s32 $0x2A00, s18;
	[sflag:s29] =	ssyncadd.s32 $0xFFFFE000  }
0xbd: {  	[spmem:s2] =	stream.indirect.scatter.add.f32 [tilespmem:s22], [sflag:$0x5], $0x40, s6, s15, $0xb8;
	[tilespmem:$0x1F000] =	vst v63  }
.Ltmp0:
0xbe: {  	s6 =	sadd.s32 $0x2A80, s18;
	(pc) =	sbr.rel @p1 .LBB2_2-.Ltmp0, $4  }
0xbf: {  	[spmem:s2] =	stream.indirect.scatter.add.f32 [tilespmem:s23], [sflag:$0x5], $0x40, s6, s15, $0xb8;
	[tilespmem:$0x1F000] =	vst v63  }
0xc0: {  	s6 =	sadd.s32 $0x2B00, s18  }
0xc1: {  	[spmem:s2] =	stream.indirect.scatter.add.f32 [tilespmem:s24], [sflag:$0x5], $0x40, s6, s15, $0xb8;
	[tilespmem:$0x1F000] =	vst v63  }
0xc2: {  	s18 =	sadd.s32 $0x2B80, s18  }
0xc3: {  	[spmem:s2] =	stream.indirect.scatter.add.f32 [tilespmem:s25], [sflag:$0x5], $0x40, s18, s15, $0xb8;
	[tilespmem:$0x1F000] =	vst v63  }
0xc4: {  	s6 =	simm.s32 @!p0 $0x5  }
0xc5: {  	_ =	swait.ge @!p0 [sflag:s6], $0x2000  }
0xc6: {  	[sflag:s6] =	ssyncset.done @!p0 $0x0  }
0xc7: {  	[sflag:s6] =	ssyncadd.s32 @!p0 $0xFFFFE000  }
0xc8: {  	_ =	swait.ge @!p0 [sflag:s6], $0x2000  }
0xc9: {  	[sflag:s6] =	ssyncset.done @!p0 $0x0  }
0xca: {  	[sflag:s6] =	ssyncadd.s32 @!p0 $0xFFFFE000  }
0xcb: {  	_ =	swait.ge @!p0 [sflag:s6], $0x2000  }
0xcc: {  	[sflag:s6] =	ssyncset.done @!p0 $0x0  }
0xcd: {  	[sflag:s6] =	ssyncadd.s32 @!p0 $0xFFFFE000  }
0xce: {  	_ =	swait.ge @!p0 [sflag:s6], $0x2000  }
0xcf: {  	s13 =	sshra.s32 s0, $0x2;
	[sflag:s6] =	ssyncset.done @!p0 $0x0  }
0xd0: {  	s9 =	sadd.s32 $0x200, s13;
	[sflag:s6] =	ssyncadd.s32 @!p0 $0xFFFFE000  }
0xd1: {  	[tilespmem:s22], [sflag:$0x3] =	stream.indirect.gather [hbm4b:s4+s15], $0x40, s9, s15, $0xb8;
	[tilespmem:$0x1F000] =	vst v63  }
0xd2: {  	s18 =	sadd.s32 $0x280, s13  }
0xd3: {  	[tilespmem:s23], [sflag:$0x3] =	stream.indirect.gather [hbm4b:s4+s15], $0x40, s18, s15, $0xb8;
	[tilespmem:$0x1F000] =	vst v63  }
0xd4: {  	s20 =	sadd.s32 $0x300, s13  }
0xd5: {  	[tilespmem:s24], [sflag:$0x3] =	stream.indirect.gather [hbm4b:s4+s15], $0x40, s20, s15, $0xb8;
	[tilespmem:$0x1F000] =	vst v63  }
0xd6: {  	s7 =	sadd.s32 $0x380, s13  }
0xd7: {  	[tilespmem:s25], [sflag:$0x3] =	stream.indirect.gather [hbm4b:s4+s15], $0x40, s7, s15, $0xb8;
	[tilespmem:$0x1F000] =	vst v63  }
0xd8: {  	_ =	swait.ge [sflag:s26], $0x2000  }
0xd9: {  	[sflag:s26] =	ssyncset.done $0x0  }
0xda: {  	[sflag:s26] =	ssyncadd.s32 $0xFFFFE000  }
0xdb: {  	_ =	swait.ge [sflag:s26], $0x2000  }
0xdc: {  	[sflag:s26] =	ssyncset.done $0x0  }
0xdd: {  	[sflag:s26] =	ssyncadd.s32 $0xFFFFE000  }
0xde: {  	_ =	swait.ge [sflag:s26], $0x2000  }
0xdf: {  	[sflag:s26] =	ssyncset.done $0x0  }
0xe0: {  	[sflag:s26] =	ssyncadd.s32 $0xFFFFE000  }
0xe1: {  	_ =	swait.ge [sflag:s26], $0x2000  }
0xe2: {  	[sflag:s26] =	ssyncset.done $0x0  }
0xe3: {  	s8 =	sadd.s32 $0x2800, s13;
	[sflag:s26] =	ssyncadd.s32 $0xFFFFE000  }
0xe4: {  	[spmem:s2] =	stream.indirect.scatter.add.f32 [tilespmem:s16], [sflag:$0x4], $0x40, s8, s15, $0xb8;
	[tilespmem:$0x1F000] =	vst v63  }
0xe5: {  	s9 =	sadd.s32 $0x2880, s13  }
0xe6: {  	[spmem:s2] =	stream.indirect.scatter.add.f32 [tilespmem:s17], [sflag:$0x4], $0x40, s9, s15, $0xb8;
	[tilespmem:$0x1F000] =	vst v63  }
0xe7: {  	s18 =	sadd.s32 $0x2900, s13  }
0xe8: {  	[spmem:s2] =	stream.indirect.scatter.add.f32 [tilespmem:s19], [sflag:$0x4], $0x40, s18, s15, $0xb8;
	[tilespmem:$0x1F000] =	vst v63  }
0xe9: {  	s20 =	sadd.s32 $0x2980, s13  }
0xea: {  	[spmem:s2] =	stream.indirect.scatter.add.f32 [tilespmem:s21], [sflag:$0x4], $0x40, s20, s15, $0xb8;
	[tilespmem:$0x1F000] =	vst v63  }
0xeb: {  	_ =	swait.ge [sflag:s28], $0x2000  }
0xec: {  	[sflag:s28] =	ssyncset.done $0x0  }
0xed: {  	[sflag:s28] =	ssyncadd.s32 $0xFFFFE000  }
0xee: {  	_ =	swait.ge [sflag:s28], $0x2000  }
0xef: {  	[sflag:s28] =	ssyncset.done $0x0  }
0xf0: {  	[sflag:s28] =	ssyncadd.s32 $0xFFFFE000  }
0xf1: {  	_ =	swait.ge [sflag:s28], $0x2000  }
0xf2: {  	[sflag:s28] =	ssyncset.done $0x0  }
0xf3: {  	[sflag:s28] =	ssyncadd.s32 $0xFFFFE000  }
0xf4: {  	p0 =	seq.s32 s0, $0x9000;
	_ =	swait.ge [sflag:s28], $0x2000  }
0xf5: {  	s0 =	sshra.s32 @!p0 s0, $0x2;
	s6 =	simm.s32 @!p0 $0x5000;
	[sflag:s28] =	ssyncset.done $0x0  }
0xf6: {  	s7 =	sadd.s32 @!p0 $0x400, s0;
	s8 =	simm.s32 @!p0 $0x80;
	[sflag:s28] =	ssyncadd.s32 $0xFFFFE000  }
0xf7: {  	[tilespmem:s6], [sflag:$0x2] =	stream.indirect.gather @!p0 [hbm4b:s4+s8], $0x40, s7, s8, $0xb8;
	[tilespmem:$0x1F000] =	vst v63  }
0xf8: {  	s6 =	sadd.s32 @!p0 $0x480, s0;
	s7 =	simm.s32 @!p0 $0x7000  }
0xf9: {  	[tilespmem:s7], [sflag:$0x2] =	stream.indirect.gather @!p0 [hbm4b:s4+s8], $0x40, s6, s8, $0xb8;
	[tilespmem:$0x1F000] =	vst v63  }
0xfa: {  	s6 =	sadd.s32 @!p0 $0x500, s0;
	s7 =	simm.s32 @!p0 $0x9000  }
0xfb: {  	[tilespmem:s7], [sflag:$0x2] =	stream.indirect.gather @!p0 [hbm4b:s4+s8], $0x40, s6, s8, $0xb8;
	[tilespmem:$0x1F000] =	vst v63  }
0xfc: {  	s0 =	sadd.s32 @!p0 $0x580, s0;
	s6 =	simm.s32 @!p0 $0xB000  }
0xfd: {  	[tilespmem:s6], [sflag:$0x2] =	stream.indirect.gather @!p0 [hbm4b:s4+s8], $0x40, s0, s8, $0xb8;
	[tilespmem:$0x1F000] =	vst v63  }
0xfe: {  	_ =	swait.ge [sflag:s29], $0x2000  }
0xff: {  	[sflag:s29] =	ssyncset.done $0x0  }
0x100: {  	[sflag:s29] =	ssyncadd.s32 $0xFFFFE000  }
0x101: {  	_ =	swait.ge [sflag:s29], $0x2000  }
0x102: {  	[sflag:s29] =	ssyncset.done $0x0  }
0x103: {  	[sflag:s29] =	ssyncadd.s32 $0xFFFFE000  }
0x104: {  	_ =	swait.ge [sflag:s29], $0x2000  }
0x105: {  	[sflag:s29] =	ssyncset.done $0x0  }
0x106: {  	[sflag:s29] =	ssyncadd.s32 $0xFFFFE000  }
0x107: {  	_ =	swait.ge [sflag:s29], $0x2000  }
0x108: {  	[sflag:s29] =	ssyncset.done $0x0  }
0x109: {  	s7 =	sadd.s32 $0x2A00, s13;
	[sflag:s29] =	ssyncadd.s32 $0xFFFFE000  }
0x10a: {  	[spmem:s2] =	stream.indirect.scatter.add.f32 [tilespmem:s22], [sflag:$0x5], $0x40, s7, s15, $0xb8;
	[tilespmem:$0x1F000] =	vst v63  }
0x10b: {  	s8 =	sadd.s32 $0x2A80, s13  }
0x10c: {  	[spmem:s2] =	stream.indirect.scatter.add.f32 [tilespmem:s23], [sflag:$0x5], $0x40, s8, s15, $0xb8;
	[tilespmem:$0x1F000] =	vst v63  }
0x10d: {  	s9 =	sadd.s32 $0x2B00, s13  }
0x10e: {  	[spmem:s2] =	stream.indirect.scatter.add.f32 [tilespmem:s24], [sflag:$0x5], $0x40, s9, s15, $0xb8;
	[tilespmem:$0x1F000] =	vst v63  }
0x10f: {  	s18 =	sadd.s32 $0x2B80, s13  }
0x110: {  	[spmem:s2] =	stream.indirect.scatter.add.f32 [tilespmem:s25], [sflag:$0x5], $0x40, s18, s15, $0xb8;
	[tilespmem:$0x1F000] =	vst v63  }
0x111: {  	_ =	swait.ge [sflag:s30], $0x2000  }
0x112: {  	[sflag:s30] =	ssyncset.done $0x0  }
0x113: {  	[sflag:s30] =	ssyncadd.s32 $0xFFFFE000  }
0x114: {  	_ =	swait.ge [sflag:s30], $0x2000  }
0x115: {  	[sflag:s30] =	ssyncset.done $0x0  }
0x116: {  	[sflag:s30] =	ssyncadd.s32 $0xFFFFE000  }
0x117: {  	_ =	swait.ge [sflag:s30], $0x2000  }
0x118: {  	[sflag:s30] =	ssyncset.done $0x0  }
0x119: {  	[sflag:s30] =	ssyncadd.s32 $0xFFFFE000  }
0x11a: {  	_ =	swait.ge [sflag:s30], $0x2000  }
0x11b: {  	s1 =	sadd.s32 $0x1, s1;
	[sflag:s30] =	ssyncset.done $0x0  }
0x11c: {  	p0 =	sne.s32 s1, s11;
	[sflag:s30] =	ssyncadd.s32 $0xFFFFE000  }
.Ltmp1:
0x11d: {  	s20 =	sor.u32 $0x1C06, s5;
	[bflag:$0x0] =	sbarrier.arrive $0xFFFF;
	(pc) =	sbr.rel @p0 .LBB2_1-.Ltmp1, $4  }
0x11e: {  	[hbm:s10], [sflag:s20] =	dma.local [spmem:s12], $0x1400  }
0x11f: {  	_ =	swait.ge [sflag:s31], $0x1400  }
0x120: {  	[sflag:s31] =	ssyncset.done $0x0  }
0x121: {  	[sflag:s31] =	ssyncadd.s32 $0xFFFFEC00  }
0x122: {  	_ =	sfence.sel $0x180000  }
0x123: {  	[bflag:$0x0] =	sbarrier.arrive $0xFFFF  }
0x124: {  	_ =	strace $0x9000004A  }
0x125: {  	s0 =	stileid.u32;
	[bflag:$0x2] =	sbarrier.arrive $0xFFFF  }
0x126: {  	p0 =	sne.s32 s0, $0x0;
	s0 =	rddreg [dreg:$0x2]  }
0x127: {  	s0 =	sadd.s32 @!p0 $0x100000, s0  }
0x128: {  	[sflag:s0] =	ssyncadd.tile.s32 @!p0 $0x1;
	_ =	shalt  }
.Lfunc_end2:
_tile_overlayer_lowered:
.L_overlay_start_2:
0x129: {  	(tag) =	ssettag $0x2  }
0x12a: {  	s0 =	rddreg [dreg:$0x0];
	s2 =	stileid.u32  }
0x12b: {  	s1 =	rddreg [dreg:$0x1];
	p0 =	sne.s32 s2, $0x0  }
0x12c: {  	s3 =	rddreg [dreg:$0x2];
	[bflag:$0x3] =	sbarrier.arrive $0xFFFF;
	s2 =	simm.s32 @!p0 $0x1C06  }
0x12d: {  	[timem:s3], [sflag:s2] =	dma.local @!p0 [hbm:s0], s1  }
0x12e: {  	s0 =	simm.s32 @!p0 $0x6  }
0x12f: {  	_ =	swait.ge @!p0 [sflag:s0], s1  }
0x130: {  	s1 =	ssub.s32 @!p0 $0x0, s1;
	[sflag:s0] =	ssyncset.done @!p0 $0x0  }
0x131: {  	[sflag:s0] =	ssyncadd.s32 @!p0 s1  }
0x132: {  	[bflag:$0x3] =	sbarrier.arrive $0xFFFF  }
0x133: {  	_ =	shalt  }

// kernel: kernel.14.cloned.1.call-start
scs
__scs_entry_jumppad:
0x0: {  	(pc) =	sbr.rel $0x88, $3  }
0x1: {  	(tag) =	ssettag $0x0;
	lr =	simm.s32 $0x1  }
0x2: {  	[smem:$0x3F99] =	sst lr;
	_ =	strace $0xD0000000  }
0x3: {  	_ = 	snop  }
0x4: {  	_ = 	snop  }
0x5: {  	_ = 	snop  }
0x6: {  	_ = 	snop  }
0x7: {  	_ = 	snop  }
__scs_overlays_trampoline_lowered:
0x8: {  	[smem:$0x3FA8] =	sst s0  }
0x9: {  	[smem:$0x3FA9] =	sst s1  }
0xa: {  	[smem:$0x3FAA] =	sst s2  }
0xb: {  	[smem:$0x3FAB] =	sst s3  }
0xc: {  	[smem:$0x3FAC] =	sst s4  }
0xd: {  	[smem:$0x3FAD] =	sst s5  }
0xe: {  	[smem:$0x3FAE] =	sst s6  }
0xf: {  	[smem:$0x3FAF] =	sst s7  }
0x10: {  	[smem:$0x3FB0] =	sst s8  }
0x11: {  	[smem:$0x3FB1] =	sst s9;
	s0 =	simm.s32 @!p0 $0x0  }
0x12: {  	s1 =	sld [smem:$0x3F97];
	s0 =	simm.s32 @p0 $0x1  }
0x13: {  	[smem:$0x3FB2] =	sst s0;
	s0 =	simm.s32 @!p1 $0x0  }
0x14: {  	s2 =	sld [smem:$0x3F96];
	s0 =	simm.s32 @p1 $0x1  }
0x15: {  	[smem:$0x3FB3] =	sst s0;
	s0 =	simm.s32 @!p2 $0x0  }
0x16: {  	s3 =	sld [smem:$0x3FDB];
	s0 =	simm.s32 @p2 $0x1  }
0x17: {  	s4 =	simm.s32 $0x1BF5;
	[smem:$0x3FB5] =	sst s0  }
0x18: {  	s0 =	sld [smem:$0x3F98];
	_ =	swait.ge [sflag:s4], $0x0  }
0x19: {  	s7 =	sld [smem:$0x3F99]  }
0x1a: {  	s8 =	sadd.s32 $0xFFFFE003, lr  }
0x1b: {  	s9 =	sadd.s32 $0xFFFFFEF7, lr;
	s5 =	simm.s32 $0xFFFFFFFF;
	p2 =	slt.u32 s8, $0xFFFFF086  }
0x1c: {  	p1 =	slt.u32 s9, $0xF7A;
	s5 =	simm.s32 @!p2 $0x0  }
0x1d: {  	s5 =	simm.s32 @p1 $0x1;
	p0 =	seq.s32 s7, s2  }
0x1e: {  	s7 =	smul.u32 @!p0 $0xF7A, s2;
	p2 =	seq.s32 @!p0 s5, $0x0  }
0x1f: {  	s9 =	smul.u32 $0xF7A, s1;
	s8 =	simm.s32 @!p0 $0x1BF5;
	p2 =	por !p2, p0  }
0x20: {  	[sflag:s8] =	ssyncset.s32 @!p0 $0xFFFFF086;
	s6 =	sadd.s32 @!p0 s3, s7;
	s7 =	simm.s32 @!p0 $0x108  }
0x21: {  	s3 =	sadd.s32 s3, s9;
	s6 =	sadd.s32 @!p0 $0x88, s6;
	s7 =	simm.s32 @p2 $0x1082  }
0x22: {  	[simem:s7], [sflag:s8] =	dma.local @!p0 [hbm:s6], $0xF7A  }
0x23: {  	s9 =	sor.u32 $0xD0000000, s2;
	s6 =	simm.s32 $0x108;
	_ =	swait.ge @!p0 [sflag:s8], $0x0  }
0x24: {  	s3 =	sadd.s32 $0x88, s3;
	s6 =	simm.s32 @!p1 $0x1082;
	[sflag:s4] =	ssyncset.s32 $0xFFFFF086  }
0x25: {  	[simem:s6], [sflag:s4] =	dma.local [hbm:s3], $0xF7A  }
0x26: {  	[smem:$0x3F99] =	sst s1;
	(tag) =	ssettag s2;
	_ =	strace s9  }
0x27: {  	s1 =	sld [smem:$0x3FA9]  }
0x28: {  	s2 =	sld [smem:$0x3FAA]  }
0x29: {  	s4 =	sld [smem:$0x3FAC]  }
0x2a: {  	p0 =	seq.s32 s5, $0x0;
	s5 =	sld [smem:$0x3FAD]  }
0x2b: {  	s6 =	sld [smem:$0x3FAE]  }
0x2c: {  	s7 =	sld [smem:$0x3FAF]  }
0x2d: {  	s3 =	simm.s32 $0x108;
	s8 =	sld [smem:$0x3FB0]  }
0x2e: {  	s3 =	simm.s32 @!p0 $0x1082;
	s9 =	sld [smem:$0x3FB1]  }
0x2f: {  	lr =	sadd.s32 s0, s3;
	s0 =	sld [smem:$0x3FA8]  }
0x30: {  	s3 =	sld [smem:$0x3FAB]  }
0x31: {  	[smem:$0x3FB4] =	sst s10  }
0x32: {  	s10 =	sld [smem:$0x3FB2];
	_ =	sdelay $0x3  }
0x33: {  	p0 =	seq.s32 s10, $0x1;
	s10 =	sld [smem:$0x3FB4];
	_ =	sdelay $0x3  }
0x34: {  	[smem:$0x3FB4] =	sst s10  }
0x35: {  	s10 =	sld [smem:$0x3FB3];
	_ =	sdelay $0x3  }
0x36: {  	p1 =	seq.s32 s10, $0x1;
	s10 =	sld [smem:$0x3FB4];
	_ =	sdelay $0x3  }
0x37: {  	[smem:$0x3FB4] =	sst s10  }
0x38: {  	s10 =	sld [smem:$0x3FB5]  }
0x39: {  	_ = 	snop;
	(pc) =	sbr.ind lr, $3  }
0x3a: {  	_ = 	snop  }
0x3b: {  	_ = 	snop  }
0x3c: {  	p2 =	seq.s32 s10, $0x1;
	s10 =	sld [smem:$0x3FB4]  }
0x3d: {  	_ =	shalt  }
0x3e: {  	_ =	shalt  }
0x3f: {  	_ =	shalt  }
0x40: {  	_ =	shalt  }
0x41: {  	_ =	shalt  }
0x42: {  	_ =	shalt  }
0x43: {  	_ =	shalt  }
0x44: {  	_ =	shalt  }
0x45: {  	_ =	shalt  }
0x46: {  	_ =	shalt  }
0x47: {  	_ =	shalt  }
0x48: {  	_ =	shalt  }
0x49: {  	_ =	shalt  }
0x4a: {  	_ =	shalt  }
0x4b: {  	_ =	shalt  }
0x4c: {  	_ =	shalt  }
0x4d: {  	_ =	shalt  }
0x4e: {  	_ =	shalt  }
0x4f: {  	_ =	shalt  }
0x50: {  	_ =	shalt  }
0x51: {  	_ =	shalt  }
0x52: {  	_ =	shalt  }
0x53: {  	_ =	shalt  }
0x54: {  	_ =	shalt  }
0x55: {  	_ =	shalt  }
0x56: {  	_ =	shalt  }
0x57: {  	_ =	shalt  }
0x58: {  	_ =	shalt  }
0x59: {  	_ =	shalt  }
0x5a: {  	_ =	shalt  }
0x5b: {  	_ =	shalt  }
0x5c: {  	_ =	shalt  }
0x5d: {  	_ =	shalt  }
0x5e: {  	_ =	shalt  }
0x5f: {  	_ =	shalt  }
0x60: {  	_ =	shalt  }
0x61: {  	_ =	shalt  }
0x62: {  	_ =	shalt  }
0x63: {  	_ =	shalt  }
0x64: {  	_ =	shalt  }
0x65: {  	_ =	shalt  }
0x66: {  	_ =	shalt  }
0x67: {  	_ =	shalt  }
0x68: {  	_ =	shalt  }
0x69: {  	_ =	shalt  }
0x6a: {  	_ =	shalt  }
0x6b: {  	_ =	shalt  }
0x6c: {  	_ =	shalt  }
0x6d: {  	_ =	shalt  }
0x6e: {  	_ =	shalt  }
0x6f: {  	_ =	shalt  }
0x70: {  	_ =	shalt  }
0x71: {  	_ =	shalt  }
0x72: {  	_ =	shalt  }
0x73: {  	_ =	shalt  }
0x74: {  	_ =	shalt  }
0x75: {  	_ =	shalt  }
0x76: {  	_ =	shalt  }
0x77: {  	_ =	shalt  }
0x78: {  	_ =	shalt  }
0x79: {  	_ =	shalt  }
0x7a: {  	_ =	shalt  }
0x7b: {  	_ =	shalt  }
0x7c: {  	_ =	shalt  }
0x7d: {  	_ =	shalt  }
0x7e: {  	_ =	shalt  }
0x7f: {  	_ =	shalt  }
0x80: {  	_ =	shalt  }
0x81: {  	_ =	shalt  }
0x82: {  	_ =	shalt  }
0x83: {  	_ =	shalt  }
0x84: {  	_ =	shalt  }
0x85: {  	_ =	shalt  }
0x86: {  	_ =	shalt  }
0x87: {  	_ =	shalt  }
.Lfunc_end0:
.L_simem_size_0:
called_computation.2_lowered:
.L_overlay_start_0:
0x88: {  	s2 =	sld [smem:$0x3FD9]  }
0x89: {  	s3 =	sld [smem:$0x3FFE];
	_ =	sdelay $0x1  }
0x8a: {  	s1 =	srdreg.scid  }
0x8b: {  	s0 =	sand.u32 $0x1, s1  }
0x8c: {  	s16 =	sshll.u32 s0, $0xA;
	s2 =	sadd.s32 s3, s2  }
0x8d: {  	s2 =	sadd.s32 s2, s16  }
0x8e: {  	[smem:$0x3FC0] =	sst s2  }
0x8f: {  	_ = 	snop  }
0x90: {  	(tm) =	ssettm $0x1  }
0x91: {  	s17 =	sld [smem:$0x3FFB];
	_ =	sdelay $0x3  }
0x92: {  	_ =	strace s17  }
0x93: {  	s2 =	sld [smem:$0x3FFC];
	_ =	sdelay $0x3  }
0x94: {  	_ =	strace s2  }
0x95: {  	s2 =	sld [smem:$0x3FFD];
	_ =	sdelay $0x3  }
0x96: {  	_ =	strace s2  }
0x97: {  	_ =	strace $0x8FFFFFFF  }
0x98: {  	s18 =	sld [smem:$0x3FDB];
	_ =	sdelay $0x1  }
0x99: {  	s19 =	simm.s32 $_scs_section_size  }
0x9a: {  	s4 =	simm.s32 $_size__tile_overlayer_lowered;
	s5 =	simm.s32 $_tile_overlayer_lowered  }
0x9b: {  	s22 =	simm.s32 $0x1BFF;
	s21 =	sshll.u32 s5, $0x1;
	s2 =	sadd.s32 s19, s18  }
0x9c: {  	s6 =	simm.s32 $0x0;
	s20 =	sshll.u32 s4, $0x1;
	s4 =	sadd.s32 s21, s2  }
0x9d: {  	[timem:s6], [sflag:s22] =	dma.local [hbm:s4], s20  }
0x9e: {  	_ =	swait.ge [sflag:s22], s20  }
0x9f: {  	s3 =	ssub.s32 $0x0, s20;
	[sflag:s22] =	ssyncset.done $0x0  }
0xa0: {  	[sflag:s22] =	ssyncadd.s32 s3;
	_ =	sdelay $0x1  }
0xa1: {  	s23 =	simm.s32 $0x1B8B  }
0xa2: {  	_ =	swait.ge [sflag:s23], $0x1  }
0xa3: {  	[sflag:s23] =	ssyncset.done $0x0  }
0xa4: {  	s25 =	simm.s32 $0x1B8E;
	s24 =	sld [smem:$0x3FFE];
	[sflag:s23] =	ssyncadd.s32 $0xFFFFFFFF  }
0xa5: {  	s26 =	simm.s32 $execute0_lowered;
	[smem:$0x3FD2] =	sst s25  }
0xa6: {  	s4 =	sshll.u32 s26, $0x1;
	_ =	strace $0x8000004C;
	[dreg:$0x1] =	wrdreg $0xFFFFFFFF  }
0xa7: {  	s28 =	simm.s32 $_size_execute0_lowered;
	s2 =	sadd.s32 s2, s4;
	[dreg:$0x0] =	wrdreg $0x0  }
0xa8: {  	s4 =	sshll.u32 s28, $0x1;
	[dreg:$0x2] =	wrdreg s2  }
0xa9: {  	[dreg:$0x3] =	wrdreg s4  }
0xaa: {  	[dreg:$0x4] =	wrdreg $0xC0  }
0xab: {  	_ =	task [dreg:s6], $0x5FFFF  }
0xac: {  	[dreg:$0x1] =	wrdreg $0xFFFFFFFF  }
0xad: {  	[dreg:$0x0] =	wrdreg $0x60  }
0xae: {  	[dreg:$0x2] =	wrdreg s24  }
0xaf: {  	[dreg:$0x3] =	wrdreg $0xD0000  }
0xb0: {  	[dreg:$0x4] =	wrdreg $0x9  }
0xb1: {  	_ =	task.clear_ibuf [dreg:s6], $0x5FFFF;
	_ =	strace $0x9000004C  }
0xb2: {  	s29 =	simm.s32 $0x9;
	_ =	strace $0x8000004E  }
0xb3: {  	_ =	swait.ge [sflag:s29], $0x1  }
0xb4: {  	[sflag:s29] =	ssyncadd.s32 $0xFFFFFFFF  }
0xb5: {  	_ =	strace $0x9000004E  }
0xb6: {  	_ =	sfence  }
0xb7: {  	s30 =	sld [smem:$0x0];
	_ =	sdelay $0x2  }
0xb8: {  	s31 =	sshll.u32 s1, $0xD;
	s1 =	sshrl.u32 s1, $0x2  }
0xb9: {  	s3 =	sand.u32 $0x4000, s31;
	s1 =	sadd.s32 s1, s30  }
0xba: {  	s0 =	sor.u32 s3, s0;
	s1 =	sshll.u32 s1, $0x11  }
0xbb: {  	s0 =	sor.u32 s1, s0  }
0xbc: {  	s0 =	sadd.s32 $0x8F2B, s0  }
0xbd: {  	[sflag:s0] =	ssyncadd.remote.s32 $0x1  }
0xbe: {  	_ =	sfence.sel $0xFFFF  }
0xbf: {  	[dreg:$0x0] =	wrdreg $0xFFFFFFFF;
	(pc) =	sbr.abs _section_cstart, $3  }
0xc0: {  	[dreg:$0x1] =	wrdreg $0xFFFFFFFF  }
0xc1: {  	_ =	task.clear_ibuf [dreg:s6], $0x2FFFF;
	_ =	strace $0x9FFFFFFF  }
0xc2: {  	(tm) =	ssettm $0x7FFFFFFF  }
0xc3: {  	_ =	shalt  }
tec
execute0_lowered:
.L_overlay_start_1:
0x0: {  	(tag) =	ssettag $0x1  }
0x1: {  	s0 =	srdreg.scid;
	s5 =	rddreg [dreg:$0x0]  }
0x2: {  	s11 =	stileid.u32;
	s2 =	rddreg [dreg:$0x1]  }
0x3: {  	s3 =	simm.s32 $0x0;
	s14 =	simm.s32 $0x1;
	s15 =	simm.s32 $0x80  }
0x4: {  	s16 =	simm.s32 $0x5000;
	s17 =	simm.s32 $0x6000;
	s19 =	simm.s32 $0x7000  }
0x5: {  	s21 =	simm.s32 $0x8000;
	s22 =	simm.s32 $0x9000;
	s23 =	simm.s32 $0xA000  }
0x6: {  	s28 =	simm.s32 $0x4;
	s29 =	simm.s32 $0x3;
	s30 =	simm.s32 $0x5  }
0x7: {  	s31 =	simm.s32 $0x6;
	s0 =	sand.u32 $0x1, s0;
	s6 =	smul.u32 $0x5000, s11  }
0x8: {  	[smem:$0x7FF] =	sst s3;
	s4 =	sadd.s32 $0x15A00, s5;
	s1 =	sshll.u32 s0, $0x4  }
0x9: {  	s7 =	smul.u32 $0x50000, s0;
	_ =	strace $0x8000004D;
	s0 =	ssub.s32 $0x2, s0  }
0xa: {  	s1 =	sor.u32 s11, s1;
	s8 =	sshrl.u32 s6, $0x3;
	s9 =	sshrl.u32 s0, $0x1  }
0xb: {  	s1 =	smul.u32 $0x500, s1;
	s7 =	sadd.s32 s6, s7;
	s8 =	sadd.s32 s8, s5  }
0xc: {  	s12 =	sadd.s32 s6, s2;
	s7 =	sshrl.u32 s7, $0x3;
	s24 =	sadd.s32 $0x1FA00, s8  }
0xd: {  	s1 =	sadd.s32 s1, s5;
	s10 =	sadd.s32 s7, s5;
	s5 =	sshll.u32 s11, $0x6  }
0xe: {  	s0 =	ssub.s32 s0, s9;
	[dreg:$0x3] =	wrdreg s24;
	s25 =	sor.u32 $0x1C01, s5  }
0xf: {  	s12 =	sshrl.u32 s12, $0x3;
	s26 =	sadd.s32 $0xBA00, s1;
	[dreg:$0x4] =	wrdreg s25  }
0x10: {  	s11 =	smax.u32 s0, $0x1;
	s1 =	sadd.s32 $0x1A00, s1;
	[dreg:$0x5] =	wrdreg s26  }
0x11: {  	s24 =	simm.s32 $0xB000;
	s10 =	sadd.s32 $0x29A00, s10;
	[dreg:$0x6] =	wrdreg s1  }
0x12: {  	s25 =	simm.s32 $0xC000;
	s26 =	simm.s32 $0x2;
	s1 =	simm.s32 $0x0  }
.LBB2_1:
0x13: {  	s0 =	rddreg [dreg:$0x3]  }
0x14: {  	s6 =	rddreg [dreg:$0x4]  }
0x15: {  	[spmem:s12], [sflag:s6] =	dma.local [hbm:s0], $0xA00  }
0x16: {  	s0 =	rddreg [dreg:$0x5]  }
0x17: {  	[tilespmem:s3], [sflag:$0x1] =	stream.linear.gather [hbm4b:s0+s3], $0x2800, $0x38;
	[tilespmem:$0x12000] =	vst v63  }
0x18: {  	s20 =	simm.s32 $0x2800;
	s18 =	rddreg [dreg:$0x6]  }
0x19: {  	[tilespmem:s20], [sflag:$0x1] =	stream.linear.gather [hbm4b:s18+s3], $0x2800, $0x38;
	[tilespmem:$0x12000] =	vst v63  }
0x1a: {  	_ =	swait.ge [sflag:s14], $0xA00  }
0x1b: {  	[sflag:s14] =	ssyncset.done $0x0  }
0x1c: {  	[sflag:s14] =	ssyncadd.s32 $0xFFFFF600  }
0x1d: {  	_ =	swait.ge [sflag:s14], $0x2800  }
0x1e: {  	[sflag:s14] =	ssyncset.done $0x0  }
0x1f: {  	[sflag:s14] =	ssyncadd.s32 $0xFFFFD800  }
0x20: {  	_ =	swait.ge [sflag:s14], $0x2800  }
0x21: {  	[sflag:s14] =	ssyncset.done $0x0  }
0x22: {  	[sflag:s14] =	ssyncadd.s32 $0xFFFFD800  }
0x23: {  	[bflag:$0x0] =	sbarrier.arrive $0xFFFF  }
0x24: {  	[tilespmem:s16], [sflag:$0x2] =	stream.indirect.gather [hbm4b:s4+s15], $0x20, s3, s15, $0xb8;
	[tilespmem:$0x12000] =	vst v63  }
0x25: {  	p0 =	por $0x1, $0x1  }
0x26: {  	[tilespmem:s17], [sflag:$0x2] =	stream.indirect.gather [hbm4b:s4+s15], $0x20, s15, s15, $0xb8;
	[tilespmem:$0x12000] =	vst v63  }
0x27: {  	s7 =	simm.s32 $0x100;
	p0 =	por p0, p0  }
0x28: {  	[tilespmem:s19], [sflag:$0x2] =	stream.indirect.gather [hbm4b:s4+s15], $0x20, s7, s15, $0xb8;
	[tilespmem:$0x12000] =	vst v63  }
0x29: {  	s8 =	simm.s32 $0x180;
	s0 =	simm.s32 @!p0 $0x5  }
0x2a: {  	[tilespmem:s21], [sflag:$0x2] =	stream.indirect.gather [hbm4b:s4+s15], $0x20, s8, s15, $0xb8;
	[tilespmem:$0x12000] =	vst v63  }
0x2b: {  	_ =	swait.ge @!p0 [sflag:s0], $0x1000  }
0x2c: {  	[sflag:s0] =	ssyncset.done @!p0 $0x0  }
0x2d: {  	[sflag:s0] =	ssyncadd.s32 @!p0 $0xFFFFF000  }
0x2e: {  	_ =	swait.ge @!p0 [sflag:s0], $0x1000  }
0x2f: {  	[sflag:s0] =	ssyncset.done @!p0 $0x0  }
0x30: {  	[sflag:s0] =	ssyncadd.s32 @!p0 $0xFFFFF000  }
0x31: {  	_ =	swait.ge @!p0 [sflag:s0], $0x1000  }
0x32: {  	[sflag:s0] =	ssyncset.done @!p0 $0x0  }
0x33: {  	[sflag:s0] =	ssyncadd.s32 @!p0 $0xFFFFF000  }
0x34: {  	_ =	swait.ge @!p0 [sflag:s0], $0x1000  }
0x35: {  	[sflag:s0] =	ssyncset.done @!p0 $0x0  }
0x36: {  	s9 =	simm.s32 $0x200;
	[sflag:s0] =	ssyncadd.s32 @!p0 $0xFFFFF000  }
0x37: {  	[tilespmem:s22], [sflag:$0x3] =	stream.indirect.gather [hbm4b:s4+s15], $0x20, s9, s15, $0xb8;
	[tilespmem:$0x12000] =	vst v63  }
0x38: {  	s13 =	simm.s32 $0x280  }
0x39: {  	[tilespmem:s23], [sflag:$0x3] =	stream.indirect.gather [hbm4b:s4+s15], $0x20, s13, s15, $0xb8;
	[tilespmem:$0x12000] =	vst v63  }
0x3a: {  	s18 =	simm.s32 $0x300  }
0x3b: {  	[tilespmem:s24], [sflag:$0x3] =	stream.indirect.gather [hbm4b:s4+s15], $0x20, s18, s15, $0xb8;
	[tilespmem:$0x12000] =	vst v63  }
0x3c: {  	s20 =	simm.s32 $0x380  }
0x3d: {  	[tilespmem:s25], [sflag:$0x3] =	stream.indirect.gather [hbm4b:s4+s15], $0x20, s20, s15, $0xb8;
	[tilespmem:$0x12000] =	vst v63  }
0x3e: {  	_ =	swait.ge [sflag:s26], $0x1000  }
0x3f: {  	[sflag:s26] =	ssyncset.done $0x0  }
0x40: {  	[sflag:s26] =	ssyncadd.s32 $0xFFFFF000  }
0x41: {  	_ =	swait.ge [sflag:s26], $0x1000  }
0x42: {  	[sflag:s26] =	ssyncset.done $0x0  }
0x43: {  	[sflag:s26] =	ssyncadd.s32 $0xFFFFF000  }
0x44: {  	_ =	swait.ge [sflag:s26], $0x1000  }
0x45: {  	[sflag:s26] =	ssyncset.done $0x0  }
0x46: {  	[sflag:s26] =	ssyncadd.s32 $0xFFFFF000  }
0x47: {  	_ =	swait.ge [sflag:s26], $0x1000  }
0x48: {  	[sflag:s26] =	ssyncset.done $0x0  }
0x49: {  	s6 =	simm.s32 $0x2800;
	[sflag:s26] =	ssyncadd.s32 $0xFFFFF000  }
0x4a: {  	[spmem:s2] =	stream.indirect.scatter.add.f32 [tilespmem:s16], [sflag:$0x4], $0x20, s6, s15, $0xb8;
	[tilespmem:$0x12000] =	vst v63  }
0x4b: {  	s7 =	simm.s32 $0x2880  }
0x4c: {  	[spmem:s2] =	stream.indirect.scatter.add.f32 [tilespmem:s17], [sflag:$0x4], $0x20, s7, s15, $0xb8;
	[tilespmem:$0x12000] =	vst v63  }
0x4d: {  	s8 =	simm.s32 $0x2900  }
0x4e: {  	[spmem:s2] =	stream.indirect.scatter.add.f32 [tilespmem:s19], [sflag:$0x4], $0x20, s8, s15, $0xb8;
	[tilespmem:$0x12000] =	vst v63  }
0x4f: {  	s9 =	simm.s32 $0x2980  }
0x50: {  	[spmem:s2] =	stream.indirect.scatter.add.f32 [tilespmem:s21], [sflag:$0x4], $0x20, s9, s15, $0xb8;
	[tilespmem:$0x12000] =	vst v63  }
0x51: {  	_ =	swait.ge [sflag:s28], $0x1000  }
0x52: {  	[sflag:s28] =	ssyncset.done $0x0  }
0x53: {  	[sflag:s28] =	ssyncadd.s32 $0xFFFFF000  }
0x54: {  	_ =	swait.ge [sflag:s28], $0x1000  }
0x55: {  	[sflag:s28] =	ssyncset.done $0x0  }
0x56: {  	[sflag:s28] =	ssyncadd.s32 $0xFFFFF000  }
0x57: {  	_ =	swait.ge [sflag:s28], $0x1000  }
0x58: {  	[sflag:s28] =	ssyncset.done $0x0  }
0x59: {  	[sflag:s28] =	ssyncadd.s32 $0xFFFFF000  }
0x5a: {  	p0 =	por $0x0, $0x0;
	_ =	swait.ge [sflag:s28], $0x1000  }
0x5b: {  	s0 =	simm.s32 @!p0 $0x5000;
	[sflag:s28] =	ssyncset.done $0x0  }
0x5c: {  	s13 =	simm.s32 @!p0 $0x400;
	s18 =	simm.s32 @!p0 $0x80;
	[sflag:s28] =	ssyncadd.s32 $0xFFFFF000  }
0x5d: {  	[tilespmem:s0], [sflag:$0x2] =	stream.indirect.gather @!p0 [hbm4b:s4+s18], $0x20, s13, s18, $0xb8;
	[tilespmem:$0x12000] =	vst v63  }
0x5e: {  	s0 =	simm.s32 @!p0 $0x480;
	s13 =	simm.s32 @!p0 $0x6000  }
0x5f: {  	[tilespmem:s13], [sflag:$0x2] =	stream.indirect.gather @!p0 [hbm4b:s4+s18], $0x20, s0, s18, $0xb8;
	[tilespmem:$0x12000] =	vst v63  }
0x60: {  	s0 =	simm.s32 @!p0 $0x500;
	s13 =	simm.s32 @!p0 $0x7000  }
0x61: {  	[tilespmem:s13], [sflag:$0x2] =	stream.indirect.gather @!p0 [hbm4b:s4+s18], $0x20, s0, s18, $0xb8;
	[tilespmem:$0x12000] =	vst v63  }
0x62: {  	s0 =	simm.s32 @!p0 $0x580;
	s13 =	simm.s32 @!p0 $0x8000  }
0x63: {  	[tilespmem:s13], [sflag:$0x2] =	stream.indirect.gather @!p0 [hbm4b:s4+s18], $0x20, s0, s18, $0xb8;
	[tilespmem:$0x12000] =	vst v63  }
0x64: {  	_ =	swait.ge [sflag:s29], $0x1000  }
0x65: {  	[sflag:s29] =	ssyncset.done $0x0  }
0x66: {  	[sflag:s29] =	ssyncadd.s32 $0xFFFFF000  }
0x67: {  	_ =	swait.ge [sflag:s29], $0x1000  }
0x68: {  	[sflag:s29] =	ssyncset.done $0x0  }
0x69: {  	[sflag:s29] =	ssyncadd.s32 $0xFFFFF000  }
0x6a: {  	_ =	swait.ge [sflag:s29], $0x1000  }
0x6b: {  	[sflag:s29] =	ssyncset.done $0x0  }
0x6c: {  	[sflag:s29] =	ssyncadd.s32 $0xFFFFF000  }
0x6d: {  	_ =	swait.ge [sflag:s29], $0x1000  }
0x6e: {  	[sflag:s29] =	ssyncset.done $0x0  }
0x6f: {  	p6 =	por $0x0, $0x0;
	s13 =	simm.s32 $0x2A00;
	[sflag:s29] =	ssyncadd.s32 $0xFFFFF000  }
0x70: {  	[spmem:s2] =	stream.indirect.scatter.add.f32 [tilespmem:s22], [sflag:$0x5], $0x20, s13, s15, $0xb8;
	[tilespmem:$0x12000] =	vst v63  }
0x71: {  	s20 =	simm.s32 $0x2B00;
	s18 =	simm.s32 $0x2A80;
	s0 =	simm.s32 $0x1000  }
0x72: {  	[spmem:s2] =	stream.indirect.scatter.add.f32 [tilespmem:s23], [sflag:$0x5], $0x20, s18, s15, $0xb8;
	[tilespmem:$0x12000] =	vst v63  }
0x73: {  	p0 =	por p6, p6;
	s13 =	simm.s32 $0x2000;
	s18 =	simm.s32 $0x2B80  }
0x74: {  	[spmem:s2] =	stream.indirect.scatter.add.f32 [tilespmem:s24], [sflag:$0x5], $0x20, s20, s15, $0xb8;
	[tilespmem:$0x12000] =	vst v63  }
.LBB2_2:
0x75: {  	[spmem:s2] =	stream.indirect.scatter.add.f32 [tilespmem:s25], [sflag:$0x5], $0x20, s18, s15, $0xb8;
	[tilespmem:$0x12000] =	vst v63  }
0x76: {  	s20 =	smov.u32 s13  }
0x77: {  	s13 =	sadd.s32 $0x1000, s13;
	s6 =	simm.s32 @!p0 $0x5;
	p2 =	seq.s32 s20, $0x0  }
0x78: {  	p1 =	sne.s32 s13, $0xA000;
	_ =	swait.ge @!p0 [sflag:s6], $0x1000  }
0x79: {  	[sflag:s6] =	ssyncset.done @!p0 $0x0  }
0x7a: {  	[sflag:s6] =	ssyncadd.s32 @!p0 $0xFFFFF000  }
0x7b: {  	_ =	swait.ge @!p0 [sflag:s6], $0x1000  }
0x7c: {  	[sflag:s6] =	ssyncset.done @!p0 $0x0  }
0x7d: {  	[sflag:s6] =	ssyncadd.s32 @!p0 $0xFFFFF000  }
0x7e: {  	_ =	swait.ge @!p0 [sflag:s6], $0x1000  }
0x7f: {  	[sflag:s6] =	ssyncset.done @!p0 $0x0  }
0x80: {  	[sflag:s6] =	ssyncadd.s32 @!p0 $0xFFFFF000  }
0x81: {  	_ =	swait.ge @!p0 [sflag:s6], $0x1000  }
0x82: {  	s18 =	sshra.s32 s0, $0x2;
	[sflag:s6] =	ssyncset.done @!p0 $0x0  }
0x83: {  	[sflag:s6] =	ssyncadd.s32 @!p0 $0xFFFFF000;
	s6 =	sadd.s32 $0x200, s18;
	p0 =	por p2, p2  }
0x84: {  	[tilespmem:s22], [sflag:$0x3] =	stream.indirect.gather [hbm4b:s4+s15], $0x20, s6, s15, $0xb8;
	[tilespmem:$0x12000] =	vst v63  }
0x85: {  	s6 =	sadd.s32 $0x280, s18  }
0x86: {  	[tilespmem:s23], [sflag:$0x3] =	stream.indirect.gather [hbm4b:s4+s15], $0x20, s6, s15, $0xb8;
	[tilespmem:$0x12000] =	vst v63  }
0x87: {  	s6 =	sadd.s32 $0x300, s18  }
0x88: {  	[tilespmem:s24], [sflag:$0x3] =	stream.indirect.gather [hbm4b:s4+s15], $0x20, s6, s15, $0xb8;
	[tilespmem:$0x12000] =	vst v63  }
0x89: {  	s6 =	sadd.s32 $0x380, s18  }
0x8a: {  	[tilespmem:s25], [sflag:$0x3] =	stream.indirect.gather [hbm4b:s4+s15], $0x20, s6, s15, $0xb8;
	[tilespmem:$0x12000] =	vst v63  }
0x8b: {  	_ =	swait.ge [sflag:s26], $0x1000  }
0x8c: {  	[sflag:s26] =	ssyncset.done $0x0  }
0x8d: {  	[sflag:s26] =	ssyncadd.s32 $0xFFFFF000  }
0x8e: {  	_ =	swait.ge [sflag:s26], $0x1000  }
0x8f: {  	[sflag:s26] =	ssyncset.done $0x0  }
0x90: {  	[sflag:s26] =	ssyncadd.s32 $0xFFFFF000  }
0x91: {  	_ =	swait.ge [sflag:s26], $0x1000  }
0x92: {  	[sflag:s26] =	ssyncset.done $0x0  }
0x93: {  	[sflag:s26] =	ssyncadd.s32 $0xFFFFF000  }
0x94: {  	_ =	swait.ge [sflag:s26], $0x1000  }
0x95: {  	[sflag:s26] =	ssyncset.done $0x0  }
0x96: {  	s6 =	sadd.s32 $0x2800, s18;
	[sflag:s26] =	ssyncadd.s32 $0xFFFFF000  }
0x97: {  	[spmem:s2] =	stream.indirect.scatter.add.f32 [tilespmem:s16], [sflag:$0x4], $0x20, s6, s15, $0xb8;
	[tilespmem:$0x12000] =	vst v63  }
0x98: {  	s6 =	sadd.s32 $0x2880, s18  }
0x99: {  	[spmem:s2] =	stream.indirect.scatter.add.f32 [tilespmem:s17], [sflag:$0x4], $0x20, s6, s15, $0xb8;
	[tilespmem:$0x12000] =	vst v63  }
0x9a: {  	s6 =	sadd.s32 $0x2900, s18  }
0x9b: {  	[spmem:s2] =	stream.indirect.scatter.add.f32 [tilespmem:s19], [sflag:$0x4], $0x20, s6, s15, $0xb8;
	[tilespmem:$0x12000] =	vst v63  }
0x9c: {  	s6 =	sadd.s32 $0x2980, s18  }
0x9d: {  	[spmem:s2] =	stream.indirect.scatter.add.f32 [tilespmem:s21], [sflag:$0x4], $0x20, s6, s15, $0xb8;
	[tilespmem:$0x12000] =	vst v63  }
0x9e: {  	_ =	swait.ge [sflag:s28], $0x1000  }
0x9f: {  	[sflag:s28] =	ssyncset.done $0x0  }
0xa0: {  	[sflag:s28] =	ssyncadd.s32 $0xFFFFF000  }
0xa1: {  	_ =	swait.ge [sflag:s28], $0x1000  }
0xa2: {  	[sflag:s28] =	ssyncset.done $0x0  }
0xa3: {  	[sflag:s28] =	ssyncadd.s32 $0xFFFFF000  }
0xa4: {  	_ =	swait.ge [sflag:s28], $0x1000  }
0xa5: {  	[sflag:s28] =	ssyncset.done $0x0  }
0xa6: {  	[sflag:s28] =	ssyncadd.s32 $0xFFFFF000  }
0xa7: {  	p2 =	seq.s32 s0, $0x9000;
	_ =	swait.ge [sflag:s28], $0x1000  }
0xa8: {  	s0 =	sshra.s32 @!p2 s0, $0x2;
	s6 =	simm.s32 @!p2 $0x5000;
	[sflag:s28] =	ssyncset.done $0x0  }
0xa9: {  	s8 =	simm.s32 @!p2 $0x80;
	s7 =	sadd.s32 @!p2 $0x400, s0;
	[sflag:s28] =	ssyncadd.s32 $0xFFFFF000  }
0xaa: {  	[tilespmem:s6], [sflag:$0x2] =	stream.indirect.gather @!p2 [hbm4b:s4+s8], $0x20, s7, s8, $0xb8;
	[tilespmem:$0x12000] =	vst v63  }
0xab: {  	s9 =	sadd.s32 @!p2 $0x500, s0;
	s6 =	sadd.s32 @!p2 $0x480, s0;
	s7 =	simm.s32 @!p2 $0x6000  }
0xac: {  	[tilespmem:s7], [sflag:$0x2] =	stream.indirect.gather @!p2 [hbm4b:s4+s8], $0x20, s6, s8, $0xb8;
	[tilespmem:$0x12000] =	vst v63  }
0xad: {  	s6 =	simm.s32 @!p2 $0x7000;
	s7 =	sadd.s32 @!p2 $0x580, s0;
	s0 =	smov.u32 s20  }
0xae: {  	[tilespmem:s6], [sflag:$0x2] =	stream.indirect.gather @!p2 [hbm4b:s4+s8], $0x20, s9, s8, $0xb8;
	[tilespmem:$0x12000] =	vst v63  }
0xaf: {  	s6 =	simm.s32 @!p2 $0x8000  }
0xb0: {  	[tilespmem:s6], [sflag:$0x2] =	stream.indirect.gather @!p2 [hbm4b:s4+s8], $0x20, s7, s8, $0xb8;
	[tilespmem:$0x12000] =	vst v63  }
0xb1: {  	_ =	swait.ge [sflag:s29], $0x1000  }
0xb2: {  	[sflag:s29] =	ssyncset.done $0x0  }
0xb3: {  	[sflag:s29] =	ssyncadd.s32 $0xFFFFF000  }
0xb4: {  	_ =	swait.ge [sflag:s29], $0x1000  }
0xb5: {  	[sflag:s29] =	ssyncset.done $0x0  }
0xb6: {  	[sflag:s29] =	ssyncadd.s32 $0xFFFFF000  }
0xb7: {  	_ =	swait.ge [sflag:s29], $0x1000  }
0xb8: {  	[sflag:s29] =	ssyncset.done $0x0  }
0xb9: {  	[sflag:s29] =	ssyncadd.s32 $0xFFFFF000  }
0xba: {  	_ =	swait.ge [sflag:s29], $0x1000  }
0xbb: {  	[sflag:s29] =	ssyncset.done $0x0  }
0xbc: {  	s6 =	sadd.s32 $0x2A00, s18;
	[sflag:s29] =	ssyncadd.s32 $0xFFFFF000  }
0xbd: {  	[spmem:s2] =	stream.indirect.scatter.add.f32 [tilespmem:s22], [sflag:$0x5], $0x20, s6, s15, $0xb8;
	[tilespmem:$0x12000] =	vst v63  }
.Ltmp0:
0xbe: {  	s6 =	sadd.s32 $0x2A80, s18;
	(pc) =	sbr.rel @p1 .LBB2_2-.Ltmp0, $4  }
0xbf: {  	[spmem:s2] =	stream.indirect.scatter.add.f32 [tilespmem:s23], [sflag:$0x5], $0x20, s6, s15, $0xb8;
	[tilespmem:$0x12000] =	vst v63  }
0xc0: {  	s6 =	sadd.s32 $0x2B00, s18  }
0xc1: {  	[spmem:s2] =	stream.indirect.scatter.add.f32 [tilespmem:s24], [sflag:$0x5], $0x20, s6, s15, $0xb8;
	[tilespmem:$0x12000] =	vst v63  }
0xc2: {  	s18 =	sadd.s32 $0x2B80, s18  }
0xc3: {  	[spmem:s2] =	stream.indirect.scatter.add.f32 [tilespmem:s25], [sflag:$0x5], $0x20, s18, s15, $0xb8;
	[tilespmem:$0x12000] =	vst v63  }
0xc4: {  	s6 =	simm.s32 @!p0 $0x5  }
0xc5: {  	_ =	swait.ge @!p0 [sflag:s6], $0x1000  }
0xc6: {  	[sflag:s6] =	ssyncset.done @!p0 $0x0  }
0xc7: {  	[sflag:s6] =	ssyncadd.s32 @!p0 $0xFFFFF000  }
0xc8: {  	_ =	swait.ge @!p0 [sflag:s6], $0x1000  }
0xc9: {  	[sflag:s6] =	ssyncset.done @!p0 $0x0  }
0xca: {  	[sflag:s6] =	ssyncadd.s32 @!p0 $0xFFFFF000  }
0xcb: {  	_ =	swait.ge @!p0 [sflag:s6], $0x1000  }
0xcc: {  	[sflag:s6] =	ssyncset.done @!p0 $0x0  }
0xcd: {  	[sflag:s6] =	ssyncadd.s32 @!p0 $0xFFFFF000  }
0xce: {  	_ =	swait.ge @!p0 [sflag:s6], $0x1000  }
0xcf: {  	s13 =	sshra.s32 s0, $0x2;
	[sflag:s6] =	ssyncset.done @!p0 $0x0  }
0xd0: {  	s9 =	sadd.s32 $0x200, s13;
	[sflag:s6] =	ssyncadd.s32 @!p0 $0xFFFFF000  }
0xd1: {  	[tilespmem:s22], [sflag:$0x3] =	stream.indirect.gather [hbm4b:s4+s15], $0x20, s9, s15, $0xb8;
	[tilespmem:$0x12000] =	vst v63  }
0xd2: {  	s18 =	sadd.s32 $0x280, s13  }
0xd3: {  	[tilespmem:s23], [sflag:$0x3] =	stream.indirect.gather [hbm4b:s4+s15], $0x20, s18, s15, $0xb8;
	[tilespmem:$0x12000] =	vst v63  }
0xd4: {  	s20 =	sadd.s32 $0x300, s13  }
0xd5: {  	[tilespmem:s24], [sflag:$0x3] =	stream.indirect.gather [hbm4b:s4+s15], $0x20, s20, s15, $0xb8;
	[tilespmem:$0x12000] =	vst v63  }
0xd6: {  	s7 =	sadd.s32 $0x380, s13  }
0xd7: {  	[tilespmem:s25], [sflag:$0x3] =	stream.indirect.gather [hbm4b:s4+s15], $0x20, s7, s15, $0xb8;
	[tilespmem:$0x12000] =	vst v63  }
0xd8: {  	_ =	swait.ge [sflag:s26], $0x1000  }
0xd9: {  	[sflag:s26] =	ssyncset.done $0x0  }
0xda: {  	[sflag:s26] =	ssyncadd.s32 $0xFFFFF000  }
0xdb: {  	_ =	swait.ge [sflag:s26], $0x1000  }
0xdc: {  	[sflag:s26] =	ssyncset.done $0x0  }
0xdd: {  	[sflag:s26] =	ssyncadd.s32 $0xFFFFF000  }
0xde: {  	_ =	swait.ge [sflag:s26], $0x1000  }
0xdf: {  	[sflag:s26] =	ssyncset.done $0x0  }
0xe0: {  	[sflag:s26] =	ssyncadd.s32 $0xFFFFF000  }
0xe1: {  	_ =	swait.ge [sflag:s26], $0x1000  }
0xe2: {  	[sflag:s26] =	ssyncset.done $0x0  }
0xe3: {  	s8 =	sadd.s32 $0x2800, s13;
	[sflag:s26] =	ssyncadd.s32 $0xFFFFF000  }
0xe4: {  	[spmem:s2] =	stream.indirect.scatter.add.f32 [tilespmem:s16], [sflag:$0x4], $0x20, s8, s15, $0xb8;
	[tilespmem:$0x12000] =	vst v63  }
0xe5: {  	s9 =	sadd.s32 $0x2880, s13  }
0xe6: {  	[spmem:s2] =	stream.indirect.scatter.add.f32 [tilespmem:s17], [sflag:$0x4], $0x20, s9, s15, $0xb8;
	[tilespmem:$0x12000] =	vst v63  }
0xe7: {  	s18 =	sadd.s32 $0x2900, s13  }
0xe8: {  	[spmem:s2] =	stream.indirect.scatter.add.f32 [tilespmem:s19], [sflag:$0x4], $0x20, s18, s15, $0xb8;
	[tilespmem:$0x12000] =	vst v63  }
0xe9: {  	s20 =	sadd.s32 $0x2980, s13  }
0xea: {  	[spmem:s2] =	stream.indirect.scatter.add.f32 [tilespmem:s21], [sflag:$0x4], $0x20, s20, s15, $0xb8;
	[tilespmem:$0x12000] =	vst v63  }
0xeb: {  	_ =	swait.ge [sflag:s28], $0x1000  }
0xec: {  	[sflag:s28] =	ssyncset.done $0x0  }
0xed: {  	[sflag:s28] =	ssyncadd.s32 $0xFFFFF000  }
0xee: {  	_ =	swait.ge [sflag:s28], $0x1000  }
0xef: {  	[sflag:s28] =	ssyncset.done $0x0  }
0xf0: {  	[sflag:s28] =	ssyncadd.s32 $0xFFFFF000  }
0xf1: {  	_ =	swait.ge [sflag:s28], $0x1000  }
0xf2: {  	[sflag:s28] =	ssyncset.done $0x0  }
0xf3: {  	[sflag:s28] =	ssyncadd.s32 $0xFFFFF000  }
0xf4: {  	p0 =	seq.s32 s0, $0x9000;
	_ =	swait.ge [sflag:s28], $0x1000  }
0xf5: {  	s0 =	sshra.s32 @!p0 s0, $0x2;
	s6 =	simm.s32 @!p0 $0x5000;
	[sflag:s28] =	ssyncset.done $0x0  }
0xf6: {  	s7 =	sadd.s32 @!p0 $0x400, s0;
	s8 =	simm.s32 @!p0 $0x80;
	[sflag:s28] =	ssyncadd.s32 $0xFFFFF000  }
0xf7: {  	[tilespmem:s6], [sflag:$0x2] =	stream.indirect.gather @!p0 [hbm4b:s4+s8], $0x20, s7, s8, $0xb8;
	[tilespmem:$0x12000] =	vst v63  }
0xf8: {  	s6 =	sadd.s32 @!p0 $0x480, s0;
	s7 =	simm.s32 @!p0 $0x6000  }
0xf9: {  	[tilespmem:s7], [sflag:$0x2] =	stream.indirect.gather @!p0 [hbm4b:s4+s8], $0x20, s6, s8, $0xb8;
	[tilespmem:$0x12000] =	vst v63  }
0xfa: {  	s6 =	sadd.s32 @!p0 $0x500, s0;
	s7 =	simm.s32 @!p0 $0x7000  }
0xfb: {  	[tilespmem:s7], [sflag:$0x2] =	stream.indirect.gather @!p0 [hbm4b:s4+s8], $0x20, s6, s8, $0xb8;
	[tilespmem:$0x12000] =	vst v63  }
0xfc: {  	s0 =	sadd.s32 @!p0 $0x580, s0;
	s6 =	simm.s32 @!p0 $0x8000  }
0xfd: {  	[tilespmem:s6], [sflag:$0x2] =	stream.indirect.gather @!p0 [hbm4b:s4+s8], $0x20, s0, s8, $0xb8;
	[tilespmem:$0x12000] =	vst v63  }
0xfe: {  	_ =	swait.ge [sflag:s29], $0x1000  }
0xff: {  	[sflag:s29] =	ssyncset.done $0x0  }
0x100: {  	[sflag:s29] =	ssyncadd.s32 $0xFFFFF000  }
0x101: {  	_ =	swait.ge [sflag:s29], $0x1000  }
0x102: {  	[sflag:s29] =	ssyncset.done $0x0  }
0x103: {  	[sflag:s29] =	ssyncadd.s32 $0xFFFFF000  }
0x104: {  	_ =	swait.ge [sflag:s29], $0x1000  }
0x105: {  	[sflag:s29] =	ssyncset.done $0x0  }
0x106: {  	[sflag:s29] =	ssyncadd.s32 $0xFFFFF000  }
0x107: {  	_ =	swait.ge [sflag:s29], $0x1000  }
0x108: {  	[sflag:s29] =	ssyncset.done $0x0  }
0x109: {  	s7 =	sadd.s32 $0x2A00, s13;
	[sflag:s29] =	ssyncadd.s32 $0xFFFFF000  }
0x10a: {  	[spmem:s2] =	stream.indirect.scatter.add.f32 [tilespmem:s22], [sflag:$0x5], $0x20, s7, s15, $0xb8;
	[tilespmem:$0x12000] =	vst v63  }
0x10b: {  	s8 =	sadd.s32 $0x2A80, s13  }
0x10c: {  	[spmem:s2] =	stream.indirect.scatter.add.f32 [tilespmem:s23], [sflag:$0x5], $0x20, s8, s15, $0xb8;
	[tilespmem:$0x12000] =	vst v63  }
0x10d: {  	s9 =	sadd.s32 $0x2B00, s13  }
0x10e: {  	[spmem:s2] =	stream.indirect.scatter.add.f32 [tilespmem:s24], [sflag:$0x5], $0x20, s9, s15, $0xb8;
	[tilespmem:$0x12000] =	vst v63  }
0x10f: {  	s18 =	sadd.s32 $0x2B80, s13  }
0x110: {  	[spmem:s2] =	stream.indirect.scatter.add.f32 [tilespmem:s25], [sflag:$0x5], $0x20, s18, s15, $0xb8;
	[tilespmem:$0x12000] =	vst v63  }
0x111: {  	_ =	swait.ge [sflag:s30], $0x1000  }
0x112: {  	[sflag:s30] =	ssyncset.done $0x0  }
0x113: {  	[sflag:s30] =	ssyncadd.s32 $0xFFFFF000  }
0x114: {  	_ =	swait.ge [sflag:s30], $0x1000  }
0x115: {  	[sflag:s30] =	ssyncset.done $0x0  }
0x116: {  	[sflag:s30] =	ssyncadd.s32 $0xFFFFF000  }
0x117: {  	_ =	swait.ge [sflag:s30], $0x1000  }
0x118: {  	[sflag:s30] =	ssyncset.done $0x0  }
0x119: {  	[sflag:s30] =	ssyncadd.s32 $0xFFFFF000  }
0x11a: {  	_ =	swait.ge [sflag:s30], $0x1000  }
0x11b: {  	s1 =	sadd.s32 $0x1, s1;
	[sflag:s30] =	ssyncset.done $0x0  }
0x11c: {  	p0 =	sne.s32 s1, s11;
	[sflag:s30] =	ssyncadd.s32 $0xFFFFF000  }
.Ltmp1:
0x11d: {  	s20 =	sor.u32 $0x1C06, s5;
	[bflag:$0x0] =	sbarrier.arrive $0xFFFF;
	(pc) =	sbr.rel @p0 .LBB2_1-.Ltmp1, $4  }
0x11e: {  	[hbm:s10], [sflag:s20] =	dma.local [spmem:s12], $0xA00  }
0x11f: {  	_ =	swait.ge [sflag:s31], $0xA00  }
0x120: {  	[sflag:s31] =	ssyncset.done $0x0  }
0x121: {  	[sflag:s31] =	ssyncadd.s32 $0xFFFFF600  }
0x122: {  	_ =	sfence.sel $0x180000  }
0x123: {  	[bflag:$0x0] =	sbarrier.arrive $0xFFFF  }
0x124: {  	_ =	strace $0x9000004D  }
0x125: {  	s0 =	stileid.u32;
	[bflag:$0x2] =	sbarrier.arrive $0xFFFF  }
0x126: {  	p0 =	sne.s32 s0, $0x0;
	s0 =	rddreg [dreg:$0x2]  }
0x127: {  	s0 =	sadd.s32 @!p0 $0x100000, s0  }
0x128: {  	[sflag:s0] =	ssyncadd.tile.s32 @!p0 $0x1;
	_ =	shalt  }
.Lfunc_end2:
_tile_overlayer_lowered:
.L_overlay_start_2:
0x129: {  	(tag) =	ssettag $0x2  }
0x12a: {  	s0 =	rddreg [dreg:$0x0];
	s2 =	stileid.u32  }
0x12b: {  	s1 =	rddreg [dreg:$0x1];
	p0 =	sne.s32 s2, $0x0  }
0x12c: {  	s3 =	rddreg [dreg:$0x2];
	[bflag:$0x3] =	sbarrier.arrive $0xFFFF;
	s2 =	simm.s32 @!p0 $0x1C06  }
0x12d: {  	[timem:s3], [sflag:s2] =	dma.local @!p0 [hbm:s0], s1  }
0x12e: {  	s0 =	simm.s32 @!p0 $0x6  }
0x12f: {  	_ =	swait.ge @!p0 [sflag:s0], s1  }
0x130: {  	s1 =	ssub.s32 @!p0 $0x0, s1;
	[sflag:s0] =	ssyncset.done @!p0 $0x0  }
0x131: {  	[sflag:s0] =	ssyncadd.s32 @!p0 s1  }
0x132: {  	[bflag:$0x3] =	sbarrier.arrive $0xFFFF  }
0x133: {  	_ =	shalt  }

// kernel: kernel.8.cloned.1.call-start
scs
__scs_entry_jumppad:
0x0: {  	(pc) =	sbr.rel $0x88, $3  }
0x1: {  	(tag) =	ssettag $0x0;
	lr =	simm.s32 $0x1  }
0x2: {  	[smem:$0x3F99] =	sst lr;
	_ =	strace $0xD0000000  }
0x3: {  	_ = 	snop  }
0x4: {  	_ = 	snop  }
0x5: {  	_ = 	snop  }
0x6: {  	_ = 	snop  }
0x7: {  	_ = 	snop  }
__scs_overlays_trampoline_lowered:
0x8: {  	[smem:$0x3FA8] =	sst s0  }
0x9: {  	[smem:$0x3FA9] =	sst s1  }
0xa: {  	[smem:$0x3FAA] =	sst s2  }
0xb: {  	[smem:$0x3FAB] =	sst s3  }
0xc: {  	[smem:$0x3FAC] =	sst s4  }
0xd: {  	[smem:$0x3FAD] =	sst s5  }
0xe: {  	[smem:$0x3FAE] =	sst s6  }
0xf: {  	[smem:$0x3FAF] =	sst s7  }
0x10: {  	[smem:$0x3FB0] =	sst s8  }
0x11: {  	[smem:$0x3FB1] =	sst s9;
	s0 =	simm.s32 @!p0 $0x0  }
0x12: {  	s1 =	sld [smem:$0x3F97];
	s0 =	simm.s32 @p0 $0x1  }
0x13: {  	[smem:$0x3FB2] =	sst s0;
	s0 =	simm.s32 @!p1 $0x0  }
0x14: {  	s2 =	sld [smem:$0x3F96];
	s0 =	simm.s32 @p1 $0x1  }
0x15: {  	[smem:$0x3FB3] =	sst s0;
	s0 =	simm.s32 @!p2 $0x0  }
0x16: {  	s3 =	sld [smem:$0x3FDB];
	s0 =	simm.s32 @p2 $0x1  }
0x17: {  	s4 =	simm.s32 $0x1BF5;
	[smem:$0x3FB5] =	sst s0  }
0x18: {  	s0 =	sld [smem:$0x3F98];
	_ =	swait.ge [sflag:s4], $0x0  }
0x19: {  	s7 =	sld [smem:$0x3F99]  }
0x1a: {  	s8 =	sadd.s32 $0xFFFFE003, lr  }
0x1b: {  	s9 =	sadd.s32 $0xFFFFFEF7, lr;
	s5 =	simm.s32 $0xFFFFFFFF;
	p2 =	slt.u32 s8, $0xFFFFF086  }
0x1c: {  	p1 =	slt.u32 s9, $0xF7A;
	s5 =	simm.s32 @!p2 $0x0  }
0x1d: {  	s5 =	simm.s32 @p1 $0x1;
	p0 =	seq.s32 s7, s2  }
0x1e: {  	s7 =	smul.u32 @!p0 $0xF7A, s2;
	p2 =	seq.s32 @!p0 s5, $0x0  }
0x1f: {  	s9 =	smul.u32 $0xF7A, s1;
	s8 =	simm.s32 @!p0 $0x1BF5;
	p2 =	por !p2, p0  }
0x20: {  	[sflag:s8] =	ssyncset.s32 @!p0 $0xFFFFF086;
	s6 =	sadd.s32 @!p0 s3, s7;
	s7 =	simm.s32 @!p0 $0x108  }
0x21: {  	s3 =	sadd.s32 s3, s9;
	s6 =	sadd.s32 @!p0 $0x88, s6;
	s7 =	simm.s32 @p2 $0x1082  }
0x22: {  	[simem:s7], [sflag:s8] =	dma.local @!p0 [hbm:s6], $0xF7A  }
0x23: {  	s9 =	sor.u32 $0xD0000000, s2;
	s6 =	simm.s32 $0x108;
	_ =	swait.ge @!p0 [sflag:s8], $0x0  }
0x24: {  	s3 =	sadd.s32 $0x88, s3;
	s6 =	simm.s32 @!p1 $0x1082;
	[sflag:s4] =	ssyncset.s32 $0xFFFFF086  }
0x25: {  	[simem:s6], [sflag:s4] =	dma.local [hbm:s3], $0xF7A  }
0x26: {  	[smem:$0x3F99] =	sst s1;
	(tag) =	ssettag s2;
	_ =	strace s9  }
0x27: {  	s1 =	sld [smem:$0x3FA9]  }
0x28: {  	s2 =	sld [smem:$0x3FAA]  }
0x29: {  	s4 =	sld [smem:$0x3FAC]  }
0x2a: {  	p0 =	seq.s32 s5, $0x0;
	s5 =	sld [smem:$0x3FAD]  }
0x2b: {  	s6 =	sld [smem:$0x3FAE]  }
0x2c: {  	s7 =	sld [smem:$0x3FAF]  }
0x2d: {  	s3 =	simm.s32 $0x108;
	s8 =	sld [smem:$0x3FB0]  }
0x2e: {  	s3 =	simm.s32 @!p0 $0x1082;
	s9 =	sld [smem:$0x3FB1]  }
0x2f: {  	lr =	sadd.s32 s0, s3;
	s0 =	sld [smem:$0x3FA8]  }
0x30: {  	s3 =	sld [smem:$0x3FAB]  }
0x31: {  	[smem:$0x3FB4] =	sst s10  }
0x32: {  	s10 =	sld [smem:$0x3FB2];
	_ =	sdelay $0x3  }
0x33: {  	p0 =	seq.s32 s10, $0x1;
	s10 =	sld [smem:$0x3FB4];
	_ =	sdelay $0x3  }
0x34: {  	[smem:$0x3FB4] =	sst s10  }
0x35: {  	s10 =	sld [smem:$0x3FB3];
	_ =	sdelay $0x3  }
0x36: {  	p1 =	seq.s32 s10, $0x1;
	s10 =	sld [smem:$0x3FB4];
	_ =	sdelay $0x3  }
0x37: {  	[smem:$0x3FB4] =	sst s10  }
0x38: {  	s10 =	sld [smem:$0x3FB5]  }
0x39: {  	_ = 	snop;
	(pc) =	sbr.ind lr, $3  }
0x3a: {  	_ = 	snop  }
0x3b: {  	_ = 	snop  }
0x3c: {  	p2 =	seq.s32 s10, $0x1;
	s10 =	sld [smem:$0x3FB4]  }
0x3d: {  	_ =	shalt  }
0x3e: {  	_ =	shalt  }
0x3f: {  	_ =	shalt  }
0x40: {  	_ =	shalt  }
0x41: {  	_ =	shalt  }
0x42: {  	_ =	shalt  }
0x43: {  	_ =	shalt  }
0x44: {  	_ =	shalt  }
0x45: {  	_ =	shalt  }
0x46: {  	_ =	shalt  }
0x47: {  	_ =	shalt  }
0x48: {  	_ =	shalt  }
0x49: {  	_ =	shalt  }
0x4a: {  	_ =	shalt  }
0x4b: {  	_ =	shalt  }
0x4c: {  	_ =	shalt  }
0x4d: {  	_ =	shalt  }
0x4e: {  	_ =	shalt  }
0x4f: {  	_ =	shalt  }
0x50: {  	_ =	shalt  }
0x51: {  	_ =	shalt  }
0x52: {  	_ =	shalt  }
0x53: {  	_ =	shalt  }
0x54: {  	_ =	shalt  }
0x55: {  	_ =	shalt  }
0x56: {  	_ =	shalt  }
0x57: {  	_ =	shalt  }
0x58: {  	_ =	shalt  }
0x59: {  	_ =	shalt  }
0x5a: {  	_ =	shalt  }
0x5b: {  	_ =	shalt  }
0x5c: {  	_ =	shalt  }
0x5d: {  	_ =	shalt  }
0x5e: {  	_ =	shalt  }
0x5f: {  	_ =	shalt  }
0x60: {  	_ =	shalt  }
0x61: {  	_ =	shalt  }
0x62: {  	_ =	shalt  }
0x63: {  	_ =	shalt  }
0x64: {  	_ =	shalt  }
0x65: {  	_ =	shalt  }
0x66: {  	_ =	shalt  }
0x67: {  	_ =	shalt  }
0x68: {  	_ =	shalt  }
0x69: {  	_ =	shalt  }
0x6a: {  	_ =	shalt  }
0x6b: {  	_ =	shalt  }
0x6c: {  	_ =	shalt  }
0x6d: {  	_ =	shalt  }
0x6e: {  	_ =	shalt  }
0x6f: {  	_ =	shalt  }
0x70: {  	_ =	shalt  }
0x71: {  	_ =	shalt  }
0x72: {  	_ =	shalt  }
0x73: {  	_ =	shalt  }
0x74: {  	_ =	shalt  }
0x75: {  	_ =	shalt  }
0x76: {  	_ =	shalt  }
0x77: {  	_ =	shalt  }
0x78: {  	_ =	shalt  }
0x79: {  	_ =	shalt  }
0x7a: {  	_ =	shalt  }
0x7b: {  	_ =	shalt  }
0x7c: {  	_ =	shalt  }
0x7d: {  	_ =	shalt  }
0x7e: {  	_ =	shalt  }
0x7f: {  	_ =	shalt  }
0x80: {  	_ =	shalt  }
0x81: {  	_ =	shalt  }
0x82: {  	_ =	shalt  }
0x83: {  	_ =	shalt  }
0x84: {  	_ =	shalt  }
0x85: {  	_ =	shalt  }
0x86: {  	_ =	shalt  }
0x87: {  	_ =	shalt  }
.Lfunc_end0:
.L_simem_size_0:
called_computation_lowered:
.L_overlay_start_0:
0x88: {  	s2 =	sld [smem:$0x3FD9]  }
0x89: {  	s3 =	sld [smem:$0x3FFE];
	_ =	sdelay $0x1  }
0x8a: {  	s1 =	srdreg.scid  }
0x8b: {  	s0 =	sand.u32 $0x1, s1  }
0x8c: {  	s16 =	sshll.u32 s0, $0xA;
	s2 =	sadd.s32 s3, s2  }
0x8d: {  	s2 =	sadd.s32 s2, s16  }
0x8e: {  	[smem:$0x3FC0] =	sst s2  }
0x8f: {  	_ = 	snop  }
0x90: {  	(tm) =	ssettm $0x1  }
0x91: {  	s17 =	sld [smem:$0x3FFB];
	_ =	sdelay $0x3  }
0x92: {  	_ =	strace s17  }
0x93: {  	s2 =	sld [smem:$0x3FFC];
	_ =	sdelay $0x3  }
0x94: {  	_ =	strace s2  }
0x95: {  	s2 =	sld [smem:$0x3FFD];
	_ =	sdelay $0x3  }
0x96: {  	_ =	strace s2  }
0x97: {  	_ =	strace $0x8FFFFFFF  }
0x98: {  	s18 =	sld [smem:$0x3FDB];
	_ =	sdelay $0x1  }
0x99: {  	s19 =	simm.s32 $_scs_section_size  }
0x9a: {  	s4 =	simm.s32 $_size__tile_overlayer_lowered;
	s5 =	simm.s32 $_tile_overlayer_lowered  }
0x9b: {  	s22 =	simm.s32 $0x1BFF;
	s21 =	sshll.u32 s5, $0x1;
	s2 =	sadd.s32 s19, s18  }
0x9c: {  	s6 =	simm.s32 $0x0;
	s20 =	sshll.u32 s4, $0x1;
	s4 =	sadd.s32 s21, s2  }
0x9d: {  	[timem:s6], [sflag:s22] =	dma.local [hbm:s4], s20  }
0x9e: {  	_ =	swait.ge [sflag:s22], s20  }
0x9f: {  	s3 =	ssub.s32 $0x0, s20;
	[sflag:s22] =	ssyncset.done $0x0  }
0xa0: {  	[sflag:s22] =	ssyncadd.s32 s3;
	_ =	sdelay $0x1  }
0xa1: {  	s23 =	simm.s32 $0x1B8B  }
0xa2: {  	_ =	swait.ge [sflag:s23], $0x1  }
0xa3: {  	[sflag:s23] =	ssyncset.done $0x0  }
0xa4: {  	s25 =	simm.s32 $0x1B8E;
	s24 =	sld [smem:$0x3FFE];
	[sflag:s23] =	ssyncadd.s32 $0xFFFFFFFF  }
0xa5: {  	s26 =	simm.s32 $execute0_lowered;
	[smem:$0x3FD2] =	sst s25  }
0xa6: {  	s4 =	sshll.u32 s26, $0x1;
	_ =	strace $0x80000046;
	[dreg:$0x1] =	wrdreg $0xFFFFFFFF  }
0xa7: {  	s28 =	simm.s32 $_size_execute0_lowered;
	s2 =	sadd.s32 s2, s4;
	[dreg:$0x0] =	wrdreg $0x0  }
0xa8: {  	s4 =	sshll.u32 s28, $0x1;
	[dreg:$0x2] =	wrdreg s2  }
0xa9: {  	[dreg:$0x3] =	wrdreg s4  }
0xaa: {  	[dreg:$0x4] =	wrdreg $0xC0  }
0xab: {  	_ =	task [dreg:s6], $0x5FFFF  }
0xac: {  	[dreg:$0x1] =	wrdreg $0xFFFFFFFF  }
0xad: {  	[dreg:$0x0] =	wrdreg $0x60  }
0xae: {  	[dreg:$0x2] =	wrdreg s24  }
0xaf: {  	[dreg:$0x3] =	wrdreg $0x9  }
0xb0: {  	_ =	task.clear_ibuf [dreg:s6], $0x4FFFF;
	_ =	strace $0x90000046  }
0xb1: {  	s29 =	simm.s32 $0x9;
	_ =	strace $0x80000048  }
0xb2: {  	_ =	swait.ge [sflag:s29], $0x1  }
0xb3: {  	[sflag:s29] =	ssyncadd.s32 $0xFFFFFFFF  }
0xb4: {  	_ =	strace $0x90000048  }
0xb5: {  	_ =	sfence  }
0xb6: {  	s30 =	sld [smem:$0x0];
	_ =	sdelay $0x2  }
0xb7: {  	s31 =	sshll.u32 s1, $0xD;
	s1 =	sshrl.u32 s1, $0x2  }
0xb8: {  	s3 =	sand.u32 $0x4000, s31;
	s1 =	sadd.s32 s1, s30  }
0xb9: {  	s0 =	sor.u32 s3, s0;
	s1 =	sshll.u32 s1, $0x11  }
0xba: {  	s0 =	sor.u32 s1, s0  }
0xbb: {  	s0 =	sadd.s32 $0x8F2B, s0  }
0xbc: {  	[sflag:s0] =	ssyncadd.remote.s32 $0x1  }
0xbd: {  	_ =	sfence.sel $0xFFFF  }
0xbe: {  	[dreg:$0x0] =	wrdreg $0xFFFFFFFF;
	(pc) =	sbr.abs _section_cstart, $3  }
0xbf: {  	[dreg:$0x1] =	wrdreg $0xFFFFFFFF  }
0xc0: {  	_ =	task.clear_ibuf [dreg:s6], $0x2FFFF;
	_ =	strace $0x9FFFFFFF  }
0xc1: {  	(tm) =	ssettm $0x7FFFFFFF  }
tec
execute0_lowered:
.L_overlay_start_1:
0x0: {  	(tag) =	ssettag $0x1  }
0x1: {  	s0 =	srdreg.scid  }
0x2: {  	s4 =	rddreg [dreg:$0x0];
	s3 =	sand.u32 $0x1, s0  }
0x3: {  	s1 =	stileid.u32;
	s7 =	simm.s32 $0x2800;
	s2 =	sshll.u32 s3, $0x4  }
0x4: {  	s0 =	rddreg [dreg:$0x1];
	s3 =	ssub.s32 $0x2, s3;
	s5 =	sor.u32 s1, s2  }
0x5: {  	s2 =	simm.s32 $0x0;
	s6 =	sshrl.u32 s3, $0x1;
	s5 =	smul.u32 $0x500, s5  }
0x6: {  	s8 =	simm.s32 $0x0;
	[smem:$0x7FF] =	sst s2;
	s31 =	ssub.s32 s3, s6  }
0x7: {  	s6 =	simm.s32 $0x1;
	_ =	strace $0x80000047;
	s4 =	sadd.s32 s5, s4  }
0x8: {  	v0 =	vimm.f32 $0.0e+00;
	v1 =	vimm.f32 $1.000000000e+00;
	s5 =	smax.u32 s31, $0x1;
	s3 =	sadd.s32 $0x1A00, s4;
	s4 =	sadd.s32 $0x15A00, s4  }
.LBB2_1:
0x9: {  	[tilespmem:s2], [sflag:$0x1] =	stream.linear.gather [hbm4b:s3+s2], $0x2800, $0x38;
	[tilespmem:$0x5000] =	vst v63  }
0xa: {  	_ =	swait.ge [sflag:s6], $0x2800  }
0xb: {  	[sflag:s6] =	ssyncset.done $0x0  }
0xc: {  	s9 =	simm.s32 $0x0;
	[sflag:s6] =	ssyncadd.s32 $0xFFFFD800  }
.LBB2_2:
0xd: {  	p0 =	sne.s32 s9, $0x9FC0  }
.Ltmp0:
0xe: {  	_ = 	snop;
	(pc) =	sbr.rel @p0 .LBB2_2-.Ltmp0, $3  }
0xf: {  	_ =	sdelay $0x1  }
0x10: {  	s10 =	sshra.s32 s9, $0x2  }
0x11: {  	s9 =	sadd.s32 $0x40, s9;
	[tilespmem:s10+$0x2800] =	vst v0  }
0x12: {  	s9 =	simm.s32 $0x0  }
.LBB2_4:
0x13: {  	s10 =	sshra.s32 s9, $0x2  }
0x14: {  	v2 =	vld [tilespmem:s10+$0x0];
	_ =	sdelay $0x7  }
0x15: {  	[tilespmem:v2+s7+$0x0] =	vst.idx.add.f32.msk $0xffff, v1  }
0x16: {  	v2 =	vld [tilespmem:s10+$0x10];
	_ =	sdelay $0x7  }
0x17: {  	[tilespmem:v2+s7+$0x0] =	vst.idx.add.f32.msk $0xffff, v1  }
0x18: {  	v2 =	vld [tilespmem:s10+$0x20];
	_ =	sdelay $0x7  }
0x19: {  	[tilespmem:v2+s7+$0x0] =	vst.idx.add.f32.msk $0xffff, v1  }
0x1a: {  	v2 =	vld [tilespmem:s10+$0x30];
	_ =	sdelay $0x7  }
0x1b: {  	[tilespmem:v2+s7+$0x0] =	vst.idx.add.f32.msk $0xffff, v1  }
0x1c: {  	v2 =	vld [tilespmem:s10+$0x40];
	_ =	sdelay $0x7  }
0x1d: {  	[tilespmem:v2+s7+$0x0] =	vst.idx.add.f32.msk $0xffff, v1  }
0x1e: {  	v2 =	vld [tilespmem:s10+$0x50];
	_ =	sdelay $0x7  }
0x1f: {  	[tilespmem:v2+s7+$0x0] =	vst.idx.add.f32.msk $0xffff, v1  }
0x20: {  	v2 =	vld [tilespmem:s10+$0x60];
	_ =	sdelay $0x7  }
0x21: {  	[tilespmem:v2+s7+$0x0] =	vst.idx.add.f32.msk $0xffff, v1  }
0x22: {  	v2 =	vld [tilespmem:s10+$0x70];
	_ =	sdelay $0x2  }
0x23: {  	p0 =	sne.s32 s9, $0x9E00  }
.Ltmp1:
0x24: {  	_ = 	snop;
	(pc) =	sbr.rel @p0 .LBB2_4-.Ltmp1, $2  }
0x25: {  	_ =	sdelay $0x2  }
0x26: {  	s9 =	sadd.s32 $0x200, s9;
	[tilespmem:v2+s7+$0x0] =	vst.idx.add.f32.msk $0xffff, v1  }
0x27: {  	s8 =	sadd.s32 $0x1, s8  }
0x28: {  	p0 =	sne.s32 s8, s5  }
.Ltmp2:
0x29: {  	_ = 	snop;
	(pc) =	sbr.rel @p0 .LBB2_1-.Ltmp2, $4  }
0x2a: {  	[hbm4b:s4+s2] =	stream.linear.scatter [tilespmem:s7], [sflag:$0x1], $0x2800, $0x38;
	[tilespmem:$0x5000] =	vst v63  }
0x2b: {  	_ =	swait.ge [sflag:s6], $0x2800  }
0x2c: {  	[sflag:s6] =	ssyncset.done $0x0  }
0x2d: {  	[sflag:s6] =	ssyncadd.s32 $0xFFFFD800  }
0x2e: {  	_ =	sfence.sel $0x180000  }
0x2f: {  	[bflag:$0x0] =	sbarrier.arrive $0xFFFF  }
0x30: {  	p0 =	sne.s32 s1, $0x0;
	_ =	strace $0x90000047  }
0x31: {  	s0 =	sadd.s32 @!p0 $0x100000, s0;
	[bflag:$0x2] =	sbarrier.arrive $0xFFFF  }
0x32: {  	[sflag:s0] =	ssyncadd.tile.s32 @!p0 $0x1;
	_ =	shalt  }
.Lfunc_end2:
_tile_overlayer_lowered:
.L_overlay_start_2:
0x33: {  	(tag) =	ssettag $0x2  }
0x34: {  	s0 =	rddreg [dreg:$0x0];
	s2 =	stileid.u32  }
0x35: {  	s1 =	rddreg [dreg:$0x1];
	p0 =	sne.s32 s2, $0x0  }
0x36: {  	s3 =	rddreg [dreg:$0x2];
	[bflag:$0x3] =	sbarrier.arrive $0xFFFF;
	s2 =	simm.s32 @!p0 $0x1C01  }
0x37: {  	[timem:s3], [sflag:s2] =	dma.local @!p0 [hbm:s0], s1  }
0x38: {  	s0 =	simm.s32 @!p0 $0x1  }
0x39: {  	_ =	swait.ge @!p0 [sflag:s0], s1  }
0x3a: {  	s1 =	ssub.s32 @!p0 $0x0, s1;
	[sflag:s0] =	ssyncset.done @!p0 $0x0  }
0x3b: {  	[sflag:s0] =	ssyncadd.s32 @!p0 s1  }
0x3c: {  	[bflag:$0x3] =	sbarrier.arrive $0xFFFF  }
0x3d: {  	_ =	shalt  }

</sc_bundles>
